<compile_context>
chip_gen: v7x
topology: tpu7x:2x2x1
jax: 0.10.2.dev20260603
libtpu: 0.0.44.dev20260713+nightly
codegen_flags: <defaults>
</compile_context>

<pallas_src>
import functools

import jax
import jax.numpy as jnp
from jax import lax
from jax.experimental import pallas as pl
from jax.experimental.pallas import tpu as pltpu
from jax.experimental.pallas import tpu_sc as plsc

_N = 10000
_E = 320000
_K = 27
_C = 128
_EPS = 1e-5

_NS = 16
_CHUNK = 128
_CHUNKS_PER_TILE = -(-(-(-_E // (_NS * _CHUNK))) // 8) * 8
_EPT = _CHUNKS_PER_TILE * _CHUNK
_E_PAD = _EPT * _NS
_N_PAD = 10240
_RPT = _N_PAD // _NS


def _mm_body(x_ref, w_ref, lo_ref, hi_ref):
    y = jnp.dot(x_ref[...], w_ref[0], preferred_element_type=jnp.float32)
    lo_ref[0] = y[:, :_C]
    hi_ref[0] = y[:, _C:]


def _transform(x, w_cat, interpret=False):
    return pl.pallas_call(
        _mm_body,
        grid=(_K,),
        in_specs=[
            pl.BlockSpec((_N, _C), lambda k: (0, 0)),
            pl.BlockSpec((1, _C, 2 * _C), lambda k: (k, 0, 0)),
        ],
        out_specs=[
            pl.BlockSpec((1, _N, _C), lambda k: (k, 0, 0)),
            pl.BlockSpec((1, _N, _C), lambda k: (k, 0, 0)),
        ],
        out_shape=[jax.ShapeDtypeStruct((_K, _N, _C), jnp.float32)] * 2,
        interpret=interpret,
    )(x, w_cat)


def _gidx_body(s_ref, k_ref, o_ref):
    o_ref[...] = k_ref[...] * _N + s_ref[...]


def _gidx(src2, kid2):
    return pl.pallas_call(
        _gidx_body,
        out_shape=jax.ShapeDtypeStruct(src2.shape, jnp.int32),
    )(src2, kid2)


_SUP = 8
_NSUP = _CHUNKS_PER_TILE // _SUP


def _sc_body(gidx2, dst2, lo_tbl, hi_tbl, out_lo, out_hi,
             ie0, de0, ie1, de1, rows0, rows1,
             acc, esem0, esem1, gsem0, gsem1, ssem0, ssem1):
    cid = lax.axis_index("c")
    sid = lax.axis_index("s")
    base = sid * _CHUNKS_PER_TILE
    sets = [(ie0, de0, esem0), (ie1, de1, esem1)]
    rows = [rows0, rows1]
    gsem = [gsem0, gsem1]
    ssem = [ssem0, ssem1]

    def _zr(r, carry):
        def _zv(i, c):
            rows0[r, pl.ds(i * 16, 16)] = jnp.zeros((16,), jnp.float32)
            return c
        return lax.fori_loop(0, _C // 16, _zv, carry)
    lax.fori_loop(0, _CHUNK, _zr, 0)
    for t in range(_RPT // _CHUNK):
        pltpu.sync_copy(rows0, acc.at[pl.ds(sid * _RPT + t * _CHUNK, _CHUNK)])
    plsc.subcore_barrier()

    def _load_edges(b, st):
        row0 = base + b * _SUP
        pltpu.async_copy(gidx2.at[pl.ds(row0, _SUP)], st[0], st[2])
        pltpu.async_copy(dst2.at[pl.ds(row0, _SUP)], st[1], st[2])

    def _wait_edges(b, st):
        row0 = base + b * _SUP
        pltpu.make_async_copy(gidx2.at[pl.ds(row0, _SUP)], st[0], st[2]).wait()
        pltpu.make_async_copy(dst2.at[pl.ds(row0, _SUP)], st[1], st[2]).wait()

    def _run(tbl):
        def _issue_gather(ie, j, q):
            pltpu.async_copy(tbl.at[ie.at[j]], rows[q], gsem[q])

        def _wait_gather(ie, j, q):
            pltpu.make_async_copy(tbl.at[ie.at[j]], rows[q], gsem[q]).wait()

        def _issue_scatter(de, j, q):
            pltpu.async_copy(rows[q], acc.at[de.at[j]], ssem[q], add=True)

        def _drain_scatter(de, j, q):
            pltpu.make_async_copy(rows[q], acc.at[de.at[j]], ssem[q]).wait()

        _load_edges(0, sets[0])
        _wait_edges(0, sets[0])
        _issue_gather(sets[0][0], 0, 0)

        def _block(b, cur, nxt):
            for j in range(_SUP):
                q = j % 2
                g = b * _SUP + j

                @pl.when(g >= 1)
                def _():
                    _drain_scatter(cur[1], max(j - 1, 0), 1 - q)

                if j < _SUP - 1:
                    _issue_gather(cur[0], j + 1, 1 - q)
                else:
                    @pl.when(b + 1 < _NSUP)
                    def _():
                        _issue_gather(nxt[0], 0, 0)

                _wait_gather(cur[0], j, q)
                _issue_scatter(cur[1], j, q)

                if j == 0:
                    @pl.when(b + 1 < _NSUP)
                    def _():
                        _load_edges(b + 1, nxt)
                if j == 2:
                    @pl.when(b + 1 < _NSUP)
                    def _():
                        _wait_edges(b + 1, nxt)

        def _outer(t, carry):
            _block(2 * t, sets[0], sets[1])
            _block(2 * t + 1, sets[1], sets[0])
            return carry
        lax.fori_loop(0, _NSUP // 2, _outer, 0)
        _drain_scatter(sets[1][1], _SUP - 1, 1)

    @pl.when(cid == 0)
    def _():
        _run(lo_tbl)

    @pl.when(cid == 1)
    def _():
        _run(hi_tbl)

    plsc.subcore_barrier()

    @pl.when(cid == 0)
    def _():
        pltpu.sync_copy(acc.at[pl.ds(sid * _RPT, _RPT)],
                        out_lo.at[pl.ds(sid * _RPT, _RPT)])

    @pl.when(cid == 1)
    def _():
        pltpu.sync_copy(acc.at[pl.ds(sid * _RPT, _RPT)],
                        out_hi.at[pl.ds(sid * _RPT, _RPT)])


def _sc_conv(xk_lo, xk_hi, gidx2, dst2):
    f = pl.kernel(
        _sc_body,
        out_type=[jax.ShapeDtypeStruct((_N_PAD, _C), jnp.float32)] * 2,
        mesh=plsc.VectorSubcoreMesh(core_axis_name="c", subcore_axis_name="s"),
        scratch_types=(
            [pltpu.VMEM((_SUP, _CHUNK), jnp.int32)] * 4
            + [pltpu.VMEM((_CHUNK, _C), jnp.float32)] * 2
            + [pltpu.VMEM_SHARED((_N_PAD, _C), jnp.float32)]
            + [pltpu.SemaphoreType.DMA] * 6
        ),
    )
    return f(gidx2, dst2, xk_lo, xk_hi)


def _fuse_body(lo_ref, hi_ref, glo, blo, ghi, bhi, wlo, whi, gf, bf, out_ref):
    def bn_relu(f, g, b):
        m = jnp.mean(f, axis=0, keepdims=True)
        v = jnp.mean((f - m) ** 2, axis=0, keepdims=True)
        return jnp.maximum((f - m) / jnp.sqrt(v + _EPS) * g + b, 0.0)

    ms_lo = bn_relu(lo_ref[...], glo[...], blo[...])
    ms_hi = bn_relu(hi_ref[...], ghi[...], bhi[...])
    fused = (jnp.dot(ms_lo, wlo[...], preferred_element_type=jnp.float32)
             + jnp.dot(ms_hi, whi[...], preferred_element_type=jnp.float32))
    out_ref[...] = bn_relu(fused, gf[...], bf[...])


def _fuse(conv_lo, conv_hi, g_lo, b_lo, g_hi, b_hi, wf_lo, wf_hi, gf, bf,
          interpret=False):
    return pl.pallas_call(
        _fuse_body,
        out_shape=jax.ShapeDtypeStruct((_N, _C), jnp.float32),
        interpret=interpret,
    )(conv_lo, conv_hi, g_lo.reshape(1, -1), b_lo.reshape(1, -1),
      g_hi.reshape(1, -1), b_hi.reshape(1, -1), wf_lo, wf_hi,
      gf.reshape(1, -1), bf.reshape(1, -1))


def kernel(x, edge_index, kernel_ids, W_med, gamma_med, beta_med,
           W_small, gamma_small, beta_small, W_large, gamma_large,
           beta_large, W_fus, gamma_fus, beta_fus):
    w_cat = jnp.concatenate([W_med, W_small, W_large], axis=2)
    g_hi = jnp.concatenate([gamma_small, gamma_large])
    b_hi = jnp.concatenate([beta_small, beta_large])

    src = edge_index[0]
    dst = edge_index[1]
    pad = _E_PAD - _E
    src2 = jnp.concatenate(
        [src, jnp.zeros((pad,), jnp.int32)]).reshape(-1, _CHUNK)
    dst2 = jnp.concatenate(
        [dst, jnp.full((pad,), _N, jnp.int32)]).reshape(-1, _CHUNK)
    kid2 = jnp.concatenate(
        [kernel_ids, jnp.zeros((pad,), jnp.int32)]).reshape(-1, _CHUNK)

    xk_lo, xk_hi = _transform(x, w_cat)
    gidx2 = _gidx(src2, kid2)
    lo_full, hi_full = _sc_conv(xk_lo.reshape(_K * _N, _C),
                                xk_hi.reshape(_K * _N, _C),
                                gidx2, dst2)
    return _fuse(lo_full[:_N], hi_full[:_N], gamma_med, beta_med, g_hi, b_hi,
                 W_fus[:_C], W_fus[_C:], gamma_fus, beta_fus)

# --- scband reference (transcript-rebuilt; emitter-appended) ---
"""Pipeline reference for scband-semantic-branch-6992206758433 (READ-ONLY COPY).

The authoritative reference and input builder live on the scoring server;
editing this copy changes nothing except your own understanding.
"""

import jax, jax.numpy as jnp
import numpy as np

N = 10000
E = 320000
CIN = 128
COUT = 128
K = 27  # 3^3 kernel volume for MinkowskiConvolution(kernel_size=3, D=3)
EPS = 1e-5


def setup_inputs(seed: int = 0) -> dict:
    key = jax.random.key(seed)
    ks = jax.random.split(key, 16)
    x = jax.random.normal(ks[0], (N, CIN), dtype=jnp.float32)
    edge_index = jax.random.randint(ks[1], (2, E), 0, N, dtype=jnp.int32)
    kernel_ids = jax.random.randint(ks[2], (E,), 0, K, dtype=jnp.int32)
    s = 1.0 / np.sqrt(CIN * K)
    W_med = jax.random.normal(ks[3], (K, CIN, COUT), dtype=jnp.float32) * s
    W_small = jax.random.normal(ks[4], (K, CIN, COUT // 2), dtype=jnp.float32) * s
    W_large = jax.random.normal(ks[5], (K, CIN, COUT // 2), dtype=jnp.float32) * s
    gamma_med = jnp.ones((COUT,), jnp.float32)
    beta_med = jnp.zeros((COUT,), jnp.float32)
    gamma_small = jnp.ones((COUT // 2,), jnp.float32)
    beta_small = jnp.zeros((COUT // 2,), jnp.float32)
    gamma_large = jnp.ones((COUT // 2,), jnp.float32)
    beta_large = jnp.zeros((COUT // 2,), jnp.float32)
    W_fus = jax.random.normal(ks[6], (2 * COUT, COUT), dtype=jnp.float32) * (1.0 / np.sqrt(2 * COUT))
    gamma_fus = jnp.ones((COUT,), jnp.float32)
    beta_fus = jnp.zeros((COUT,), jnp.float32)
    return {
        "x": x, "edge_index": edge_index, "kernel_ids": kernel_ids,
        "W_med": W_med, "gamma_med": gamma_med, "beta_med": beta_med,
        "W_small": W_small, "gamma_small": gamma_small, "beta_small": beta_small,
        "W_large": W_large, "gamma_large": gamma_large, "beta_large": beta_large,
        "W_fus": W_fus, "gamma_fus": gamma_fus, "beta_fus": beta_fus,
    }


def _bn_relu(f, gamma, beta):
    # MinkowskiBatchNorm (training-mode batch stats over all active sites) + MinkowskiReLU
    m = jnp.mean(f, axis=0)
    v = jnp.var(f, axis=0)
    return jax.nn.relu((f - m) / jnp.sqrt(v + EPS) * gamma + beta)


def _sparse_conv(x, W, src, dst, kid, n):
    # Minkowski sparse conv as message passing: y[dst] += W[kernel_offset] @ x[src]
    # transform-first formulation: per-kernel matmul, then gather by (kid, src), scatter-add to dst
    xk = jnp.einsum('nc,kco->kno', x, W)          # [K, N, C_out]
    msgs = xk[kid, src]                            # [E, C_out] gather (memory-bound)
    out = jnp.zeros((n, W.shape[-1]), x.dtype).at[dst].add(msgs)  # scatter-add
    return out


def reference(x, edge_index, kernel_ids, W_med, gamma_med, beta_med,
              W_small, gamma_small, beta_small, W_large, gamma_large, beta_large,
              W_fus, gamma_fus, beta_fus):
    src = edge_index[0]
    dst = edge_index[1]
    n = x.shape[0]
    # multiscale branch: three dilated sparse convs (same neighbor map in this benchmark)
    medium_feat = _bn_relu(_sparse_conv(x, W_med, src, dst, kernel_ids, n), gamma_med, beta_med)
    small_feat = _bn_relu(_sparse_conv(x, W_small, src, dst, kernel_ids, n), gamma_small, beta_small)
    large_feat = _bn_relu(_sparse_conv(x, W_large, src, dst, kernel_ids, n), gamma_large, beta_large)
    multi_scale = jnp.concatenate([medium_feat, small_feat, large_feat], axis=1)  # [N, 2*COUT]
    # fusion: 1x1 sparse conv == dense matmul over active sites, then BN + ReLU
    fused = multi_scale @ W_fus
    return _bn_relu(fused, gamma_fus, beta_fus)

if __name__ == "__main__":
    import jax
    _d = setup_inputs()
    print(jax.jit(kernel)(*tuple(_d.values())))

</pallas_src>

<mosaic_0001>
#map = affine_map<(d0, d1) -> (0, 0)>
module attributes {stable_mosaic.version = 14 : i64} {
  func.func @_sc_body(%arg0: i32, %arg1: i32, %arg2: memref<2560x128xi32, #tpu.memory_space<hbm>>, %arg3: memref<2560x128xi32, #tpu.memory_space<hbm>>, %arg4: memref<270000x128xf32, #tpu.memory_space<hbm>>, %arg5: memref<270000x128xf32, #tpu.memory_space<hbm>>, %arg6: memref<10240x128xf32, #tpu.memory_space<hbm>>, %arg7: memref<10240x128xf32, #tpu.memory_space<hbm>>, %arg8: memref<8x128xi32, #tpu.memory_space<vmem>>, %arg9: memref<8x128xi32, #tpu.memory_space<vmem>>, %arg10: memref<8x128xi32, #tpu.memory_space<vmem>>, %arg11: memref<8x128xi32, #tpu.memory_space<vmem>>, %arg12: memref<128x128xf32, #tpu.memory_space<vmem>>, %arg13: memref<128x128xf32, #tpu.memory_space<vmem>>, %arg14: memref<10240x128xf32, #tpu.memory_space<vmem_shared>>, %arg15: memref<!tpu.dma_semaphore, #tpu.memory_space<semaphore_mem>>, %arg16: memref<!tpu.dma_semaphore, #tpu.memory_space<semaphore_mem>>, %arg17: memref<!tpu.dma_semaphore, #tpu.memory_space<semaphore_mem>>, %arg18: memref<!tpu.dma_semaphore, #tpu.memory_space<semaphore_mem>>, %arg19: memref<!tpu.dma_semaphore, #tpu.memory_space<semaphore_mem>>, %arg20: memref<!tpu.dma_semaphore, #tpu.memory_space<semaphore_mem>>) attributes {dimension_semantics = [#tpu.dimension_semantics<core_parallel>, #tpu.dimension_semantics<subcore_parallel>], iteration_bounds = array<i64: 2, 16>, scalar_prefetch = 0 : i64, scratch_operands = 13 : i64, tpu.core_type = #tpu.core_type<sc_vector_subcore>, window_params = [{transform_indices = #map}, {transform_indices = #map}, {transform_indices = #map}, {transform_indices = #map}, {transform_indices = #map}, {transform_indices = #map}]} {
    %mul3A = arith.constant 160 : i32
    %mul3A_0 = arith.muli %arg1, %mul3A : i32
    %scan3A = arith.constant 0 : i32
    %scan3A_1 = arith.constant 0 : i32
    %scan3A_2 = arith.constant 128 : i32
    %scan3A_3 = arith.addi %scan3A_1, %scan3A_2 : i32
    %scan3A_4 = arith.constant 1 : i32
    scf.for %scan3A_43 = %scan3A_1 to %scan3A_3 step %scan3A_4  : i32 {
      %scan3A_44 = arith.constant 0 : i32
      %scan3A_45 = arith.constant 8 : i32
      %scan3A_46 = arith.addi %scan3A_44, %scan3A_45 : i32
      %scan3A_47 = arith.constant 1 : i32
      scf.for %scan3A_49 = %scan3A_44 to %scan3A_46 step %scan3A_47  : i32 {
        %broadcast_in_dim3A = arith.constant 0.000000e+00 : f32
        %broadcast_in_dim3A_50 = vector.broadcast %broadcast_in_dim3A : f32 to vector<16xf32>
        %mul3A_51 = arith.constant 16 : i32
        %mul3A_52 = arith.muli %scan3A_49, %mul3A_51 : i32
        %swap3A = arith.index_cast %scan3A_43 : i32 to index
        %swap3A_53 = arith.index_cast %mul3A_52 : i32 to index
        %swap3A_54 = tpu.vector_load %arg12[%swap3A, %swap3A_53] {strides = array<i32>} : memref<128x128xf32, #tpu.memory_space<vmem>>, vector<1x16xf32>,
        %swap3A_55 = vector.shape_cast %swap3A_54 : vector<1x16xf32> to vector<16xf32>
        %swap3A_56 = vector.shape_cast %broadcast_in_dim3A_50 : vector<16xf32> to vector<1x16xf32>
        tpu.vector_store %arg12[%swap3A, %swap3A_53], %swap3A_56 {strides = array<i32>} : memref<128x128xf32, #tpu.memory_space<vmem>>, vector<1x16xf32>,
      }
      %scan3A_48 = arith.constant 8 : i32
    }
    %scan3A_5 = arith.constant 128 : i32
    %mul3A_6 = arith.constant 640 : i32
    %mul3A_7 = arith.muli %arg1, %mul3A_6 : i32
    %add3A = arith.constant 0 : i32
    %add3A_8 = arith.addi %mul3A_7, %add3A : i32
    "tpu.region"() ({
      %run_scoped3A = tpu.sem_alloc : memref<!tpu.dma_semaphore, #tpu.memory_space<semaphore_mem>>
      %dma_start3A = arith.constant 0 : i32
      %dma_start3A_43 = tpu.memref_slice %arg14[%add3A_8, %dma_start3A] : memref<10240x128xf32, #tpu.memory_space<vmem_shared>> -> memref<128x128xf32, #tpu.memory_space<vmem_shared>>
      %dma_start3A_44 = arith.constant 0 : i32
      %dma_start3A_45 = tpu.memref_slice %arg14[%add3A_8, %dma_start3A_44] : memref<10240x128xf32, #tpu.memory_space<vmem_shared>> -> memref<128x128xf32, #tpu.memory_space<vmem_shared>>
      tpu.enqueue_dma source(%arg12 : memref<128x128xf32, #tpu.memory_space<vmem>>) target(%dma_start3A_45 : memref<128x128xf32, #tpu.memory_space<vmem_shared>>) target_semaphore(%run_scoped3A : memref<!tpu.dma_semaphore, #tpu.memory_space<semaphore_mem>>)
      %dma_wait3A = arith.constant 0 : i32
      %dma_wait3A_46 = tpu.memref_slice %arg14[%add3A_8, %dma_wait3A] : memref<10240x128xf32, #tpu.memory_space<vmem_shared>> -> memref<128x128xf32, #tpu.memory_space<vmem_shared>>
      %dma_wait3A_47 = arith.constant 0 : i32
      %dma_wait3A_48 = tpu.memref_slice %arg14[%add3A_8, %dma_wait3A_47] : memref<10240x128xf32, #tpu.memory_space<vmem_shared>> -> memref<128x128xf32, #tpu.memory_space<vmem_shared>>
      tpu.wait_dma2 semaphore(%run_scoped3A : memref<!tpu.dma_semaphore, #tpu.memory_space<semaphore_mem>>) src(%arg12 : memref<128x128xf32, #tpu.memory_space<vmem>>) dst(%dma_wait3A_48 : memref<128x128xf32, #tpu.memory_space<vmem_shared>>)
      tpu.yield
    }) : () -> ()
    %mul3A_9 = arith.constant 640 : i32
    %mul3A_10 = arith.muli %arg1, %mul3A_9 : i32
    %add3A_11 = arith.constant 128 : i32
    %add3A_12 = arith.addi %mul3A_10, %add3A_11 : i32
    "tpu.region"() ({
      %run_scoped3A = tpu.sem_alloc : memref<!tpu.dma_semaphore, #tpu.memory_space<semaphore_mem>>
      %dma_start3A = arith.constant 0 : i32
      %dma_start3A_43 = tpu.memref_slice %arg14[%add3A_12, %dma_start3A] : memref<10240x128xf32, #tpu.memory_space<vmem_shared>> -> memref<128x128xf32, #tpu.memory_space<vmem_shared>>
      %dma_start3A_44 = arith.constant 0 : i32
      %dma_start3A_45 = tpu.memref_slice %arg14[%add3A_12, %dma_start3A_44] : memref<10240x128xf32, #tpu.memory_space<vmem_shared>> -> memref<128x128xf32, #tpu.memory_space<vmem_shared>>
      tpu.enqueue_dma source(%arg12 : memref<128x128xf32, #tpu.memory_space<vmem>>) target(%dma_start3A_45 : memref<128x128xf32, #tpu.memory_space<vmem_shared>>) target_semaphore(%run_scoped3A : memref<!tpu.dma_semaphore, #tpu.memory_space<semaphore_mem>>)
      %dma_wait3A = arith.constant 0 : i32
      %dma_wait3A_46 = tpu.memref_slice %arg14[%add3A_12, %dma_wait3A] : memref<10240x128xf32, #tpu.memory_space<vmem_shared>> -> memref<128x128xf32, #tpu.memory_space<vmem_shared>>
      %dma_wait3A_47 = arith.constant 0 : i32
      %dma_wait3A_48 = tpu.memref_slice %arg14[%add3A_12, %dma_wait3A_47] : memref<10240x128xf32, #tpu.memory_space<vmem_shared>> -> memref<128x128xf32, #tpu.memory_space<vmem_shared>>
      tpu.wait_dma2 semaphore(%run_scoped3A : memref<!tpu.dma_semaphore, #tpu.memory_space<semaphore_mem>>) src(%arg12 : memref<128x128xf32, #tpu.memory_space<vmem>>) dst(%dma_wait3A_48 : memref<128x128xf32, #tpu.memory_space<vmem_shared>>)
      tpu.yield
    }) : () -> ()
    %mul3A_13 = arith.constant 640 : i32
    %mul3A_14 = arith.muli %arg1, %mul3A_13 : i32
    %add3A_15 = arith.constant 256 : i32
    %add3A_16 = arith.addi %mul3A_14, %add3A_15 : i32
    "tpu.region"() ({
      %run_scoped3A = tpu.sem_alloc : memref<!tpu.dma_semaphore, #tpu.memory_space<semaphore_mem>>
      %dma_start3A = arith.constant 0 : i32
      %dma_start3A_43 = tpu.memref_slice %arg14[%add3A_16, %dma_start3A] : memref<10240x128xf32, #tpu.memory_space<vmem_shared>> -> memref<128x128xf32, #tpu.memory_space<vmem_shared>>
      %dma_start3A_44 = arith.constant 0 : i32
      %dma_start3A_45 = tpu.memref_slice %arg14[%add3A_16, %dma_start3A_44] : memref<10240x128xf32, #tpu.memory_space<vmem_shared>> -> memref<128x128xf32, #tpu.memory_space<vmem_shared>>
      tpu.enqueue_dma source(%arg12 : memref<128x128xf32, #tpu.memory_space<vmem>>) target(%dma_start3A_45 : memref<128x128xf32, #tpu.memory_space<vmem_shared>>) target_semaphore(%run_scoped3A : memref<!tpu.dma_semaphore, #tpu.memory_space<semaphore_mem>>)
      %dma_wait3A = arith.constant 0 : i32
      %dma_wait3A_46 = tpu.memref_slice %arg14[%add3A_16, %dma_wait3A] : memref<10240x128xf32, #tpu.memory_space<vmem_shared>> -> memref<128x128xf32, #tpu.memory_space<vmem_shared>>
      %dma_wait3A_47 = arith.constant 0 : i32
      %dma_wait3A_48 = tpu.memref_slice %arg14[%add3A_16, %dma_wait3A_47] : memref<10240x128xf32, #tpu.memory_space<vmem_shared>> -> memref<128x128xf32, #tpu.memory_space<vmem_shared>>
      tpu.wait_dma2 semaphore(%run_scoped3A : memref<!tpu.dma_semaphore, #tpu.memory_space<semaphore_mem>>) src(%arg12 : memref<128x128xf32, #tpu.memory_space<vmem>>) dst(%dma_wait3A_48 : memref<128x128xf32, #tpu.memory_space<vmem_shared>>)
      tpu.yield
    }) : () -> ()
    %mul3A_17 = arith.constant 640 : i32
    %mul3A_18 = arith.muli %arg1, %mul3A_17 : i32
    %add3A_19 = arith.constant 384 : i32
    %add3A_20 = arith.addi %mul3A_18, %add3A_19 : i32
    "tpu.region"() ({
      %run_scoped3A = tpu.sem_alloc : memref<!tpu.dma_semaphore, #tpu.memory_space<semaphore_mem>>
      %dma_start3A = arith.constant 0 : i32
      %dma_start3A_43 = tpu.memref_slice %arg14[%add3A_20, %dma_start3A] : memref<10240x128xf32, #tpu.memory_space<vmem_shared>> -> memref<128x128xf32, #tpu.memory_space<vmem_shared>>
      %dma_start3A_44 = arith.constant 0 : i32
      %dma_start3A_45 = tpu.memref_slice %arg14[%add3A_20, %dma_start3A_44] : memref<10240x128xf32, #tpu.memory_space<vmem_shared>> -> memref<128x128xf32, #tpu.memory_space<vmem_shared>>
      tpu.enqueue_dma source(%arg12 : memref<128x128xf32, #tpu.memory_space<vmem>>) target(%dma_start3A_45 : memref<128x128xf32, #tpu.memory_space<vmem_shared>>) target_semaphore(%run_scoped3A : memref<!tpu.dma_semaphore, #tpu.memory_space<semaphore_mem>>)
      %dma_wait3A = arith.constant 0 : i32
      %dma_wait3A_46 = tpu.memref_slice %arg14[%add3A_20, %dma_wait3A] : memref<10240x128xf32, #tpu.memory_space<vmem_shared>> -> memref<128x128xf32, #tpu.memory_space<vmem_shared>>
      %dma_wait3A_47 = arith.constant 0 : i32
      %dma_wait3A_48 = tpu.memref_slice %arg14[%add3A_20, %dma_wait3A_47] : memref<10240x128xf32, #tpu.memory_space<vmem_shared>> -> memref<128x128xf32, #tpu.memory_space<vmem_shared>>
      tpu.wait_dma2 semaphore(%run_scoped3A : memref<!tpu.dma_semaphore, #tpu.memory_space<semaphore_mem>>) src(%arg12 : memref<128x128xf32, #tpu.memory_space<vmem>>) dst(%dma_wait3A_48 : memref<128x128xf32, #tpu.memory_space<vmem_shared>>)
      tpu.yield
    }) : () -> ()
    %mul3A_21 = arith.constant 640 : i32
    %mul3A_22 = arith.muli %arg1, %mul3A_21 : i32
    %add3A_23 = arith.constant 512 : i32
    %add3A_24 = arith.addi %mul3A_22, %add3A_23 : i32
    "tpu.region"() ({
      %run_scoped3A = tpu.sem_alloc : memref<!tpu.dma_semaphore, #tpu.memory_space<semaphore_mem>>
      %dma_start3A = arith.constant 0 : i32
      %dma_start3A_43 = tpu.memref_slice %arg14[%add3A_24, %dma_start3A] : memref<10240x128xf32, #tpu.memory_space<vmem_shared>> -> memref<128x128xf32, #tpu.memory_space<vmem_shared>>
      %dma_start3A_44 = arith.constant 0 : i32
      %dma_start3A_45 = tpu.memref_slice %arg14[%add3A_24, %dma_start3A_44] : memref<10240x128xf32, #tpu.memory_space<vmem_shared>> -> memref<128x128xf32, #tpu.memory_space<vmem_shared>>
      tpu.enqueue_dma source(%arg12 : memref<128x128xf32, #tpu.memory_space<vmem>>) target(%dma_start3A_45 : memref<128x128xf32, #tpu.memory_space<vmem_shared>>) target_semaphore(%run_scoped3A : memref<!tpu.dma_semaphore, #tpu.memory_space<semaphore_mem>>)
      %dma_wait3A = arith.constant 0 : i32
      %dma_wait3A_46 = tpu.memref_slice %arg14[%add3A_24, %dma_wait3A] : memref<10240x128xf32, #tpu.memory_space<vmem_shared>> -> memref<128x128xf32, #tpu.memory_space<vmem_shared>>
      %dma_wait3A_47 = arith.constant 0 : i32
      %dma_wait3A_48 = tpu.memref_slice %arg14[%add3A_24, %dma_wait3A_47] : memref<10240x128xf32, #tpu.memory_space<vmem_shared>> -> memref<128x128xf32, #tpu.memory_space<vmem_shared>>
      tpu.wait_dma2 semaphore(%run_scoped3A : memref<!tpu.dma_semaphore, #tpu.memory_space<semaphore_mem>>) src(%arg12 : memref<128x128xf32, #tpu.memory_space<vmem>>) dst(%dma_wait3A_48 : memref<128x128xf32, #tpu.memory_space<vmem_shared>>)
      tpu.yield
    }) : () -> ()
    %barrier3A = arith.constant 0 : index
    tpu.barrier barrier_id(%barrier3A)
    %eq3A = arith.constant 0 : i32
    %eq3A_25 = arith.cmpi eq, %arg0, %eq3A : i32
    %convert_element_type3A = arith.extui %eq3A_25 : i1 to i32
    %cond3A = arith.constant 0 : i32
    %cond3A_26 = arith.cmpi ne, %convert_element_type3A, %cond3A : i32
    scf.if %cond3A_26 {
      %add3A_43 = arith.constant 0 : i32
      %add3A_44 = arith.addi %mul3A_0, %add3A_43 : i32
      %dma_start3A = arith.constant 0 : i32
      %dma_start3A_45 = tpu.memref_slice %arg2[%add3A_44, %dma_start3A] : memref<2560x128xi32, #tpu.memory_space<hbm>> -> memref<8x128xi32, #tpu.memory_space<hbm>>
      %dma_start3A_46 = arith.constant 0 : i32
      %dma_start3A_47 = tpu.memref_slice %arg2[%add3A_44, %dma_start3A_46] : memref<2560x128xi32, #tpu.memory_space<hbm>> -> memref<8x128xi32, #tpu.memory_space<hbm>>
      tpu.enqueue_dma source(%dma_start3A_47 : memref<8x128xi32, #tpu.memory_space<hbm>>) target(%arg8 : memref<8x128xi32, #tpu.memory_space<vmem>>) target_semaphore(%arg15 : memref<!tpu.dma_semaphore, #tpu.memory_space<semaphore_mem>>)
      %dma_start3A_48 = arith.constant 0 : i32
      %dma_start3A_49 = tpu.memref_slice %arg3[%add3A_44, %dma_start3A_48] : memref<2560x128xi32, #tpu.memory_space<hbm>> -> memref<8x128xi32, #tpu.memory_space<hbm>>
      %dma_start3A_50 = arith.constant 0 : i32
      %dma_start3A_51 = tpu.memref_slice %arg3[%add3A_44, %dma_start3A_50] : memref<2560x128xi32, #tpu.memory_space<hbm>> -> memref<8x128xi32, #tpu.memory_space<hbm>>
      tpu.enqueue_dma source(%dma_start3A_51 : memref<8x128xi32, #tpu.memory_space<hbm>>) target(%arg9 : memref<8x128xi32, #tpu.memory_space<vmem>>) target_semaphore(%arg15 : memref<!tpu.dma_semaphore, #tpu.memory_space<semaphore_mem>>)
      %add3A_52 = arith.constant 0 : i32
      %add3A_53 = arith.addi %mul3A_0, %add3A_52 : i32
      %dma_wait3A = arith.constant 0 : i32
      %dma_wait3A_54 = tpu.memref_slice %arg2[%add3A_53, %dma_wait3A] : memref<2560x128xi32, #tpu.memory_space<hbm>> -> memref<8x128xi32, #tpu.memory_space<hbm>>
      %dma_wait3A_55 = arith.constant 0 : i32
      %dma_wait3A_56 = tpu.memref_slice %arg2[%add3A_53, %dma_wait3A_55] : memref<2560x128xi32, #tpu.memory_space<hbm>> -> memref<8x128xi32, #tpu.memory_space<hbm>>
      tpu.wait_dma2 semaphore(%arg15 : memref<!tpu.dma_semaphore, #tpu.memory_space<semaphore_mem>>) src(%dma_wait3A_56 : memref<8x128xi32, #tpu.memory_space<hbm>>) dst(%arg8 : memref<8x128xi32, #tpu.memory_space<vmem>>)
      %dma_wait3A_57 = arith.constant 0 : i32
      %dma_wait3A_58 = tpu.memref_slice %arg3[%add3A_53, %dma_wait3A_57] : memref<2560x128xi32, #tpu.memory_space<hbm>> -> memref<8x128xi32, #tpu.memory_space<hbm>>
      %dma_wait3A_59 = arith.constant 0 : i32
      %dma_wait3A_60 = tpu.memref_slice %arg3[%add3A_53, %dma_wait3A_59] : memref<2560x128xi32, #tpu.memory_space<hbm>> -> memref<8x128xi32, #tpu.memory_space<hbm>>
      tpu.wait_dma2 semaphore(%arg15 : memref<!tpu.dma_semaphore, #tpu.memory_space<semaphore_mem>>) src(%dma_wait3A_60 : memref<8x128xi32, #tpu.memory_space<hbm>>) dst(%arg9 : memref<8x128xi32, #tpu.memory_space<vmem>>)
      %dma_start3A_61 = arith.constant 0 : i32
      %dma_start3A_62 = arith.constant 0 : i32
      %dma_start3A_63 = tpu.memref_slice %arg8[%dma_start3A_61, %dma_start3A_62] : memref<8x128xi32, #tpu.memory_space<vmem>> -> memref<1x128xi32, #tpu.memory_space<vmem>>
      %dma_start3A_64 = tpu.memref_squeeze %dma_start3A_63 : memref<1x128xi32, #tpu.memory_space<vmem>> -> memref<128xi32, #tpu.memory_space<vmem>>
      %dma_start3A_65 = arith.constant 0 : i32
      %dma_start3A_66 = arith.constant 0 : i32
      %dma_start3A_67 = tpu.memref_slice %arg4[%dma_start3A_65, %dma_start3A_66] : memref<270000x128xf32, #tpu.memory_space<hbm>> -> memref<270000x128xf32, #tpu.memory_space<hbm>>
      tpu.enqueue_indirect_dma source(%dma_start3A_67 : memref<270000x128xf32, #tpu.memory_space<hbm>>) target(%arg12 : memref<128x128xf32, #tpu.memory_space<vmem>>) offsets(%dma_start3A_64 : memref<128xi32, #tpu.memory_space<vmem>>) semaphore(%arg17 : memref<!tpu.dma_semaphore, #tpu.memory_space<semaphore_mem>>)
      %scan3A_68 = arith.constant 0 : i32
      %scan3A_69 = arith.constant 0 : i32
      %scan3A_70 = arith.constant 10 : i32
      %scan3A_71 = arith.addi %scan3A_69, %scan3A_70 : i32
      %scan3A_72 = arith.constant 1 : i32
      scf.for %scan3A_81 = %scan3A_69 to %scan3A_71 step %scan3A_72  : i32 {
        %mul3A_82 = arith.constant 2 : i32
        %mul3A_83 = arith.muli %mul3A_82, %scan3A_81 : i32
        %mul3A_84 = arith.constant 8 : i32
        %mul3A_85 = arith.muli %mul3A_83, %mul3A_84 : i32
        %add3A_86 = arith.constant 0 : i32
        %add3A_87 = arith.addi %mul3A_85, %add3A_86 : i32
        %ge3A = arith.constant 1 : i32
        %ge3A_88 = arith.cmpi sge, %add3A_87, %ge3A : i32
        %convert_element_type3A_89 = arith.extui %ge3A_88 : i1 to i32
        %cond3A_90 = arith.constant 0 : i32
        %cond3A_91 = arith.cmpi ne, %convert_element_type3A_89, %cond3A_90 : i32
        scf.if %cond3A_91 {
          %dma_wait3A_594 = arith.constant 0 : i32
          %dma_wait3A_595 = arith.constant 0 : i32
          %dma_wait3A_596 = tpu.memref_slice %arg9[%dma_wait3A_594, %dma_wait3A_595] : memref<8x128xi32, #tpu.memory_space<vmem>> -> memref<1x128xi32, #tpu.memory_space<vmem>>
          %dma_wait3A_597 = tpu.memref_squeeze %dma_wait3A_596 : memref<1x128xi32, #tpu.memory_space<vmem>> -> memref<128xi32, #tpu.memory_space<vmem>>
          %dma_wait3A_598 = arith.constant 0 : i32
          %dma_wait3A_599 = arith.constant 0 : i32
          %dma_wait3A_600 = tpu.memref_slice %arg14[%dma_wait3A_598, %dma_wait3A_599] : memref<10240x128xf32, #tpu.memory_space<vmem_shared>> -> memref<10240x128xf32, #tpu.memory_space<vmem_shared>>
          tpu.wait_indirect_dma semaphore(%arg20 : memref<!tpu.dma_semaphore, #tpu.memory_space<semaphore_mem>>) src(%arg13 : memref<128x128xf32, #tpu.memory_space<vmem>>) dst(%dma_wait3A_600 : memref<10240x128xf32, #tpu.memory_space<vmem_shared>>)
        } else {
        }
        %dma_start3A_92 = arith.constant 1 : i32
        %dma_start3A_93 = arith.constant 0 : i32
        %dma_start3A_94 = tpu.memref_slice %arg8[%dma_start3A_92, %dma_start3A_93] : memref<8x128xi32, #tpu.memory_space<vmem>> -> memref<1x128xi32, #tpu.memory_space<vmem>>
        %dma_start3A_95 = tpu.memref_squeeze %dma_start3A_94 : memref<1x128xi32, #tpu.memory_space<vmem>> -> memref<128xi32, #tpu.memory_space<vmem>>
        %dma_start3A_96 = arith.constant 0 : i32
        %dma_start3A_97 = arith.constant 0 : i32
        %dma_start3A_98 = tpu.memref_slice %arg4[%dma_start3A_96, %dma_start3A_97] : memref<270000x128xf32, #tpu.memory_space<hbm>> -> memref<270000x128xf32, #tpu.memory_space<hbm>>
        tpu.enqueue_indirect_dma source(%dma_start3A_98 : memref<270000x128xf32, #tpu.memory_space<hbm>>) target(%arg13 : memref<128x128xf32, #tpu.memory_space<vmem>>) offsets(%dma_start3A_95 : memref<128xi32, #tpu.memory_space<vmem>>) semaphore(%arg18 : memref<!tpu.dma_semaphore, #tpu.memory_space<semaphore_mem>>)
        %dma_wait3A_99 = arith.constant 0 : i32
        %dma_wait3A_100 = arith.constant 0 : i32
        %dma_wait3A_101 = tpu.memref_slice %arg8[%dma_wait3A_99, %dma_wait3A_100] : memref<8x128xi32, #tpu.memory_space<vmem>> -> memref<1x128xi32, #tpu.memory_space<vmem>>
        %dma_wait3A_102 = tpu.memref_squeeze %dma_wait3A_101 : memref<1x128xi32, #tpu.memory_space<vmem>> -> memref<128xi32, #tpu.memory_space<vmem>>
        %dma_wait3A_103 = arith.constant 0 : i32
        %dma_wait3A_104 = arith.constant 0 : i32
        %dma_wait3A_105 = tpu.memref_slice %arg4[%dma_wait3A_103, %dma_wait3A_104] : memref<270000x128xf32, #tpu.memory_space<hbm>> -> memref<270000x128xf32, #tpu.memory_space<hbm>>
        tpu.wait_indirect_dma semaphore(%arg17 : memref<!tpu.dma_semaphore, #tpu.memory_space<semaphore_mem>>) src(%dma_wait3A_105 : memref<270000x128xf32, #tpu.memory_space<hbm>>) dst(%arg12 : memref<128x128xf32, #tpu.memory_space<vmem>>)
        %dma_start3A_106 = arith.constant 0 : i32
        %dma_start3A_107 = arith.constant 0 : i32
        %dma_start3A_108 = tpu.memref_slice %arg9[%dma_start3A_106, %dma_start3A_107] : memref<8x128xi32, #tpu.memory_space<vmem>> -> memref<1x128xi32, #tpu.memory_space<vmem>>
        %dma_start3A_109 = tpu.memref_squeeze %dma_start3A_108 : memref<1x128xi32, #tpu.memory_space<vmem>> -> memref<128xi32, #tpu.memory_space<vmem>>
        %dma_start3A_110 = arith.constant 0 : i32
        %dma_start3A_111 = arith.constant 0 : i32
        %dma_start3A_112 = tpu.memref_slice %arg14[%dma_start3A_110, %dma_start3A_111] : memref<10240x128xf32, #tpu.memory_space<vmem_shared>> -> memref<10240x128xf32, #tpu.memory_space<vmem_shared>>
        tpu.enqueue_indirect_dma source(%arg12 : memref<128x128xf32, #tpu.memory_space<vmem>>) target(%dma_start3A_112 : memref<10240x128xf32, #tpu.memory_space<vmem_shared>>) offsets(%dma_start3A_109 : memref<128xi32, #tpu.memory_space<vmem>>) semaphore(%arg19 : memref<!tpu.dma_semaphore, #tpu.memory_space<semaphore_mem>>) {add = true}
        %add3A_113 = arith.constant 1 : i32
        %add3A_114 = arith.addi %mul3A_83, %add3A_113 : i32
        %lt3A = arith.constant 20 : i32
        %lt3A_115 = arith.cmpi slt, %add3A_114, %lt3A : i32
        %convert_element_type3A_116 = arith.extui %lt3A_115 : i1 to i32
        %cond3A_117 = arith.constant 0 : i32
        %cond3A_118 = arith.cmpi ne, %convert_element_type3A_116, %cond3A_117 : i32
        scf.if %cond3A_118 {
          %add3A_594 = arith.constant 1 : i32
          %add3A_595 = arith.addi %mul3A_83, %add3A_594 : i32
          %mul3A_596 = arith.constant 8 : i32
          %mul3A_597 = arith.muli %add3A_595, %mul3A_596 : i32
          %add3A_598 = arith.addi %mul3A_0, %mul3A_597 : i32
          %dma_start3A_599 = arith.constant 0 : i32
          %dma_start3A_600 = tpu.memref_slice %arg2[%add3A_598, %dma_start3A_599] : memref<2560x128xi32, #tpu.memory_space<hbm>> -> memref<8x128xi32, #tpu.memory_space<hbm>>
          %dma_start3A_601 = arith.constant 0 : i32
          %dma_start3A_602 = tpu.memref_slice %arg2[%add3A_598, %dma_start3A_601] : memref<2560x128xi32, #tpu.memory_space<hbm>> -> memref<8x128xi32, #tpu.memory_space<hbm>>
          tpu.enqueue_dma source(%dma_start3A_602 : memref<8x128xi32, #tpu.memory_space<hbm>>) target(%arg10 : memref<8x128xi32, #tpu.memory_space<vmem>>) target_semaphore(%arg16 : memref<!tpu.dma_semaphore, #tpu.memory_space<semaphore_mem>>)
          %dma_start3A_603 = arith.constant 0 : i32
          %dma_start3A_604 = tpu.memref_slice %arg3[%add3A_598, %dma_start3A_603] : memref<2560x128xi32, #tpu.memory_space<hbm>> -> memref<8x128xi32, #tpu.memory_space<hbm>>
          %dma_start3A_605 = arith.constant 0 : i32
          %dma_start3A_606 = tpu.memref_slice %arg3[%add3A_598, %dma_start3A_605] : memref<2560x128xi32, #tpu.memory_space<hbm>> -> memref<8x128xi32, #tpu.memory_space<hbm>>
          tpu.enqueue_dma source(%dma_start3A_606 : memref<8x128xi32, #tpu.memory_space<hbm>>) target(%arg11 : memref<8x128xi32, #tpu.memory_space<vmem>>) target_semaphore(%arg16 : memref<!tpu.dma_semaphore, #tpu.memory_space<semaphore_mem>>)
        } else {
        }
        %mul3A_119 = arith.constant 8 : i32
        %mul3A_120 = arith.muli %mul3A_83, %mul3A_119 : i32
        %add3A_121 = arith.constant 1 : i32
        %add3A_122 = arith.addi %mul3A_120, %add3A_121 : i32
        %ge3A_123 = arith.constant 1 : i32
        %ge3A_124 = arith.cmpi sge, %add3A_122, %ge3A_123 : i32
        %convert_element_type3A_125 = arith.extui %ge3A_124 : i1 to i32
        %cond3A_126 = arith.constant 0 : i32
        %cond3A_127 = arith.cmpi ne, %convert_element_type3A_125, %cond3A_126 : i32
        scf.if %cond3A_127 {
          %dma_wait3A_594 = arith.constant 0 : i32
          %dma_wait3A_595 = arith.constant 0 : i32
          %dma_wait3A_596 = tpu.memref_slice %arg9[%dma_wait3A_594, %dma_wait3A_595] : memref<8x128xi32, #tpu.memory_space<vmem>> -> memref<1x128xi32, #tpu.memory_space<vmem>>
          %dma_wait3A_597 = tpu.memref_squeeze %dma_wait3A_596 : memref<1x128xi32, #tpu.memory_space<vmem>> -> memref<128xi32, #tpu.memory_space<vmem>>
          %dma_wait3A_598 = arith.constant 0 : i32
          %dma_wait3A_599 = arith.constant 0 : i32
          %dma_wait3A_600 = tpu.memref_slice %arg14[%dma_wait3A_598, %dma_wait3A_599] : memref<10240x128xf32, #tpu.memory_space<vmem_shared>> -> memref<10240x128xf32, #tpu.memory_space<vmem_shared>>
          tpu.wait_indirect_dma semaphore(%arg19 : memref<!tpu.dma_semaphore, #tpu.memory_space<semaphore_mem>>) src(%arg12 : memref<128x128xf32, #tpu.memory_space<vmem>>) dst(%dma_wait3A_600 : memref<10240x128xf32, #tpu.memory_space<vmem_shared>>)
        } else {
        }
        %dma_start3A_128 = arith.constant 2 : i32
        %dma_start3A_129 = arith.constant 0 : i32
        %dma_start3A_130 = tpu.memref_slice %arg8[%dma_start3A_128, %dma_start3A_129] : memref<8x128xi32, #tpu.memory_space<vmem>> -> memref<1x128xi32, #tpu.memory_space<vmem>>
        %dma_start3A_131 = tpu.memref_squeeze %dma_start3A_130 : memref<1x128xi32, #tpu.memory_space<vmem>> -> memref<128xi32, #tpu.memory_space<vmem>>
        %dma_start3A_132 = arith.constant 0 : i32
        %dma_start3A_133 = arith.constant 0 : i32
        %dma_start3A_134 = tpu.memref_slice %arg4[%dma_start3A_132, %dma_start3A_133] : memref<270000x128xf32, #tpu.memory_space<hbm>> -> memref<270000x128xf32, #tpu.memory_space<hbm>>
        tpu.enqueue_indirect_dma source(%dma_start3A_134 : memref<270000x128xf32, #tpu.memory_space<hbm>>) target(%arg12 : memref<128x128xf32, #tpu.memory_space<vmem>>) offsets(%dma_start3A_131 : memref<128xi32, #tpu.memory_space<vmem>>) semaphore(%arg17 : memref<!tpu.dma_semaphore, #tpu.memory_space<semaphore_mem>>)
        %dma_wait3A_135 = arith.constant 1 : i32
        %dma_wait3A_136 = arith.constant 0 : i32
        %dma_wait3A_137 = tpu.memref_slice %arg8[%dma_wait3A_135, %dma_wait3A_136] : memref<8x128xi32, #tpu.memory_space<vmem>> -> memref<1x128xi32, #tpu.memory_space<vmem>>
        %dma_wait3A_138 = tpu.memref_squeeze %dma_wait3A_137 : memref<1x128xi32, #tpu.memory_space<vmem>> -> memref<128xi32, #tpu.memory_space<vmem>>
        %dma_wait3A_139 = arith.constant 0 : i32
        %dma_wait3A_140 = arith.constant 0 : i32
        %dma_wait3A_141 = tpu.memref_slice %arg4[%dma_wait3A_139, %dma_wait3A_140] : memref<270000x128xf32, #tpu.memory_space<hbm>> -> memref<270000x128xf32, #tpu.memory_space<hbm>>
        tpu.wait_indirect_dma semaphore(%arg18 : memref<!tpu.dma_semaphore, #tpu.memory_space<semaphore_mem>>) src(%dma_wait3A_141 : memref<270000x128xf32, #tpu.memory_space<hbm>>) dst(%arg13 : memref<128x128xf32, #tpu.memory_space<vmem>>)
        %dma_start3A_142 = arith.constant 1 : i32
        %dma_start3A_143 = arith.constant 0 : i32
        %dma_start3A_144 = tpu.memref_slice %arg9[%dma_start3A_142, %dma_start3A_143] : memref<8x128xi32, #tpu.memory_space<vmem>> -> memref<1x128xi32, #tpu.memory_space<vmem>>
        %dma_start3A_145 = tpu.memref_squeeze %dma_start3A_144 : memref<1x128xi32, #tpu.memory_space<vmem>> -> memref<128xi32, #tpu.memory_space<vmem>>
        %dma_start3A_146 = arith.constant 0 : i32
        %dma_start3A_147 = arith.constant 0 : i32
        %dma_start3A_148 = tpu.memref_slice %arg14[%dma_start3A_146, %dma_start3A_147] : memref<10240x128xf32, #tpu.memory_space<vmem_shared>> -> memref<10240x128xf32, #tpu.memory_space<vmem_shared>>
        tpu.enqueue_indirect_dma source(%arg13 : memref<128x128xf32, #tpu.memory_space<vmem>>) target(%dma_start3A_148 : memref<10240x128xf32, #tpu.memory_space<vmem_shared>>) offsets(%dma_start3A_145 : memref<128xi32, #tpu.memory_space<vmem>>) semaphore(%arg20 : memref<!tpu.dma_semaphore, #tpu.memory_space<semaphore_mem>>) {add = true}
        %mul3A_149 = arith.constant 8 : i32
        %mul3A_150 = arith.muli %mul3A_83, %mul3A_149 : i32
        %add3A_151 = arith.constant 2 : i32
        %add3A_152 = arith.addi %mul3A_150, %add3A_151 : i32
        %ge3A_153 = arith.constant 1 : i32
        %ge3A_154 = arith.cmpi sge, %add3A_152, %ge3A_153 : i32
        %convert_element_type3A_155 = arith.extui %ge3A_154 : i1 to i32
        %cond3A_156 = arith.constant 0 : i32
        %cond3A_157 = arith.cmpi ne, %convert_element_type3A_155, %cond3A_156 : i32
        scf.if %cond3A_157 {
          %dma_wait3A_594 = arith.constant 1 : i32
          %dma_wait3A_595 = arith.constant 0 : i32
          %dma_wait3A_596 = tpu.memref_slice %arg9[%dma_wait3A_594, %dma_wait3A_595] : memref<8x128xi32, #tpu.memory_space<vmem>> -> memref<1x128xi32, #tpu.memory_space<vmem>>
          %dma_wait3A_597 = tpu.memref_squeeze %dma_wait3A_596 : memref<1x128xi32, #tpu.memory_space<vmem>> -> memref<128xi32, #tpu.memory_space<vmem>>
          %dma_wait3A_598 = arith.constant 0 : i32
          %dma_wait3A_599 = arith.constant 0 : i32
          %dma_wait3A_600 = tpu.memref_slice %arg14[%dma_wait3A_598, %dma_wait3A_599] : memref<10240x128xf32, #tpu.memory_space<vmem_shared>> -> memref<10240x128xf32, #tpu.memory_space<vmem_shared>>
          tpu.wait_indirect_dma semaphore(%arg20 : memref<!tpu.dma_semaphore, #tpu.memory_space<semaphore_mem>>) src(%arg13 : memref<128x128xf32, #tpu.memory_space<vmem>>) dst(%dma_wait3A_600 : memref<10240x128xf32, #tpu.memory_space<vmem_shared>>)
        } else {
        }
        %dma_start3A_158 = arith.constant 3 : i32
        %dma_start3A_159 = arith.constant 0 : i32
        %dma_start3A_160 = tpu.memref_slice %arg8[%dma_start3A_158, %dma_start3A_159] : memref<8x128xi32, #tpu.memory_space<vmem>> -> memref<1x128xi32, #tpu.memory_space<vmem>>
        %dma_start3A_161 = tpu.memref_squeeze %dma_start3A_160 : memref<1x128xi32, #tpu.memory_space<vmem>> -> memref<128xi32, #tpu.memory_space<vmem>>
        %dma_start3A_162 = arith.constant 0 : i32
        %dma_start3A_163 = arith.constant 0 : i32
        %dma_start3A_164 = tpu.memref_slice %arg4[%dma_start3A_162, %dma_start3A_163] : memref<270000x128xf32, #tpu.memory_space<hbm>> -> memref<270000x128xf32, #tpu.memory_space<hbm>>
        tpu.enqueue_indirect_dma source(%dma_start3A_164 : memref<270000x128xf32, #tpu.memory_space<hbm>>) target(%arg13 : memref<128x128xf32, #tpu.memory_space<vmem>>) offsets(%dma_start3A_161 : memref<128xi32, #tpu.memory_space<vmem>>) semaphore(%arg18 : memref<!tpu.dma_semaphore, #tpu.memory_space<semaphore_mem>>)
        %dma_wait3A_165 = arith.constant 2 : i32
        %dma_wait3A_166 = arith.constant 0 : i32
        %dma_wait3A_167 = tpu.memref_slice %arg8[%dma_wait3A_165, %dma_wait3A_166] : memref<8x128xi32, #tpu.memory_space<vmem>> -> memref<1x128xi32, #tpu.memory_space<vmem>>
        %dma_wait3A_168 = tpu.memref_squeeze %dma_wait3A_167 : memref<1x128xi32, #tpu.memory_space<vmem>> -> memref<128xi32, #tpu.memory_space<vmem>>
        %dma_wait3A_169 = arith.constant 0 : i32
        %dma_wait3A_170 = arith.constant 0 : i32
        %dma_wait3A_171 = tpu.memref_slice %arg4[%dma_wait3A_169, %dma_wait3A_170] : memref<270000x128xf32, #tpu.memory_space<hbm>> -> memref<270000x128xf32, #tpu.memory_space<hbm>>
        tpu.wait_indirect_dma semaphore(%arg17 : memref<!tpu.dma_semaphore, #tpu.memory_space<semaphore_mem>>) src(%dma_wait3A_171 : memref<270000x128xf32, #tpu.memory_space<hbm>>) dst(%arg12 : memref<128x128xf32, #tpu.memory_space<vmem>>)
        %dma_start3A_172 = arith.constant 2 : i32
        %dma_start3A_173 = arith.constant 0 : i32
        %dma_start3A_174 = tpu.memref_slice %arg9[%dma_start3A_172, %dma_start3A_173] : memref<8x128xi32, #tpu.memory_space<vmem>> -> memref<1x128xi32, #tpu.memory_space<vmem>>
        %dma_start3A_175 = tpu.memref_squeeze %dma_start3A_174 : memref<1x128xi32, #tpu.memory_space<vmem>> -> memref<128xi32, #tpu.memory_space<vmem>>
        %dma_start3A_176 = arith.constant 0 : i32
        %dma_start3A_177 = arith.constant 0 : i32
        %dma_start3A_178 = tpu.memref_slice %arg14[%dma_start3A_176, %dma_start3A_177] : memref<10240x128xf32, #tpu.memory_space<vmem_shared>> -> memref<10240x128xf32, #tpu.memory_space<vmem_shared>>
        tpu.enqueue_indirect_dma source(%arg12 : memref<128x128xf32, #tpu.memory_space<vmem>>) target(%dma_start3A_178 : memref<10240x128xf32, #tpu.memory_space<vmem_shared>>) offsets(%dma_start3A_175 : memref<128xi32, #tpu.memory_space<vmem>>) semaphore(%arg19 : memref<!tpu.dma_semaphore, #tpu.memory_space<semaphore_mem>>) {add = true}
        %add3A_179 = arith.constant 1 : i32
        %add3A_180 = arith.addi %mul3A_83, %add3A_179 : i32
        %lt3A_181 = arith.constant 20 : i32
        %lt3A_182 = arith.cmpi slt, %add3A_180, %lt3A_181 : i32
        %convert_element_type3A_183 = arith.extui %lt3A_182 : i1 to i32
        %cond3A_184 = arith.constant 0 : i32
        %cond3A_185 = arith.cmpi ne, %convert_element_type3A_183, %cond3A_184 : i32
        scf.if %cond3A_185 {
          %add3A_594 = arith.constant 1 : i32
          %add3A_595 = arith.addi %mul3A_83, %add3A_594 : i32
          %mul3A_596 = arith.constant 8 : i32
          %mul3A_597 = arith.muli %add3A_595, %mul3A_596 : i32
          %add3A_598 = arith.addi %mul3A_0, %mul3A_597 : i32
          %dma_wait3A_599 = arith.constant 0 : i32
          %dma_wait3A_600 = tpu.memref_slice %arg2[%add3A_598, %dma_wait3A_599] : memref<2560x128xi32, #tpu.memory_space<hbm>> -> memref<8x128xi32, #tpu.memory_space<hbm>>
          %dma_wait3A_601 = arith.constant 0 : i32
          %dma_wait3A_602 = tpu.memref_slice %arg2[%add3A_598, %dma_wait3A_601] : memref<2560x128xi32, #tpu.memory_space<hbm>> -> memref<8x128xi32, #tpu.memory_space<hbm>>
          tpu.wait_dma2 semaphore(%arg16 : memref<!tpu.dma_semaphore, #tpu.memory_space<semaphore_mem>>) src(%dma_wait3A_602 : memref<8x128xi32, #tpu.memory_space<hbm>>) dst(%arg10 : memref<8x128xi32, #tpu.memory_space<vmem>>)
          %dma_wait3A_603 = arith.constant 0 : i32
          %dma_wait3A_604 = tpu.memref_slice %arg3[%add3A_598, %dma_wait3A_603] : memref<2560x128xi32, #tpu.memory_space<hbm>> -> memref<8x128xi32, #tpu.memory_space<hbm>>
          %dma_wait3A_605 = arith.constant 0 : i32
          %dma_wait3A_606 = tpu.memref_slice %arg3[%add3A_598, %dma_wait3A_605] : memref<2560x128xi32, #tpu.memory_space<hbm>> -> memref<8x128xi32, #tpu.memory_space<hbm>>
          tpu.wait_dma2 semaphore(%arg16 : memref<!tpu.dma_semaphore, #tpu.memory_space<semaphore_mem>>) src(%dma_wait3A_606 : memref<8x128xi32, #tpu.memory_space<hbm>>) dst(%arg11 : memref<8x128xi32, #tpu.memory_space<vmem>>)
        } else {
        }
        %mul3A_186 = arith.constant 8 : i32
        %mul3A_187 = arith.muli %mul3A_83, %mul3A_186 : i32
        %add3A_188 = arith.constant 3 : i32
        %add3A_189 = arith.addi %mul3A_187, %add3A_188 : i32
        %ge3A_190 = arith.constant 1 : i32
        %ge3A_191 = arith.cmpi sge, %add3A_189, %ge3A_190 : i32
        %convert_element_type3A_192 = arith.extui %ge3A_191 : i1 to i32
        %cond3A_193 = arith.constant 0 : i32
        %cond3A_194 = arith.cmpi ne, %convert_element_type3A_192, %cond3A_193 : i32
        scf.if %cond3A_194 {
          %dma_wait3A_594 = arith.constant 2 : i32
          %dma_wait3A_595 = arith.constant 0 : i32
          %dma_wait3A_596 = tpu.memref_slice %arg9[%dma_wait3A_594, %dma_wait3A_595] : memref<8x128xi32, #tpu.memory_space<vmem>> -> memref<1x128xi32, #tpu.memory_space<vmem>>
          %dma_wait3A_597 = tpu.memref_squeeze %dma_wait3A_596 : memref<1x128xi32, #tpu.memory_space<vmem>> -> memref<128xi32, #tpu.memory_space<vmem>>
          %dma_wait3A_598 = arith.constant 0 : i32
          %dma_wait3A_599 = arith.constant 0 : i32
          %dma_wait3A_600 = tpu.memref_slice %arg14[%dma_wait3A_598, %dma_wait3A_599] : memref<10240x128xf32, #tpu.memory_space<vmem_shared>> -> memref<10240x128xf32, #tpu.memory_space<vmem_shared>>
          tpu.wait_indirect_dma semaphore(%arg19 : memref<!tpu.dma_semaphore, #tpu.memory_space<semaphore_mem>>) src(%arg12 : memref<128x128xf32, #tpu.memory_space<vmem>>) dst(%dma_wait3A_600 : memref<10240x128xf32, #tpu.memory_space<vmem_shared>>)
        } else {
        }
        %dma_start3A_195 = arith.constant 4 : i32
        %dma_start3A_196 = arith.constant 0 : i32
        %dma_start3A_197 = tpu.memref_slice %arg8[%dma_start3A_195, %dma_start3A_196] : memref<8x128xi32, #tpu.memory_space<vmem>> -> memref<1x128xi32, #tpu.memory_space<vmem>>
        %dma_start3A_198 = tpu.memref_squeeze %dma_start3A_197 : memref<1x128xi32, #tpu.memory_space<vmem>> -> memref<128xi32, #tpu.memory_space<vmem>>
        %dma_start3A_199 = arith.constant 0 : i32
        %dma_start3A_200 = arith.constant 0 : i32
        %dma_start3A_201 = tpu.memref_slice %arg4[%dma_start3A_199, %dma_start3A_200] : memref<270000x128xf32, #tpu.memory_space<hbm>> -> memref<270000x128xf32, #tpu.memory_space<hbm>>
        tpu.enqueue_indirect_dma source(%dma_start3A_201 : memref<270000x128xf32, #tpu.memory_space<hbm>>) target(%arg12 : memref<128x128xf32, #tpu.memory_space<vmem>>) offsets(%dma_start3A_198 : memref<128xi32, #tpu.memory_space<vmem>>) semaphore(%arg17 : memref<!tpu.dma_semaphore, #tpu.memory_space<semaphore_mem>>)
        %dma_wait3A_202 = arith.constant 3 : i32
        %dma_wait3A_203 = arith.constant 0 : i32
        %dma_wait3A_204 = tpu.memref_slice %arg8[%dma_wait3A_202, %dma_wait3A_203] : memref<8x128xi32, #tpu.memory_space<vmem>> -> memref<1x128xi32, #tpu.memory_space<vmem>>
        %dma_wait3A_205 = tpu.memref_squeeze %dma_wait3A_204 : memref<1x128xi32, #tpu.memory_space<vmem>> -> memref<128xi32, #tpu.memory_space<vmem>>
        %dma_wait3A_206 = arith.constant 0 : i32
        %dma_wait3A_207 = arith.constant 0 : i32
        %dma_wait3A_208 = tpu.memref_slice %arg4[%dma_wait3A_206, %dma_wait3A_207] : memref<270000x128xf32, #tpu.memory_space<hbm>> -> memref<270000x128xf32, #tpu.memory_space<hbm>>
        tpu.wait_indirect_dma semaphore(%arg18 : memref<!tpu.dma_semaphore, #tpu.memory_space<semaphore_mem>>) src(%dma_wait3A_208 : memref<270000x128xf32, #tpu.memory_space<hbm>>) dst(%arg13 : memref<128x128xf32, #tpu.memory_space<vmem>>)
        %dma_start3A_209 = arith.constant 3 : i32
        %dma_start3A_210 = arith.constant 0 : i32
        %dma_start3A_211 = tpu.memref_slice %arg9[%dma_start3A_209, %dma_start3A_210] : memref<8x128xi32, #tpu.memory_space<vmem>> -> memref<1x128xi32, #tpu.memory_space<vmem>>
        %dma_start3A_212 = tpu.memref_squeeze %dma_start3A_211 : memref<1x128xi32, #tpu.memory_space<vmem>> -> memref<128xi32, #tpu.memory_space<vmem>>
        %dma_start3A_213 = arith.constant 0 : i32
        %dma_start3A_214 = arith.constant 0 : i32
        %dma_start3A_215 = tpu.memref_slice %arg14[%dma_start3A_213, %dma_start3A_214] : memref<10240x128xf32, #tpu.memory_space<vmem_shared>> -> memref<10240x128xf32, #tpu.memory_space<vmem_shared>>
        tpu.enqueue_indirect_dma source(%arg13 : memref<128x128xf32, #tpu.memory_space<vmem>>) target(%dma_start3A_215 : memref<10240x128xf32, #tpu.memory_space<vmem_shared>>) offsets(%dma_start3A_212 : memref<128xi32, #tpu.memory_space<vmem>>) semaphore(%arg20 : memref<!tpu.dma_semaphore, #tpu.memory_space<semaphore_mem>>) {add = true}
        %mul3A_216 = arith.constant 8 : i32
        %mul3A_217 = arith.muli %mul3A_83, %mul3A_216 : i32
        %add3A_218 = arith.constant 4 : i32
        %add3A_219 = arith.addi %mul3A_217, %add3A_218 : i32
        %ge3A_220 = arith.constant 1 : i32
        %ge3A_221 = arith.cmpi sge, %add3A_219, %ge3A_220 : i32
        %convert_element_type3A_222 = arith.extui %ge3A_221 : i1 to i32
        %cond3A_223 = arith.constant 0 : i32
        %cond3A_224 = arith.cmpi ne, %convert_element_type3A_222, %cond3A_223 : i32
        scf.if %cond3A_224 {
          %dma_wait3A_594 = arith.constant 3 : i32
          %dma_wait3A_595 = arith.constant 0 : i32
          %dma_wait3A_596 = tpu.memref_slice %arg9[%dma_wait3A_594, %dma_wait3A_595] : memref<8x128xi32, #tpu.memory_space<vmem>> -> memref<1x128xi32, #tpu.memory_space<vmem>>
          %dma_wait3A_597 = tpu.memref_squeeze %dma_wait3A_596 : memref<1x128xi32, #tpu.memory_space<vmem>> -> memref<128xi32, #tpu.memory_space<vmem>>
          %dma_wait3A_598 = arith.constant 0 : i32
          %dma_wait3A_599 = arith.constant 0 : i32
          %dma_wait3A_600 = tpu.memref_slice %arg14[%dma_wait3A_598, %dma_wait3A_599] : memref<10240x128xf32, #tpu.memory_space<vmem_shared>> -> memref<10240x128xf32, #tpu.memory_space<vmem_shared>>
          tpu.wait_indirect_dma semaphore(%arg20 : memref<!tpu.dma_semaphore, #tpu.memory_space<semaphore_mem>>) src(%arg13 : memref<128x128xf32, #tpu.memory_space<vmem>>) dst(%dma_wait3A_600 : memref<10240x128xf32, #tpu.memory_space<vmem_shared>>)
        } else {
        }
        %dma_start3A_225 = arith.constant 5 : i32
        %dma_start3A_226 = arith.constant 0 : i32
        %dma_start3A_227 = tpu.memref_slice %arg8[%dma_start3A_225, %dma_start3A_226] : memref<8x128xi32, #tpu.memory_space<vmem>> -> memref<1x128xi32, #tpu.memory_space<vmem>>
        %dma_start3A_228 = tpu.memref_squeeze %dma_start3A_227 : memref<1x128xi32, #tpu.memory_space<vmem>> -> memref<128xi32, #tpu.memory_space<vmem>>
        %dma_start3A_229 = arith.constant 0 : i32
        %dma_start3A_230 = arith.constant 0 : i32
        %dma_start3A_231 = tpu.memref_slice %arg4[%dma_start3A_229, %dma_start3A_230] : memref<270000x128xf32, #tpu.memory_space<hbm>> -> memref<270000x128xf32, #tpu.memory_space<hbm>>
        tpu.enqueue_indirect_dma source(%dma_start3A_231 : memref<270000x128xf32, #tpu.memory_space<hbm>>) target(%arg13 : memref<128x128xf32, #tpu.memory_space<vmem>>) offsets(%dma_start3A_228 : memref<128xi32, #tpu.memory_space<vmem>>) semaphore(%arg18 : memref<!tpu.dma_semaphore, #tpu.memory_space<semaphore_mem>>)
        %dma_wait3A_232 = arith.constant 4 : i32
        %dma_wait3A_233 = arith.constant 0 : i32
        %dma_wait3A_234 = tpu.memref_slice %arg8[%dma_wait3A_232, %dma_wait3A_233] : memref<8x128xi32, #tpu.memory_space<vmem>> -> memref<1x128xi32, #tpu.memory_space<vmem>>
        %dma_wait3A_235 = tpu.memref_squeeze %dma_wait3A_234 : memref<1x128xi32, #tpu.memory_space<vmem>> -> memref<128xi32, #tpu.memory_space<vmem>>
        %dma_wait3A_236 = arith.constant 0 : i32
        %dma_wait3A_237 = arith.constant 0 : i32
        %dma_wait3A_238 = tpu.memref_slice %arg4[%dma_wait3A_236, %dma_wait3A_237] : memref<270000x128xf32, #tpu.memory_space<hbm>> -> memref<270000x128xf32, #tpu.memory_space<hbm>>
        tpu.wait_indirect_dma semaphore(%arg17 : memref<!tpu.dma_semaphore, #tpu.memory_space<semaphore_mem>>) src(%dma_wait3A_238 : memref<270000x128xf32, #tpu.memory_space<hbm>>) dst(%arg12 : memref<128x128xf32, #tpu.memory_space<vmem>>)
        %dma_start3A_239 = arith.constant 4 : i32
        %dma_start3A_240 = arith.constant 0 : i32
        %dma_start3A_241 = tpu.memref_slice %arg9[%dma_start3A_239, %dma_start3A_240] : memref<8x128xi32, #tpu.memory_space<vmem>> -> memref<1x128xi32, #tpu.memory_space<vmem>>
        %dma_start3A_242 = tpu.memref_squeeze %dma_start3A_241 : memref<1x128xi32, #tpu.memory_space<vmem>> -> memref<128xi32, #tpu.memory_space<vmem>>
        %dma_start3A_243 = arith.constant 0 : i32
        %dma_start3A_244 = arith.constant 0 : i32
        %dma_start3A_245 = tpu.memref_slice %arg14[%dma_start3A_243, %dma_start3A_244] : memref<10240x128xf32, #tpu.memory_space<vmem_shared>> -> memref<10240x128xf32, #tpu.memory_space<vmem_shared>>
        tpu.enqueue_indirect_dma source(%arg12 : memref<128x128xf32, #tpu.memory_space<vmem>>) target(%dma_start3A_245 : memref<10240x128xf32, #tpu.memory_space<vmem_shared>>) offsets(%dma_start3A_242 : memref<128xi32, #tpu.memory_space<vmem>>) semaphore(%arg19 : memref<!tpu.dma_semaphore, #tpu.memory_space<semaphore_mem>>) {add = true}
        %mul3A_246 = arith.constant 8 : i32
        %mul3A_247 = arith.muli %mul3A_83, %mul3A_246 : i32
        %add3A_248 = arith.constant 5 : i32
        %add3A_249 = arith.addi %mul3A_247, %add3A_248 : i32
        %ge3A_250 = arith.constant 1 : i32
        %ge3A_251 = arith.cmpi sge, %add3A_249, %ge3A_250 : i32
        %convert_element_type3A_252 = arith.extui %ge3A_251 : i1 to i32
        %cond3A_253 = arith.constant 0 : i32
        %cond3A_254 = arith.cmpi ne, %convert_element_type3A_252, %cond3A_253 : i32
        scf.if %cond3A_254 {
          %dma_wait3A_594 = arith.constant 4 : i32
          %dma_wait3A_595 = arith.constant 0 : i32
          %dma_wait3A_596 = tpu.memref_slice %arg9[%dma_wait3A_594, %dma_wait3A_595] : memref<8x128xi32, #tpu.memory_space<vmem>> -> memref<1x128xi32, #tpu.memory_space<vmem>>
          %dma_wait3A_597 = tpu.memref_squeeze %dma_wait3A_596 : memref<1x128xi32, #tpu.memory_space<vmem>> -> memref<128xi32, #tpu.memory_space<vmem>>
          %dma_wait3A_598 = arith.constant 0 : i32
          %dma_wait3A_599 = arith.constant 0 : i32
          %dma_wait3A_600 = tpu.memref_slice %arg14[%dma_wait3A_598, %dma_wait3A_599] : memref<10240x128xf32, #tpu.memory_space<vmem_shared>> -> memref<10240x128xf32, #tpu.memory_space<vmem_shared>>
          tpu.wait_indirect_dma semaphore(%arg19 : memref<!tpu.dma_semaphore, #tpu.memory_space<semaphore_mem>>) src(%arg12 : memref<128x128xf32, #tpu.memory_space<vmem>>) dst(%dma_wait3A_600 : memref<10240x128xf32, #tpu.memory_space<vmem_shared>>)
        } else {
        }
        %dma_start3A_255 = arith.constant 6 : i32
        %dma_start3A_256 = arith.constant 0 : i32
        %dma_start3A_257 = tpu.memref_slice %arg8[%dma_start3A_255, %dma_start3A_256] : memref<8x128xi32, #tpu.memory_space<vmem>> -> memref<1x128xi32, #tpu.memory_space<vmem>>
        %dma_start3A_258 = tpu.memref_squeeze %dma_start3A_257 : memref<1x128xi32, #tpu.memory_space<vmem>> -> memref<128xi32, #tpu.memory_space<vmem>>
        %dma_start3A_259 = arith.constant 0 : i32
        %dma_start3A_260 = arith.constant 0 : i32
        %dma_start3A_261 = tpu.memref_slice %arg4[%dma_start3A_259, %dma_start3A_260] : memref<270000x128xf32, #tpu.memory_space<hbm>> -> memref<270000x128xf32, #tpu.memory_space<hbm>>
        tpu.enqueue_indirect_dma source(%dma_start3A_261 : memref<270000x128xf32, #tpu.memory_space<hbm>>) target(%arg12 : memref<128x128xf32, #tpu.memory_space<vmem>>) offsets(%dma_start3A_258 : memref<128xi32, #tpu.memory_space<vmem>>) semaphore(%arg17 : memref<!tpu.dma_semaphore, #tpu.memory_space<semaphore_mem>>)
        %dma_wait3A_262 = arith.constant 5 : i32
        %dma_wait3A_263 = arith.constant 0 : i32
        %dma_wait3A_264 = tpu.memref_slice %arg8[%dma_wait3A_262, %dma_wait3A_263] : memref<8x128xi32, #tpu.memory_space<vmem>> -> memref<1x128xi32, #tpu.memory_space<vmem>>
        %dma_wait3A_265 = tpu.memref_squeeze %dma_wait3A_264 : memref<1x128xi32, #tpu.memory_space<vmem>> -> memref<128xi32, #tpu.memory_space<vmem>>
        %dma_wait3A_266 = arith.constant 0 : i32
        %dma_wait3A_267 = arith.constant 0 : i32
        %dma_wait3A_268 = tpu.memref_slice %arg4[%dma_wait3A_266, %dma_wait3A_267] : memref<270000x128xf32, #tpu.memory_space<hbm>> -> memref<270000x128xf32, #tpu.memory_space<hbm>>
        tpu.wait_indirect_dma semaphore(%arg18 : memref<!tpu.dma_semaphore, #tpu.memory_space<semaphore_mem>>) src(%dma_wait3A_268 : memref<270000x128xf32, #tpu.memory_space<hbm>>) dst(%arg13 : memref<128x128xf32, #tpu.memory_space<vmem>>)
        %dma_start3A_269 = arith.constant 5 : i32
        %dma_start3A_270 = arith.constant 0 : i32
        %dma_start3A_271 = tpu.memref_slice %arg9[%dma_start3A_269, %dma_start3A_270] : memref<8x128xi32, #tpu.memory_space<vmem>> -> memref<1x128xi32, #tpu.memory_space<vmem>>
        %dma_start3A_272 = tpu.memref_squeeze %dma_start3A_271 : memref<1x128xi32, #tpu.memory_space<vmem>> -> memref<128xi32, #tpu.memory_space<vmem>>
        %dma_start3A_273 = arith.constant 0 : i32
        %dma_start3A_274 = arith.constant 0 : i32
        %dma_start3A_275 = tpu.memref_slice %arg14[%dma_start3A_273, %dma_start3A_274] : memref<10240x128xf32, #tpu.memory_space<vmem_shared>> -> memref<10240x128xf32, #tpu.memory_space<vmem_shared>>
        tpu.enqueue_indirect_dma source(%arg13 : memref<128x128xf32, #tpu.memory_space<vmem>>) target(%dma_start3A_275 : memref<10240x128xf32, #tpu.memory_space<vmem_shared>>) offsets(%dma_start3A_272 : memref<128xi32, #tpu.memory_space<vmem>>) semaphore(%arg20 : memref<!tpu.dma_semaphore, #tpu.memory_space<semaphore_mem>>) {add = true}
        %mul3A_276 = arith.constant 8 : i32
        %mul3A_277 = arith.muli %mul3A_83, %mul3A_276 : i32
        %add3A_278 = arith.constant 6 : i32
        %add3A_279 = arith.addi %mul3A_277, %add3A_278 : i32
        %ge3A_280 = arith.constant 1 : i32
        %ge3A_281 = arith.cmpi sge, %add3A_279, %ge3A_280 : i32
        %convert_element_type3A_282 = arith.extui %ge3A_281 : i1 to i32
        %cond3A_283 = arith.constant 0 : i32
        %cond3A_284 = arith.cmpi ne, %convert_element_type3A_282, %cond3A_283 : i32
        scf.if %cond3A_284 {
          %dma_wait3A_594 = arith.constant 5 : i32
          %dma_wait3A_595 = arith.constant 0 : i32
          %dma_wait3A_596 = tpu.memref_slice %arg9[%dma_wait3A_594, %dma_wait3A_595] : memref<8x128xi32, #tpu.memory_space<vmem>> -> memref<1x128xi32, #tpu.memory_space<vmem>>
          %dma_wait3A_597 = tpu.memref_squeeze %dma_wait3A_596 : memref<1x128xi32, #tpu.memory_space<vmem>> -> memref<128xi32, #tpu.memory_space<vmem>>
          %dma_wait3A_598 = arith.constant 0 : i32
          %dma_wait3A_599 = arith.constant 0 : i32
          %dma_wait3A_600 = tpu.memref_slice %arg14[%dma_wait3A_598, %dma_wait3A_599] : memref<10240x128xf32, #tpu.memory_space<vmem_shared>> -> memref<10240x128xf32, #tpu.memory_space<vmem_shared>>
          tpu.wait_indirect_dma semaphore(%arg20 : memref<!tpu.dma_semaphore, #tpu.memory_space<semaphore_mem>>) src(%arg13 : memref<128x128xf32, #tpu.memory_space<vmem>>) dst(%dma_wait3A_600 : memref<10240x128xf32, #tpu.memory_space<vmem_shared>>)
        } else {
        }
        %dma_start3A_285 = arith.constant 7 : i32
        %dma_start3A_286 = arith.constant 0 : i32
        %dma_start3A_287 = tpu.memref_slice %arg8[%dma_start3A_285, %dma_start3A_286] : memref<8x128xi32, #tpu.memory_space<vmem>> -> memref<1x128xi32, #tpu.memory_space<vmem>>
        %dma_start3A_288 = tpu.memref_squeeze %dma_start3A_287 : memref<1x128xi32, #tpu.memory_space<vmem>> -> memref<128xi32, #tpu.memory_space<vmem>>
        %dma_start3A_289 = arith.constant 0 : i32
        %dma_start3A_290 = arith.constant 0 : i32
        %dma_start3A_291 = tpu.memref_slice %arg4[%dma_start3A_289, %dma_start3A_290] : memref<270000x128xf32, #tpu.memory_space<hbm>> -> memref<270000x128xf32, #tpu.memory_space<hbm>>
        tpu.enqueue_indirect_dma source(%dma_start3A_291 : memref<270000x128xf32, #tpu.memory_space<hbm>>) target(%arg13 : memref<128x128xf32, #tpu.memory_space<vmem>>) offsets(%dma_start3A_288 : memref<128xi32, #tpu.memory_space<vmem>>) semaphore(%arg18 : memref<!tpu.dma_semaphore, #tpu.memory_space<semaphore_mem>>)
        %dma_wait3A_292 = arith.constant 6 : i32
        %dma_wait3A_293 = arith.constant 0 : i32
        %dma_wait3A_294 = tpu.memref_slice %arg8[%dma_wait3A_292, %dma_wait3A_293] : memref<8x128xi32, #tpu.memory_space<vmem>> -> memref<1x128xi32, #tpu.memory_space<vmem>>
        %dma_wait3A_295 = tpu.memref_squeeze %dma_wait3A_294 : memref<1x128xi32, #tpu.memory_space<vmem>> -> memref<128xi32, #tpu.memory_space<vmem>>
        %dma_wait3A_296 = arith.constant 0 : i32
        %dma_wait3A_297 = arith.constant 0 : i32
        %dma_wait3A_298 = tpu.memref_slice %arg4[%dma_wait3A_296, %dma_wait3A_297] : memref<270000x128xf32, #tpu.memory_space<hbm>> -> memref<270000x128xf32, #tpu.memory_space<hbm>>
        tpu.wait_indirect_dma semaphore(%arg17 : memref<!tpu.dma_semaphore, #tpu.memory_space<semaphore_mem>>) src(%dma_wait3A_298 : memref<270000x128xf32, #tpu.memory_space<hbm>>) dst(%arg12 : memref<128x128xf32, #tpu.memory_space<vmem>>)
        %dma_start3A_299 = arith.constant 6 : i32
        %dma_start3A_300 = arith.constant 0 : i32
        %dma_start3A_301 = tpu.memref_slice %arg9[%dma_start3A_299, %dma_start3A_300] : memref<8x128xi32, #tpu.memory_space<vmem>> -> memref<1x128xi32, #tpu.memory_space<vmem>>
        %dma_start3A_302 = tpu.memref_squeeze %dma_start3A_301 : memref<1x128xi32, #tpu.memory_space<vmem>> -> memref<128xi32, #tpu.memory_space<vmem>>
        %dma_start3A_303 = arith.constant 0 : i32
        %dma_start3A_304 = arith.constant 0 : i32
        %dma_start3A_305 = tpu.memref_slice %arg14[%dma_start3A_303, %dma_start3A_304] : memref<10240x128xf32, #tpu.memory_space<vmem_shared>> -> memref<10240x128xf32, #tpu.memory_space<vmem_shared>>
        tpu.enqueue_indirect_dma source(%arg12 : memref<128x128xf32, #tpu.memory_space<vmem>>) target(%dma_start3A_305 : memref<10240x128xf32, #tpu.memory_space<vmem_shared>>) offsets(%dma_start3A_302 : memref<128xi32, #tpu.memory_space<vmem>>) semaphore(%arg19 : memref<!tpu.dma_semaphore, #tpu.memory_space<semaphore_mem>>) {add = true}
        %mul3A_306 = arith.constant 8 : i32
        %mul3A_307 = arith.muli %mul3A_83, %mul3A_306 : i32
        %add3A_308 = arith.constant 7 : i32
        %add3A_309 = arith.addi %mul3A_307, %add3A_308 : i32
        %ge3A_310 = arith.constant 1 : i32
        %ge3A_311 = arith.cmpi sge, %add3A_309, %ge3A_310 : i32
        %convert_element_type3A_312 = arith.extui %ge3A_311 : i1 to i32
        %cond3A_313 = arith.constant 0 : i32
        %cond3A_314 = arith.cmpi ne, %convert_element_type3A_312, %cond3A_313 : i32
        scf.if %cond3A_314 {
          %dma_wait3A_594 = arith.constant 6 : i32
          %dma_wait3A_595 = arith.constant 0 : i32
          %dma_wait3A_596 = tpu.memref_slice %arg9[%dma_wait3A_594, %dma_wait3A_595] : memref<8x128xi32, #tpu.memory_space<vmem>> -> memref<1x128xi32, #tpu.memory_space<vmem>>
          %dma_wait3A_597 = tpu.memref_squeeze %dma_wait3A_596 : memref<1x128xi32, #tpu.memory_space<vmem>> -> memref<128xi32, #tpu.memory_space<vmem>>
          %dma_wait3A_598 = arith.constant 0 : i32
          %dma_wait3A_599 = arith.constant 0 : i32
          %dma_wait3A_600 = tpu.memref_slice %arg14[%dma_wait3A_598, %dma_wait3A_599] : memref<10240x128xf32, #tpu.memory_space<vmem_shared>> -> memref<10240x128xf32, #tpu.memory_space<vmem_shared>>
          tpu.wait_indirect_dma semaphore(%arg19 : memref<!tpu.dma_semaphore, #tpu.memory_space<semaphore_mem>>) src(%arg12 : memref<128x128xf32, #tpu.memory_space<vmem>>) dst(%dma_wait3A_600 : memref<10240x128xf32, #tpu.memory_space<vmem_shared>>)
        } else {
        }
        %add3A_315 = arith.constant 1 : i32
        %add3A_316 = arith.addi %mul3A_83, %add3A_315 : i32
        %lt3A_317 = arith.constant 20 : i32
        %lt3A_318 = arith.cmpi slt, %add3A_316, %lt3A_317 : i32
        %convert_element_type3A_319 = arith.extui %lt3A_318 : i1 to i32
        %cond3A_320 = arith.constant 0 : i32
        %cond3A_321 = arith.cmpi ne, %convert_element_type3A_319, %cond3A_320 : i32
        scf.if %cond3A_321 {
          %dma_start3A_594 = arith.constant 0 : i32
          %dma_start3A_595 = arith.constant 0 : i32
          %dma_start3A_596 = tpu.memref_slice %arg10[%dma_start3A_594, %dma_start3A_595] : memref<8x128xi32, #tpu.memory_space<vmem>> -> memref<1x128xi32, #tpu.memory_space<vmem>>
          %dma_start3A_597 = tpu.memref_squeeze %dma_start3A_596 : memref<1x128xi32, #tpu.memory_space<vmem>> -> memref<128xi32, #tpu.memory_space<vmem>>
          %dma_start3A_598 = arith.constant 0 : i32
          %dma_start3A_599 = arith.constant 0 : i32
          %dma_start3A_600 = tpu.memref_slice %arg4[%dma_start3A_598, %dma_start3A_599] : memref<270000x128xf32, #tpu.memory_space<hbm>> -> memref<270000x128xf32, #tpu.memory_space<hbm>>
          tpu.enqueue_indirect_dma source(%dma_start3A_600 : memref<270000x128xf32, #tpu.memory_space<hbm>>) target(%arg12 : memref<128x128xf32, #tpu.memory_space<vmem>>) offsets(%dma_start3A_597 : memref<128xi32, #tpu.memory_space<vmem>>) semaphore(%arg17 : memref<!tpu.dma_semaphore, #tpu.memory_space<semaphore_mem>>)
        } else {
        }
        %dma_wait3A_322 = arith.constant 7 : i32
        %dma_wait3A_323 = arith.constant 0 : i32
        %dma_wait3A_324 = tpu.memref_slice %arg8[%dma_wait3A_322, %dma_wait3A_323] : memref<8x128xi32, #tpu.memory_space<vmem>> -> memref<1x128xi32, #tpu.memory_space<vmem>>
        %dma_wait3A_325 = tpu.memref_squeeze %dma_wait3A_324 : memref<1x128xi32, #tpu.memory_space<vmem>> -> memref<128xi32, #tpu.memory_space<vmem>>
        %dma_wait3A_326 = arith.constant 0 : i32
        %dma_wait3A_327 = arith.constant 0 : i32
        %dma_wait3A_328 = tpu.memref_slice %arg4[%dma_wait3A_326, %dma_wait3A_327] : memref<270000x128xf32, #tpu.memory_space<hbm>> -> memref<270000x128xf32, #tpu.memory_space<hbm>>
        tpu.wait_indirect_dma semaphore(%arg18 : memref<!tpu.dma_semaphore, #tpu.memory_space<semaphore_mem>>) src(%dma_wait3A_328 : memref<270000x128xf32, #tpu.memory_space<hbm>>) dst(%arg13 : memref<128x128xf32, #tpu.memory_space<vmem>>)
        %dma_start3A_329 = arith.constant 7 : i32
        %dma_start3A_330 = arith.constant 0 : i32
        %dma_start3A_331 = tpu.memref_slice %arg9[%dma_start3A_329, %dma_start3A_330] : memref<8x128xi32, #tpu.memory_space<vmem>> -> memref<1x128xi32, #tpu.memory_space<vmem>>
        %dma_start3A_332 = tpu.memref_squeeze %dma_start3A_331 : memref<1x128xi32, #tpu.memory_space<vmem>> -> memref<128xi32, #tpu.memory_space<vmem>>
        %dma_start3A_333 = arith.constant 0 : i32
        %dma_start3A_334 = arith.constant 0 : i32
        %dma_start3A_335 = tpu.memref_slice %arg14[%dma_start3A_333, %dma_start3A_334] : memref<10240x128xf32, #tpu.memory_space<vmem_shared>> -> memref<10240x128xf32, #tpu.memory_space<vmem_shared>>
        tpu.enqueue_indirect_dma source(%arg13 : memref<128x128xf32, #tpu.memory_space<vmem>>) target(%dma_start3A_335 : memref<10240x128xf32, #tpu.memory_space<vmem_shared>>) offsets(%dma_start3A_332 : memref<128xi32, #tpu.memory_space<vmem>>) semaphore(%arg20 : memref<!tpu.dma_semaphore, #tpu.memory_space<semaphore_mem>>) {add = true}
        %mul3A_336 = arith.constant 2 : i32
        %mul3A_337 = arith.muli %mul3A_336, %scan3A_81 : i32
        %add3A_338 = arith.constant 1 : i32
        %add3A_339 = arith.addi %mul3A_337, %add3A_338 : i32
        %mul3A_340 = arith.constant 8 : i32
        %mul3A_341 = arith.muli %add3A_339, %mul3A_340 : i32
        %add3A_342 = arith.constant 0 : i32
        %add3A_343 = arith.addi %mul3A_341, %add3A_342 : i32
        %ge3A_344 = arith.constant 1 : i32
        %ge3A_345 = arith.cmpi sge, %add3A_343, %ge3A_344 : i32
        %convert_element_type3A_346 = arith.extui %ge3A_345 : i1 to i32
        %cond3A_347 = arith.constant 0 : i32
        %cond3A_348 = arith.cmpi ne, %convert_element_type3A_346, %cond3A_347 : i32
        scf.if %cond3A_348 {
          %dma_wait3A_594 = arith.constant 0 : i32
          %dma_wait3A_595 = arith.constant 0 : i32
          %dma_wait3A_596 = tpu.memref_slice %arg11[%dma_wait3A_594, %dma_wait3A_595] : memref<8x128xi32, #tpu.memory_space<vmem>> -> memref<1x128xi32, #tpu.memory_space<vmem>>
          %dma_wait3A_597 = tpu.memref_squeeze %dma_wait3A_596 : memref<1x128xi32, #tpu.memory_space<vmem>> -> memref<128xi32, #tpu.memory_space<vmem>>
          %dma_wait3A_598 = arith.constant 0 : i32
          %dma_wait3A_599 = arith.constant 0 : i32
          %dma_wait3A_600 = tpu.memref_slice %arg14[%dma_wait3A_598, %dma_wait3A_599] : memref<10240x128xf32, #tpu.memory_space<vmem_shared>> -> memref<10240x128xf32, #tpu.memory_space<vmem_shared>>
          tpu.wait_indirect_dma semaphore(%arg20 : memref<!tpu.dma_semaphore, #tpu.memory_space<semaphore_mem>>) src(%arg13 : memref<128x128xf32, #tpu.memory_space<vmem>>) dst(%dma_wait3A_600 : memref<10240x128xf32, #tpu.memory_space<vmem_shared>>)
        } else {
        }
        %dma_start3A_349 = arith.constant 1 : i32
        %dma_start3A_350 = arith.constant 0 : i32
        %dma_start3A_351 = tpu.memref_slice %arg10[%dma_start3A_349, %dma_start3A_350] : memref<8x128xi32, #tpu.memory_space<vmem>> -> memref<1x128xi32, #tpu.memory_space<vmem>>
        %dma_start3A_352 = tpu.memref_squeeze %dma_start3A_351 : memref<1x128xi32, #tpu.memory_space<vmem>> -> memref<128xi32, #tpu.memory_space<vmem>>
        %dma_start3A_353 = arith.constant 0 : i32
        %dma_start3A_354 = arith.constant 0 : i32
        %dma_start3A_355 = tpu.memref_slice %arg4[%dma_start3A_353, %dma_start3A_354] : memref<270000x128xf32, #tpu.memory_space<hbm>> -> memref<270000x128xf32, #tpu.memory_space<hbm>>
        tpu.enqueue_indirect_dma source(%dma_start3A_355 : memref<270000x128xf32, #tpu.memory_space<hbm>>) target(%arg13 : memref<128x128xf32, #tpu.memory_space<vmem>>) offsets(%dma_start3A_352 : memref<128xi32, #tpu.memory_space<vmem>>) semaphore(%arg18 : memref<!tpu.dma_semaphore, #tpu.memory_space<semaphore_mem>>)
        %dma_wait3A_356 = arith.constant 0 : i32
        %dma_wait3A_357 = arith.constant 0 : i32
        %dma_wait3A_358 = tpu.memref_slice %arg10[%dma_wait3A_356, %dma_wait3A_357] : memref<8x128xi32, #tpu.memory_space<vmem>> -> memref<1x128xi32, #tpu.memory_space<vmem>>
        %dma_wait3A_359 = tpu.memref_squeeze %dma_wait3A_358 : memref<1x128xi32, #tpu.memory_space<vmem>> -> memref<128xi32, #tpu.memory_space<vmem>>
        %dma_wait3A_360 = arith.constant 0 : i32
        %dma_wait3A_361 = arith.constant 0 : i32
        %dma_wait3A_362 = tpu.memref_slice %arg4[%dma_wait3A_360, %dma_wait3A_361] : memref<270000x128xf32, #tpu.memory_space<hbm>> -> memref<270000x128xf32, #tpu.memory_space<hbm>>
        tpu.wait_indirect_dma semaphore(%arg17 : memref<!tpu.dma_semaphore, #tpu.memory_space<semaphore_mem>>) src(%dma_wait3A_362 : memref<270000x128xf32, #tpu.memory_space<hbm>>) dst(%arg12 : memref<128x128xf32, #tpu.memory_space<vmem>>)
        %dma_start3A_363 = arith.constant 0 : i32
        %dma_start3A_364 = arith.constant 0 : i32
        %dma_start3A_365 = tpu.memref_slice %arg11[%dma_start3A_363, %dma_start3A_364] : memref<8x128xi32, #tpu.memory_space<vmem>> -> memref<1x128xi32, #tpu.memory_space<vmem>>
        %dma_start3A_366 = tpu.memref_squeeze %dma_start3A_365 : memref<1x128xi32, #tpu.memory_space<vmem>> -> memref<128xi32, #tpu.memory_space<vmem>>
        %dma_start3A_367 = arith.constant 0 : i32
        %dma_start3A_368 = arith.constant 0 : i32
        %dma_start3A_369 = tpu.memref_slice %arg14[%dma_start3A_367, %dma_start3A_368] : memref<10240x128xf32, #tpu.memory_space<vmem_shared>> -> memref<10240x128xf32, #tpu.memory_space<vmem_shared>>
        tpu.enqueue_indirect_dma source(%arg12 : memref<128x128xf32, #tpu.memory_space<vmem>>) target(%dma_start3A_369 : memref<10240x128xf32, #tpu.memory_space<vmem_shared>>) offsets(%dma_start3A_366 : memref<128xi32, #tpu.memory_space<vmem>>) semaphore(%arg19 : memref<!tpu.dma_semaphore, #tpu.memory_space<semaphore_mem>>) {add = true}
        %add3A_370 = arith.constant 1 : i32
        %add3A_371 = arith.addi %add3A_339, %add3A_370 : i32
        %lt3A_372 = arith.constant 20 : i32
        %lt3A_373 = arith.cmpi slt, %add3A_371, %lt3A_372 : i32
        %convert_element_type3A_374 = arith.extui %lt3A_373 : i1 to i32
        %cond3A_375 = arith.constant 0 : i32
        %cond3A_376 = arith.cmpi ne, %convert_element_type3A_374, %cond3A_375 : i32
        scf.if %cond3A_376 {
          %add3A_594 = arith.constant 1 : i32
          %add3A_595 = arith.addi %add3A_339, %add3A_594 : i32
          %mul3A_596 = arith.constant 8 : i32
          %mul3A_597 = arith.muli %add3A_595, %mul3A_596 : i32
          %add3A_598 = arith.addi %mul3A_0, %mul3A_597 : i32
          %dma_start3A_599 = arith.constant 0 : i32
          %dma_start3A_600 = tpu.memref_slice %arg2[%add3A_598, %dma_start3A_599] : memref<2560x128xi32, #tpu.memory_space<hbm>> -> memref<8x128xi32, #tpu.memory_space<hbm>>
          %dma_start3A_601 = arith.constant 0 : i32
          %dma_start3A_602 = tpu.memref_slice %arg2[%add3A_598, %dma_start3A_601] : memref<2560x128xi32, #tpu.memory_space<hbm>> -> memref<8x128xi32, #tpu.memory_space<hbm>>
          tpu.enqueue_dma source(%dma_start3A_602 : memref<8x128xi32, #tpu.memory_space<hbm>>) target(%arg8 : memref<8x128xi32, #tpu.memory_space<vmem>>) target_semaphore(%arg15 : memref<!tpu.dma_semaphore, #tpu.memory_space<semaphore_mem>>)
          %dma_start3A_603 = arith.constant 0 : i32
          %dma_start3A_604 = tpu.memref_slice %arg3[%add3A_598, %dma_start3A_603] : memref<2560x128xi32, #tpu.memory_space<hbm>> -> memref<8x128xi32, #tpu.memory_space<hbm>>
          %dma_start3A_605 = arith.constant 0 : i32
          %dma_start3A_606 = tpu.memref_slice %arg3[%add3A_598, %dma_start3A_605] : memref<2560x128xi32, #tpu.memory_space<hbm>> -> memref<8x128xi32, #tpu.memory_space<hbm>>
          tpu.enqueue_dma source(%dma_start3A_606 : memref<8x128xi32, #tpu.memory_space<hbm>>) target(%arg9 : memref<8x128xi32, #tpu.memory_space<vmem>>) target_semaphore(%arg15 : memref<!tpu.dma_semaphore, #tpu.memory_space<semaphore_mem>>)
        } else {
        }
        %mul3A_377 = arith.constant 8 : i32
        %mul3A_378 = arith.muli %add3A_339, %mul3A_377 : i32
        %add3A_379 = arith.constant 1 : i32
        %add3A_380 = arith.addi %mul3A_378, %add3A_379 : i32
        %ge3A_381 = arith.constant 1 : i32
        %ge3A_382 = arith.cmpi sge, %add3A_380, %ge3A_381 : i32
        %convert_element_type3A_383 = arith.extui %ge3A_382 : i1 to i32
        %cond3A_384 = arith.constant 0 : i32
        %cond3A_385 = arith.cmpi ne, %convert_element_type3A_383, %cond3A_384 : i32
        scf.if %cond3A_385 {
          %dma_wait3A_594 = arith.constant 0 : i32
          %dma_wait3A_595 = arith.constant 0 : i32
          %dma_wait3A_596 = tpu.memref_slice %arg11[%dma_wait3A_594, %dma_wait3A_595] : memref<8x128xi32, #tpu.memory_space<vmem>> -> memref<1x128xi32, #tpu.memory_space<vmem>>
          %dma_wait3A_597 = tpu.memref_squeeze %dma_wait3A_596 : memref<1x128xi32, #tpu.memory_space<vmem>> -> memref<128xi32, #tpu.memory_space<vmem>>
          %dma_wait3A_598 = arith.constant 0 : i32
          %dma_wait3A_599 = arith.constant 0 : i32
          %dma_wait3A_600 = tpu.memref_slice %arg14[%dma_wait3A_598, %dma_wait3A_599] : memref<10240x128xf32, #tpu.memory_space<vmem_shared>> -> memref<10240x128xf32, #tpu.memory_space<vmem_shared>>
          tpu.wait_indirect_dma semaphore(%arg19 : memref<!tpu.dma_semaphore, #tpu.memory_space<semaphore_mem>>) src(%arg12 : memref<128x128xf32, #tpu.memory_space<vmem>>) dst(%dma_wait3A_600 : memref<10240x128xf32, #tpu.memory_space<vmem_shared>>)
        } else {
        }
        %dma_start3A_386 = arith.constant 2 : i32
        %dma_start3A_387 = arith.constant 0 : i32
        %dma_start3A_388 = tpu.memref_slice %arg10[%dma_start3A_386, %dma_start3A_387] : memref<8x128xi32, #tpu.memory_space<vmem>> -> memref<1x128xi32, #tpu.memory_space<vmem>>
        %dma_start3A_389 = tpu.memref_squeeze %dma_start3A_388 : memref<1x128xi32, #tpu.memory_space<vmem>> -> memref<128xi32, #tpu.memory_space<vmem>>
        %dma_start3A_390 = arith.constant 0 : i32
        %dma_start3A_391 = arith.constant 0 : i32
        %dma_start3A_392 = tpu.memref_slice %arg4[%dma_start3A_390, %dma_start3A_391] : memref<270000x128xf32, #tpu.memory_space<hbm>> -> memref<270000x128xf32, #tpu.memory_space<hbm>>
        tpu.enqueue_indirect_dma source(%dma_start3A_392 : memref<270000x128xf32, #tpu.memory_space<hbm>>) target(%arg12 : memref<128x128xf32, #tpu.memory_space<vmem>>) offsets(%dma_start3A_389 : memref<128xi32, #tpu.memory_space<vmem>>) semaphore(%arg17 : memref<!tpu.dma_semaphore, #tpu.memory_space<semaphore_mem>>)
        %dma_wait3A_393 = arith.constant 1 : i32
        %dma_wait3A_394 = arith.constant 0 : i32
        %dma_wait3A_395 = tpu.memref_slice %arg10[%dma_wait3A_393, %dma_wait3A_394] : memref<8x128xi32, #tpu.memory_space<vmem>> -> memref<1x128xi32, #tpu.memory_space<vmem>>
        %dma_wait3A_396 = tpu.memref_squeeze %dma_wait3A_395 : memref<1x128xi32, #tpu.memory_space<vmem>> -> memref<128xi32, #tpu.memory_space<vmem>>
        %dma_wait3A_397 = arith.constant 0 : i32
        %dma_wait3A_398 = arith.constant 0 : i32
        %dma_wait3A_399 = tpu.memref_slice %arg4[%dma_wait3A_397, %dma_wait3A_398] : memref<270000x128xf32, #tpu.memory_space<hbm>> -> memref<270000x128xf32, #tpu.memory_space<hbm>>
        tpu.wait_indirect_dma semaphore(%arg18 : memref<!tpu.dma_semaphore, #tpu.memory_space<semaphore_mem>>) src(%dma_wait3A_399 : memref<270000x128xf32, #tpu.memory_space<hbm>>) dst(%arg13 : memref<128x128xf32, #tpu.memory_space<vmem>>)
        %dma_start3A_400 = arith.constant 1 : i32
        %dma_start3A_401 = arith.constant 0 : i32
        %dma_start3A_402 = tpu.memref_slice %arg11[%dma_start3A_400, %dma_start3A_401] : memref<8x128xi32, #tpu.memory_space<vmem>> -> memref<1x128xi32, #tpu.memory_space<vmem>>
        %dma_start3A_403 = tpu.memref_squeeze %dma_start3A_402 : memref<1x128xi32, #tpu.memory_space<vmem>> -> memref<128xi32, #tpu.memory_space<vmem>>
        %dma_start3A_404 = arith.constant 0 : i32
        %dma_start3A_405 = arith.constant 0 : i32
        %dma_start3A_406 = tpu.memref_slice %arg14[%dma_start3A_404, %dma_start3A_405] : memref<10240x128xf32, #tpu.memory_space<vmem_shared>> -> memref<10240x128xf32, #tpu.memory_space<vmem_shared>>
        tpu.enqueue_indirect_dma source(%arg13 : memref<128x128xf32, #tpu.memory_space<vmem>>) target(%dma_start3A_406 : memref<10240x128xf32, #tpu.memory_space<vmem_shared>>) offsets(%dma_start3A_403 : memref<128xi32, #tpu.memory_space<vmem>>) semaphore(%arg20 : memref<!tpu.dma_semaphore, #tpu.memory_space<semaphore_mem>>) {add = true}
        %mul3A_407 = arith.constant 8 : i32
        %mul3A_408 = arith.muli %add3A_339, %mul3A_407 : i32
        %add3A_409 = arith.constant 2 : i32
        %add3A_410 = arith.addi %mul3A_408, %add3A_409 : i32
        %ge3A_411 = arith.constant 1 : i32
        %ge3A_412 = arith.cmpi sge, %add3A_410, %ge3A_411 : i32
        %convert_element_type3A_413 = arith.extui %ge3A_412 : i1 to i32
        %cond3A_414 = arith.constant 0 : i32
        %cond3A_415 = arith.cmpi ne, %convert_element_type3A_413, %cond3A_414 : i32
        scf.if %cond3A_415 {
          %dma_wait3A_594 = arith.constant 1 : i32
          %dma_wait3A_595 = arith.constant 0 : i32
          %dma_wait3A_596 = tpu.memref_slice %arg11[%dma_wait3A_594, %dma_wait3A_595] : memref<8x128xi32, #tpu.memory_space<vmem>> -> memref<1x128xi32, #tpu.memory_space<vmem>>
          %dma_wait3A_597 = tpu.memref_squeeze %dma_wait3A_596 : memref<1x128xi32, #tpu.memory_space<vmem>> -> memref<128xi32, #tpu.memory_space<vmem>>
          %dma_wait3A_598 = arith.constant 0 : i32
          %dma_wait3A_599 = arith.constant 0 : i32
          %dma_wait3A_600 = tpu.memref_slice %arg14[%dma_wait3A_598, %dma_wait3A_599] : memref<10240x128xf32, #tpu.memory_space<vmem_shared>> -> memref<10240x128xf32, #tpu.memory_space<vmem_shared>>
          tpu.wait_indirect_dma semaphore(%arg20 : memref<!tpu.dma_semaphore, #tpu.memory_space<semaphore_mem>>) src(%arg13 : memref<128x128xf32, #tpu.memory_space<vmem>>) dst(%dma_wait3A_600 : memref<10240x128xf32, #tpu.memory_space<vmem_shared>>)
        } else {
        }
        %dma_start3A_416 = arith.constant 3 : i32
        %dma_start3A_417 = arith.constant 0 : i32
        %dma_start3A_418 = tpu.memref_slice %arg10[%dma_start3A_416, %dma_start3A_417] : memref<8x128xi32, #tpu.memory_space<vmem>> -> memref<1x128xi32, #tpu.memory_space<vmem>>
        %dma_start3A_419 = tpu.memref_squeeze %dma_start3A_418 : memref<1x128xi32, #tpu.memory_space<vmem>> -> memref<128xi32, #tpu.memory_space<vmem>>
        %dma_start3A_420 = arith.constant 0 : i32
        %dma_start3A_421 = arith.constant 0 : i32
        %dma_start3A_422 = tpu.memref_slice %arg4[%dma_start3A_420, %dma_start3A_421] : memref<270000x128xf32, #tpu.memory_space<hbm>> -> memref<270000x128xf32, #tpu.memory_space<hbm>>
        tpu.enqueue_indirect_dma source(%dma_start3A_422 : memref<270000x128xf32, #tpu.memory_space<hbm>>) target(%arg13 : memref<128x128xf32, #tpu.memory_space<vmem>>) offsets(%dma_start3A_419 : memref<128xi32, #tpu.memory_space<vmem>>) semaphore(%arg18 : memref<!tpu.dma_semaphore, #tpu.memory_space<semaphore_mem>>)
        %dma_wait3A_423 = arith.constant 2 : i32
        %dma_wait3A_424 = arith.constant 0 : i32
        %dma_wait3A_425 = tpu.memref_slice %arg10[%dma_wait3A_423, %dma_wait3A_424] : memref<8x128xi32, #tpu.memory_space<vmem>> -> memref<1x128xi32, #tpu.memory_space<vmem>>
        %dma_wait3A_426 = tpu.memref_squeeze %dma_wait3A_425 : memref<1x128xi32, #tpu.memory_space<vmem>> -> memref<128xi32, #tpu.memory_space<vmem>>
        %dma_wait3A_427 = arith.constant 0 : i32
        %dma_wait3A_428 = arith.constant 0 : i32
        %dma_wait3A_429 = tpu.memref_slice %arg4[%dma_wait3A_427, %dma_wait3A_428] : memref<270000x128xf32, #tpu.memory_space<hbm>> -> memref<270000x128xf32, #tpu.memory_space<hbm>>
        tpu.wait_indirect_dma semaphore(%arg17 : memref<!tpu.dma_semaphore, #tpu.memory_space<semaphore_mem>>) src(%dma_wait3A_429 : memref<270000x128xf32, #tpu.memory_space<hbm>>) dst(%arg12 : memref<128x128xf32, #tpu.memory_space<vmem>>)
        %dma_start3A_430 = arith.constant 2 : i32
        %dma_start3A_431 = arith.constant 0 : i32
        %dma_start3A_432 = tpu.memref_slice %arg11[%dma_start3A_430, %dma_start3A_431] : memref<8x128xi32, #tpu.memory_space<vmem>> -> memref<1x128xi32, #tpu.memory_space<vmem>>
        %dma_start3A_433 = tpu.memref_squeeze %dma_start3A_432 : memref<1x128xi32, #tpu.memory_space<vmem>> -> memref<128xi32, #tpu.memory_space<vmem>>
        %dma_start3A_434 = arith.constant 0 : i32
        %dma_start3A_435 = arith.constant 0 : i32
        %dma_start3A_436 = tpu.memref_slice %arg14[%dma_start3A_434, %dma_start3A_435] : memref<10240x128xf32, #tpu.memory_space<vmem_shared>> -> memref<10240x128xf32, #tpu.memory_space<vmem_shared>>
        tpu.enqueue_indirect_dma source(%arg12 : memref<128x128xf32, #tpu.memory_space<vmem>>) target(%dma_start3A_436 : memref<10240x128xf32, #tpu.memory_space<vmem_shared>>) offsets(%dma_start3A_433 : memref<128xi32, #tpu.memory_space<vmem>>) semaphore(%arg19 : memref<!tpu.dma_semaphore, #tpu.memory_space<semaphore_mem>>) {add = true}
        %add3A_437 = arith.constant 1 : i32
        %add3A_438 = arith.addi %add3A_339, %add3A_437 : i32
        %lt3A_439 = arith.constant 20 : i32
        %lt3A_440 = arith.cmpi slt, %add3A_438, %lt3A_439 : i32
        %convert_element_type3A_441 = arith.extui %lt3A_440 : i1 to i32
        %cond3A_442 = arith.constant 0 : i32
        %cond3A_443 = arith.cmpi ne, %convert_element_type3A_441, %cond3A_442 : i32
        scf.if %cond3A_443 {
          %add3A_594 = arith.constant 1 : i32
          %add3A_595 = arith.addi %add3A_339, %add3A_594 : i32
          %mul3A_596 = arith.constant 8 : i32
          %mul3A_597 = arith.muli %add3A_595, %mul3A_596 : i32
          %add3A_598 = arith.addi %mul3A_0, %mul3A_597 : i32
          %dma_wait3A_599 = arith.constant 0 : i32
          %dma_wait3A_600 = tpu.memref_slice %arg2[%add3A_598, %dma_wait3A_599] : memref<2560x128xi32, #tpu.memory_space<hbm>> -> memref<8x128xi32, #tpu.memory_space<hbm>>
          %dma_wait3A_601 = arith.constant 0 : i32
          %dma_wait3A_602 = tpu.memref_slice %arg2[%add3A_598, %dma_wait3A_601] : memref<2560x128xi32, #tpu.memory_space<hbm>> -> memref<8x128xi32, #tpu.memory_space<hbm>>
          tpu.wait_dma2 semaphore(%arg15 : memref<!tpu.dma_semaphore, #tpu.memory_space<semaphore_mem>>) src(%dma_wait3A_602 : memref<8x128xi32, #tpu.memory_space<hbm>>) dst(%arg8 : memref<8x128xi32, #tpu.memory_space<vmem>>)
          %dma_wait3A_603 = arith.constant 0 : i32
          %dma_wait3A_604 = tpu.memref_slice %arg3[%add3A_598, %dma_wait3A_603] : memref<2560x128xi32, #tpu.memory_space<hbm>> -> memref<8x128xi32, #tpu.memory_space<hbm>>
          %dma_wait3A_605 = arith.constant 0 : i32
          %dma_wait3A_606 = tpu.memref_slice %arg3[%add3A_598, %dma_wait3A_605] : memref<2560x128xi32, #tpu.memory_space<hbm>> -> memref<8x128xi32, #tpu.memory_space<hbm>>
          tpu.wait_dma2 semaphore(%arg15 : memref<!tpu.dma_semaphore, #tpu.memory_space<semaphore_mem>>) src(%dma_wait3A_606 : memref<8x128xi32, #tpu.memory_space<hbm>>) dst(%arg9 : memref<8x128xi32, #tpu.memory_space<vmem>>)
        } else {
        }
        %mul3A_444 = arith.constant 8 : i32
        %mul3A_445 = arith.muli %add3A_339, %mul3A_444 : i32
        %add3A_446 = arith.constant 3 : i32
        %add3A_447 = arith.addi %mul3A_445, %add3A_446 : i32
        %ge3A_448 = arith.constant 1 : i32
        %ge3A_449 = arith.cmpi sge, %add3A_447, %ge3A_448 : i32
        %convert_element_type3A_450 = arith.extui %ge3A_449 : i1 to i32
        %cond3A_451 = arith.constant 0 : i32
        %cond3A_452 = arith.cmpi ne, %convert_element_type3A_450, %cond3A_451 : i32
        scf.if %cond3A_452 {
          %dma_wait3A_594 = arith.constant 2 : i32
          %dma_wait3A_595 = arith.constant 0 : i32
          %dma_wait3A_596 = tpu.memref_slice %arg11[%dma_wait3A_594, %dma_wait3A_595] : memref<8x128xi32, #tpu.memory_space<vmem>> -> memref<1x128xi32, #tpu.memory_space<vmem>>
          %dma_wait3A_597 = tpu.memref_squeeze %dma_wait3A_596 : memref<1x128xi32, #tpu.memory_space<vmem>> -> memref<128xi32, #tpu.memory_space<vmem>>
          %dma_wait3A_598 = arith.constant 0 : i32
          %dma_wait3A_599 = arith.constant 0 : i32
          %dma_wait3A_600 = tpu.memref_slice %arg14[%dma_wait3A_598, %dma_wait3A_599] : memref<10240x128xf32, #tpu.memory_space<vmem_shared>> -> memref<10240x128xf32, #tpu.memory_space<vmem_shared>>
          tpu.wait_indirect_dma semaphore(%arg19 : memref<!tpu.dma_semaphore, #tpu.memory_space<semaphore_mem>>) src(%arg12 : memref<128x128xf32, #tpu.memory_space<vmem>>) dst(%dma_wait3A_600 : memref<10240x128xf32, #tpu.memory_space<vmem_shared>>)
        } else {
        }
        %dma_start3A_453 = arith.constant 4 : i32
        %dma_start3A_454 = arith.constant 0 : i32
        %dma_start3A_455 = tpu.memref_slice %arg10[%dma_start3A_453, %dma_start3A_454] : memref<8x128xi32, #tpu.memory_space<vmem>> -> memref<1x128xi32, #tpu.memory_space<vmem>>
        %dma_start3A_456 = tpu.memref_squeeze %dma_start3A_455 : memref<1x128xi32, #tpu.memory_space<vmem>> -> memref<128xi32, #tpu.memory_space<vmem>>
        %dma_start3A_457 = arith.constant 0 : i32
        %dma_start3A_458 = arith.constant 0 : i32
        %dma_start3A_459 = tpu.memref_slice %arg4[%dma_start3A_457, %dma_start3A_458] : memref<270000x128xf32, #tpu.memory_space<hbm>> -> memref<270000x128xf32, #tpu.memory_space<hbm>>
        tpu.enqueue_indirect_dma source(%dma_start3A_459 : memref<270000x128xf32, #tpu.memory_space<hbm>>) target(%arg12 : memref<128x128xf32, #tpu.memory_space<vmem>>) offsets(%dma_start3A_456 : memref<128xi32, #tpu.memory_space<vmem>>) semaphore(%arg17 : memref<!tpu.dma_semaphore, #tpu.memory_space<semaphore_mem>>)
        %dma_wait3A_460 = arith.constant 3 : i32
        %dma_wait3A_461 = arith.constant 0 : i32
        %dma_wait3A_462 = tpu.memref_slice %arg10[%dma_wait3A_460, %dma_wait3A_461] : memref<8x128xi32, #tpu.memory_space<vmem>> -> memref<1x128xi32, #tpu.memory_space<vmem>>
        %dma_wait3A_463 = tpu.memref_squeeze %dma_wait3A_462 : memref<1x128xi32, #tpu.memory_space<vmem>> -> memref<128xi32, #tpu.memory_space<vmem>>
        %dma_wait3A_464 = arith.constant 0 : i32
        %dma_wait3A_465 = arith.constant 0 : i32
        %dma_wait3A_466 = tpu.memref_slice %arg4[%dma_wait3A_464, %dma_wait3A_465] : memref<270000x128xf32, #tpu.memory_space<hbm>> -> memref<270000x128xf32, #tpu.memory_space<hbm>>
        tpu.wait_indirect_dma semaphore(%arg18 : memref<!tpu.dma_semaphore, #tpu.memory_space<semaphore_mem>>) src(%dma_wait3A_466 : memref<270000x128xf32, #tpu.memory_space<hbm>>) dst(%arg13 : memref<128x128xf32, #tpu.memory_space<vmem>>)
        %dma_start3A_467 = arith.constant 3 : i32
        %dma_start3A_468 = arith.constant 0 : i32
        %dma_start3A_469 = tpu.memref_slice %arg11[%dma_start3A_467, %dma_start3A_468] : memref<8x128xi32, #tpu.memory_space<vmem>> -> memref<1x128xi32, #tpu.memory_space<vmem>>
        %dma_start3A_470 = tpu.memref_squeeze %dma_start3A_469 : memref<1x128xi32, #tpu.memory_space<vmem>> -> memref<128xi32, #tpu.memory_space<vmem>>
        %dma_start3A_471 = arith.constant 0 : i32
        %dma_start3A_472 = arith.constant 0 : i32
        %dma_start3A_473 = tpu.memref_slice %arg14[%dma_start3A_471, %dma_start3A_472] : memref<10240x128xf32, #tpu.memory_space<vmem_shared>> -> memref<10240x128xf32, #tpu.memory_space<vmem_shared>>
        tpu.enqueue_indirect_dma source(%arg13 : memref<128x128xf32, #tpu.memory_space<vmem>>) target(%dma_start3A_473 : memref<10240x128xf32, #tpu.memory_space<vmem_shared>>) offsets(%dma_start3A_470 : memref<128xi32, #tpu.memory_space<vmem>>) semaphore(%arg20 : memref<!tpu.dma_semaphore, #tpu.memory_space<semaphore_mem>>) {add = true}
        %mul3A_474 = arith.constant 8 : i32
        %mul3A_475 = arith.muli %add3A_339, %mul3A_474 : i32
        %add3A_476 = arith.constant 4 : i32
        %add3A_477 = arith.addi %mul3A_475, %add3A_476 : i32
        %ge3A_478 = arith.constant 1 : i32
        %ge3A_479 = arith.cmpi sge, %add3A_477, %ge3A_478 : i32
        %convert_element_type3A_480 = arith.extui %ge3A_479 : i1 to i32
        %cond3A_481 = arith.constant 0 : i32
        %cond3A_482 = arith.cmpi ne, %convert_element_type3A_480, %cond3A_481 : i32
        scf.if %cond3A_482 {
          %dma_wait3A_594 = arith.constant 3 : i32
          %dma_wait3A_595 = arith.constant 0 : i32
          %dma_wait3A_596 = tpu.memref_slice %arg11[%dma_wait3A_594, %dma_wait3A_595] : memref<8x128xi32, #tpu.memory_space<vmem>> -> memref<1x128xi32, #tpu.memory_space<vmem>>
          %dma_wait3A_597 = tpu.memref_squeeze %dma_wait3A_596 : memref<1x128xi32, #tpu.memory_space<vmem>> -> memref<128xi32, #tpu.memory_space<vmem>>
          %dma_wait3A_598 = arith.constant 0 : i32
          %dma_wait3A_599 = arith.constant 0 : i32
          %dma_wait3A_600 = tpu.memref_slice %arg14[%dma_wait3A_598, %dma_wait3A_599] : memref<10240x128xf32, #tpu.memory_space<vmem_shared>> -> memref<10240x128xf32, #tpu.memory_space<vmem_shared>>
          tpu.wait_indirect_dma semaphore(%arg20 : memref<!tpu.dma_semaphore, #tpu.memory_space<semaphore_mem>>) src(%arg13 : memref<128x128xf32, #tpu.memory_space<vmem>>) dst(%dma_wait3A_600 : memref<10240x128xf32, #tpu.memory_space<vmem_shared>>)
        } else {
        }
        %dma_start3A_483 = arith.constant 5 : i32
        %dma_start3A_484 = arith.constant 0 : i32
        %dma_start3A_485 = tpu.memref_slice %arg10[%dma_start3A_483, %dma_start3A_484] : memref<8x128xi32, #tpu.memory_space<vmem>> -> memref<1x128xi32, #tpu.memory_space<vmem>>
        %dma_start3A_486 = tpu.memref_squeeze %dma_start3A_485 : memref<1x128xi32, #tpu.memory_space<vmem>> -> memref<128xi32, #tpu.memory_space<vmem>>
        %dma_start3A_487 = arith.constant 0 : i32
        %dma_start3A_488 = arith.constant 0 : i32
        %dma_start3A_489 = tpu.memref_slice %arg4[%dma_start3A_487, %dma_start3A_488] : memref<270000x128xf32, #tpu.memory_space<hbm>> -> memref<270000x128xf32, #tpu.memory_space<hbm>>
        tpu.enqueue_indirect_dma source(%dma_start3A_489 : memref<270000x128xf32, #tpu.memory_space<hbm>>) target(%arg13 : memref<128x128xf32, #tpu.memory_space<vmem>>) offsets(%dma_start3A_486 : memref<128xi32, #tpu.memory_space<vmem>>) semaphore(%arg18 : memref<!tpu.dma_semaphore, #tpu.memory_space<semaphore_mem>>)
        %dma_wait3A_490 = arith.constant 4 : i32
        %dma_wait3A_491 = arith.constant 0 : i32
        %dma_wait3A_492 = tpu.memref_slice %arg10[%dma_wait3A_490, %dma_wait3A_491] : memref<8x128xi32, #tpu.memory_space<vmem>> -> memref<1x128xi32, #tpu.memory_space<vmem>>
        %dma_wait3A_493 = tpu.memref_squeeze %dma_wait3A_492 : memref<1x128xi32, #tpu.memory_space<vmem>> -> memref<128xi32, #tpu.memory_space<vmem>>
        %dma_wait3A_494 = arith.constant 0 : i32
        %dma_wait3A_495 = arith.constant 0 : i32
        %dma_wait3A_496 = tpu.memref_slice %arg4[%dma_wait3A_494, %dma_wait3A_495] : memref<270000x128xf32, #tpu.memory_space<hbm>> -> memref<270000x128xf32, #tpu.memory_space<hbm>>
        tpu.wait_indirect_dma semaphore(%arg17 : memref<!tpu.dma_semaphore, #tpu.memory_space<semaphore_mem>>) src(%dma_wait3A_496 : memref<270000x128xf32, #tpu.memory_space<hbm>>) dst(%arg12 : memref<128x128xf32, #tpu.memory_space<vmem>>)
        %dma_start3A_497 = arith.constant 4 : i32
        %dma_start3A_498 = arith.constant 0 : i32
        %dma_start3A_499 = tpu.memref_slice %arg11[%dma_start3A_497, %dma_start3A_498] : memref<8x128xi32, #tpu.memory_space<vmem>> -> memref<1x128xi32, #tpu.memory_space<vmem>>
        %dma_start3A_500 = tpu.memref_squeeze %dma_start3A_499 : memref<1x128xi32, #tpu.memory_space<vmem>> -> memref<128xi32, #tpu.memory_space<vmem>>
        %dma_start3A_501 = arith.constant 0 : i32
        %dma_start3A_502 = arith.constant 0 : i32
        %dma_start3A_503 = tpu.memref_slice %arg14[%dma_start3A_501, %dma_start3A_502] : memref<10240x128xf32, #tpu.memory_space<vmem_shared>> -> memref<10240x128xf32, #tpu.memory_space<vmem_shared>>
        tpu.enqueue_indirect_dma source(%arg12 : memref<128x128xf32, #tpu.memory_space<vmem>>) target(%dma_start3A_503 : memref<10240x128xf32, #tpu.memory_space<vmem_shared>>) offsets(%dma_start3A_500 : memref<128xi32, #tpu.memory_space<vmem>>) semaphore(%arg19 : memref<!tpu.dma_semaphore, #tpu.memory_space<semaphore_mem>>) {add = true}
        %mul3A_504 = arith.constant 8 : i32
        %mul3A_505 = arith.muli %add3A_339, %mul3A_504 : i32
        %add3A_506 = arith.constant 5 : i32
        %add3A_507 = arith.addi %mul3A_505, %add3A_506 : i32
        %ge3A_508 = arith.constant 1 : i32
        %ge3A_509 = arith.cmpi sge, %add3A_507, %ge3A_508 : i32
        %convert_element_type3A_510 = arith.extui %ge3A_509 : i1 to i32
        %cond3A_511 = arith.constant 0 : i32
        %cond3A_512 = arith.cmpi ne, %convert_element_type3A_510, %cond3A_511 : i32
        scf.if %cond3A_512 {
          %dma_wait3A_594 = arith.constant 4 : i32
          %dma_wait3A_595 = arith.constant 0 : i32
          %dma_wait3A_596 = tpu.memref_slice %arg11[%dma_wait3A_594, %dma_wait3A_595] : memref<8x128xi32, #tpu.memory_space<vmem>> -> memref<1x128xi32, #tpu.memory_space<vmem>>
          %dma_wait3A_597 = tpu.memref_squeeze %dma_wait3A_596 : memref<1x128xi32, #tpu.memory_space<vmem>> -> memref<128xi32, #tpu.memory_space<vmem>>
          %dma_wait3A_598 = arith.constant 0 : i32
          %dma_wait3A_599 = arith.constant 0 : i32
          %dma_wait3A_600 = tpu.memref_slice %arg14[%dma_wait3A_598, %dma_wait3A_599] : memref<10240x128xf32, #tpu.memory_space<vmem_shared>> -> memref<10240x128xf32, #tpu.memory_space<vmem_shared>>
          tpu.wait_indirect_dma semaphore(%arg19 : memref<!tpu.dma_semaphore, #tpu.memory_space<semaphore_mem>>) src(%arg12 : memref<128x128xf32, #tpu.memory_space<vmem>>) dst(%dma_wait3A_600 : memref<10240x128xf32, #tpu.memory_space<vmem_shared>>)
        } else {
        }
        %dma_start3A_513 = arith.constant 6 : i32
        %dma_start3A_514 = arith.constant 0 : i32
        %dma_start3A_515 = tpu.memref_slice %arg10[%dma_start3A_513, %dma_start3A_514] : memref<8x128xi32, #tpu.memory_space<vmem>> -> memref<1x128xi32, #tpu.memory_space<vmem>>
        %dma_start3A_516 = tpu.memref_squeeze %dma_start3A_515 : memref<1x128xi32, #tpu.memory_space<vmem>> -> memref<128xi32, #tpu.memory_space<vmem>>
        %dma_start3A_517 = arith.constant 0 : i32
        %dma_start3A_518 = arith.constant 0 : i32
        %dma_start3A_519 = tpu.memref_slice %arg4[%dma_start3A_517, %dma_start3A_518] : memref<270000x128xf32, #tpu.memory_space<hbm>> -> memref<270000x128xf32, #tpu.memory_space<hbm>>
        tpu.enqueue_indirect_dma source(%dma_start3A_519 : memref<270000x128xf32, #tpu.memory_space<hbm>>) target(%arg12 : memref<128x128xf32, #tpu.memory_space<vmem>>) offsets(%dma_start3A_516 : memref<128xi32, #tpu.memory_space<vmem>>) semaphore(%arg17 : memref<!tpu.dma_semaphore, #tpu.memory_space<semaphore_mem>>)
        %dma_wait3A_520 = arith.constant 5 : i32
        %dma_wait3A_521 = arith.constant 0 : i32
        %dma_wait3A_522 = tpu.memref_slice %arg10[%dma_wait3A_520, %dma_wait3A_521] : memref<8x128xi32, #tpu.memory_space<vmem>> -> memref<1x128xi32, #tpu.memory_space<vmem>>
        %dma_wait3A_523 = tpu.memref_squeeze %dma_wait3A_522 : memref<1x128xi32, #tpu.memory_space<vmem>> -> memref<128xi32, #tpu.memory_space<vmem>>
        %dma_wait3A_524 = arith.constant 0 : i32
        %dma_wait3A_525 = arith.constant 0 : i32
        %dma_wait3A_526 = tpu.memref_slice %arg4[%dma_wait3A_524, %dma_wait3A_525] : memref<270000x128xf32, #tpu.memory_space<hbm>> -> memref<270000x128xf32, #tpu.memory_space<hbm>>
        tpu.wait_indirect_dma semaphore(%arg18 : memref<!tpu.dma_semaphore, #tpu.memory_space<semaphore_mem>>) src(%dma_wait3A_526 : memref<270000x128xf32, #tpu.memory_space<hbm>>) dst(%arg13 : memref<128x128xf32, #tpu.memory_space<vmem>>)
        %dma_start3A_527 = arith.constant 5 : i32
        %dma_start3A_528 = arith.constant 0 : i32
        %dma_start3A_529 = tpu.memref_slice %arg11[%dma_start3A_527, %dma_start3A_528] : memref<8x128xi32, #tpu.memory_space<vmem>> -> memref<1x128xi32, #tpu.memory_space<vmem>>
        %dma_start3A_530 = tpu.memref_squeeze %dma_start3A_529 : memref<1x128xi32, #tpu.memory_space<vmem>> -> memref<128xi32, #tpu.memory_space<vmem>>
        %dma_start3A_531 = arith.constant 0 : i32
        %dma_start3A_532 = arith.constant 0 : i32
        %dma_start3A_533 = tpu.memref_slice %arg14[%dma_start3A_531, %dma_start3A_532] : memref<10240x128xf32, #tpu.memory_space<vmem_shared>> -> memref<10240x128xf32, #tpu.memory_space<vmem_shared>>
        tpu.enqueue_indirect_dma source(%arg13 : memref<128x128xf32, #tpu.memory_space<vmem>>) target(%dma_start3A_533 : memref<10240x128xf32, #tpu.memory_space<vmem_shared>>) offsets(%dma_start3A_530 : memref<128xi32, #tpu.memory_space<vmem>>) semaphore(%arg20 : memref<!tpu.dma_semaphore, #tpu.memory_space<semaphore_mem>>) {add = true}
        %mul3A_534 = arith.constant 8 : i32
        %mul3A_535 = arith.muli %add3A_339, %mul3A_534 : i32
        %add3A_536 = arith.constant 6 : i32
        %add3A_537 = arith.addi %mul3A_535, %add3A_536 : i32
        %ge3A_538 = arith.constant 1 : i32
        %ge3A_539 = arith.cmpi sge, %add3A_537, %ge3A_538 : i32
        %convert_element_type3A_540 = arith.extui %ge3A_539 : i1 to i32
        %cond3A_541 = arith.constant 0 : i32
        %cond3A_542 = arith.cmpi ne, %convert_element_type3A_540, %cond3A_541 : i32
        scf.if %cond3A_542 {
          %dma_wait3A_594 = arith.constant 5 : i32
          %dma_wait3A_595 = arith.constant 0 : i32
          %dma_wait3A_596 = tpu.memref_slice %arg11[%dma_wait3A_594, %dma_wait3A_595] : memref<8x128xi32, #tpu.memory_space<vmem>> -> memref<1x128xi32, #tpu.memory_space<vmem>>
          %dma_wait3A_597 = tpu.memref_squeeze %dma_wait3A_596 : memref<1x128xi32, #tpu.memory_space<vmem>> -> memref<128xi32, #tpu.memory_space<vmem>>
          %dma_wait3A_598 = arith.constant 0 : i32
          %dma_wait3A_599 = arith.constant 0 : i32
          %dma_wait3A_600 = tpu.memref_slice %arg14[%dma_wait3A_598, %dma_wait3A_599] : memref<10240x128xf32, #tpu.memory_space<vmem_shared>> -> memref<10240x128xf32, #tpu.memory_space<vmem_shared>>
          tpu.wait_indirect_dma semaphore(%arg20 : memref<!tpu.dma_semaphore, #tpu.memory_space<semaphore_mem>>) src(%arg13 : memref<128x128xf32, #tpu.memory_space<vmem>>) dst(%dma_wait3A_600 : memref<10240x128xf32, #tpu.memory_space<vmem_shared>>)
        } else {
        }
        %dma_start3A_543 = arith.constant 7 : i32
        %dma_start3A_544 = arith.constant 0 : i32
        %dma_start3A_545 = tpu.memref_slice %arg10[%dma_start3A_543, %dma_start3A_544] : memref<8x128xi32, #tpu.memory_space<vmem>> -> memref<1x128xi32, #tpu.memory_space<vmem>>
        %dma_start3A_546 = tpu.memref_squeeze %dma_start3A_545 : memref<1x128xi32, #tpu.memory_space<vmem>> -> memref<128xi32, #tpu.memory_space<vmem>>
        %dma_start3A_547 = arith.constant 0 : i32
        %dma_start3A_548 = arith.constant 0 : i32
        %dma_start3A_549 = tpu.memref_slice %arg4[%dma_start3A_547, %dma_start3A_548] : memref<270000x128xf32, #tpu.memory_space<hbm>> -> memref<270000x128xf32, #tpu.memory_space<hbm>>
        tpu.enqueue_indirect_dma source(%dma_start3A_549 : memref<270000x128xf32, #tpu.memory_space<hbm>>) target(%arg13 : memref<128x128xf32, #tpu.memory_space<vmem>>) offsets(%dma_start3A_546 : memref<128xi32, #tpu.memory_space<vmem>>) semaphore(%arg18 : memref<!tpu.dma_semaphore, #tpu.memory_space<semaphore_mem>>)
        %dma_wait3A_550 = arith.constant 6 : i32
        %dma_wait3A_551 = arith.constant 0 : i32
        %dma_wait3A_552 = tpu.memref_slice %arg10[%dma_wait3A_550, %dma_wait3A_551] : memref<8x128xi32, #tpu.memory_space<vmem>> -> memref<1x128xi32, #tpu.memory_space<vmem>>
        %dma_wait3A_553 = tpu.memref_squeeze %dma_wait3A_552 : memref<1x128xi32, #tpu.memory_space<vmem>> -> memref<128xi32, #tpu.memory_space<vmem>>
        %dma_wait3A_554 = arith.constant 0 : i32
        %dma_wait3A_555 = arith.constant 0 : i32
        %dma_wait3A_556 = tpu.memref_slice %arg4[%dma_wait3A_554, %dma_wait3A_555] : memref<270000x128xf32, #tpu.memory_space<hbm>> -> memref<270000x128xf32, #tpu.memory_space<hbm>>
        tpu.wait_indirect_dma semaphore(%arg17 : memref<!tpu.dma_semaphore, #tpu.memory_space<semaphore_mem>>) src(%dma_wait3A_556 : memref<270000x128xf32, #tpu.memory_space<hbm>>) dst(%arg12 : memref<128x128xf32, #tpu.memory_space<vmem>>)
        %dma_start3A_557 = arith.constant 6 : i32
        %dma_start3A_558 = arith.constant 0 : i32
        %dma_start3A_559 = tpu.memref_slice %arg11[%dma_start3A_557, %dma_start3A_558] : memref<8x128xi32, #tpu.memory_space<vmem>> -> memref<1x128xi32, #tpu.memory_space<vmem>>
        %dma_start3A_560 = tpu.memref_squeeze %dma_start3A_559 : memref<1x128xi32, #tpu.memory_space<vmem>> -> memref<128xi32, #tpu.memory_space<vmem>>
        %dma_start3A_561 = arith.constant 0 : i32
        %dma_start3A_562 = arith.constant 0 : i32
        %dma_start3A_563 = tpu.memref_slice %arg14[%dma_start3A_561, %dma_start3A_562] : memref<10240x128xf32, #tpu.memory_space<vmem_shared>> -> memref<10240x128xf32, #tpu.memory_space<vmem_shared>>
        tpu.enqueue_indirect_dma source(%arg12 : memref<128x128xf32, #tpu.memory_space<vmem>>) target(%dma_start3A_563 : memref<10240x128xf32, #tpu.memory_space<vmem_shared>>) offsets(%dma_start3A_560 : memref<128xi32, #tpu.memory_space<vmem>>) semaphore(%arg19 : memref<!tpu.dma_semaphore, #tpu.memory_space<semaphore_mem>>) {add = true}
        %mul3A_564 = arith.constant 8 : i32
        %mul3A_565 = arith.muli %add3A_339, %mul3A_564 : i32
        %add3A_566 = arith.constant 7 : i32
        %add3A_567 = arith.addi %mul3A_565, %add3A_566 : i32
        %ge3A_568 = arith.constant 1 : i32
        %ge3A_569 = arith.cmpi sge, %add3A_567, %ge3A_568 : i32
        %convert_element_type3A_570 = arith.extui %ge3A_569 : i1 to i32
        %cond3A_571 = arith.constant 0 : i32
        %cond3A_572 = arith.cmpi ne, %convert_element_type3A_570, %cond3A_571 : i32
        scf.if %cond3A_572 {
          %dma_wait3A_594 = arith.constant 6 : i32
          %dma_wait3A_595 = arith.constant 0 : i32
          %dma_wait3A_596 = tpu.memref_slice %arg11[%dma_wait3A_594, %dma_wait3A_595] : memref<8x128xi32, #tpu.memory_space<vmem>> -> memref<1x128xi32, #tpu.memory_space<vmem>>
          %dma_wait3A_597 = tpu.memref_squeeze %dma_wait3A_596 : memref<1x128xi32, #tpu.memory_space<vmem>> -> memref<128xi32, #tpu.memory_space<vmem>>
          %dma_wait3A_598 = arith.constant 0 : i32
          %dma_wait3A_599 = arith.constant 0 : i32
          %dma_wait3A_600 = tpu.memref_slice %arg14[%dma_wait3A_598, %dma_wait3A_599] : memref<10240x128xf32, #tpu.memory_space<vmem_shared>> -> memref<10240x128xf32, #tpu.memory_space<vmem_shared>>
          tpu.wait_indirect_dma semaphore(%arg19 : memref<!tpu.dma_semaphore, #tpu.memory_space<semaphore_mem>>) src(%arg12 : memref<128x128xf32, #tpu.memory_space<vmem>>) dst(%dma_wait3A_600 : memref<10240x128xf32, #tpu.memory_space<vmem_shared>>)
        } else {
        }
        %add3A_573 = arith.constant 1 : i32
        %add3A_574 = arith.addi %add3A_339, %add3A_573 : i32
        %lt3A_575 = arith.constant 20 : i32
        %lt3A_576 = arith.cmpi slt, %add3A_574, %lt3A_575 : i32
        %convert_element_type3A_577 = arith.extui %lt3A_576 : i1 to i32
        %cond3A_578 = arith.constant 0 : i32
        %cond3A_579 = arith.cmpi ne, %convert_element_type3A_577, %cond3A_578 : i32
        scf.if %cond3A_579 {
          %dma_start3A_594 = arith.constant 0 : i32
          %dma_start3A_595 = arith.constant 0 : i32
          %dma_start3A_596 = tpu.memref_slice %arg8[%dma_start3A_594, %dma_start3A_595] : memref<8x128xi32, #tpu.memory_space<vmem>> -> memref<1x128xi32, #tpu.memory_space<vmem>>
          %dma_start3A_597 = tpu.memref_squeeze %dma_start3A_596 : memref<1x128xi32, #tpu.memory_space<vmem>> -> memref<128xi32, #tpu.memory_space<vmem>>
          %dma_start3A_598 = arith.constant 0 : i32
          %dma_start3A_599 = arith.constant 0 : i32
          %dma_start3A_600 = tpu.memref_slice %arg4[%dma_start3A_598, %dma_start3A_599] : memref<270000x128xf32, #tpu.memory_space<hbm>> -> memref<270000x128xf32, #tpu.memory_space<hbm>>
          tpu.enqueue_indirect_dma source(%dma_start3A_600 : memref<270000x128xf32, #tpu.memory_space<hbm>>) target(%arg12 : memref<128x128xf32, #tpu.memory_space<vmem>>) offsets(%dma_start3A_597 : memref<128xi32, #tpu.memory_space<vmem>>) semaphore(%arg17 : memref<!tpu.dma_semaphore, #tpu.memory_space<semaphore_mem>>)
        } else {
        }
        %dma_wait3A_580 = arith.constant 7 : i32
        %dma_wait3A_581 = arith.constant 0 : i32
        %dma_wait3A_582 = tpu.memref_slice %arg10[%dma_wait3A_580, %dma_wait3A_581] : memref<8x128xi32, #tpu.memory_space<vmem>> -> memref<1x128xi32, #tpu.memory_space<vmem>>
        %dma_wait3A_583 = tpu.memref_squeeze %dma_wait3A_582 : memref<1x128xi32, #tpu.memory_space<vmem>> -> memref<128xi32, #tpu.memory_space<vmem>>
        %dma_wait3A_584 = arith.constant 0 : i32
        %dma_wait3A_585 = arith.constant 0 : i32
        %dma_wait3A_586 = tpu.memref_slice %arg4[%dma_wait3A_584, %dma_wait3A_585] : memref<270000x128xf32, #tpu.memory_space<hbm>> -> memref<270000x128xf32, #tpu.memory_space<hbm>>
        tpu.wait_indirect_dma semaphore(%arg18 : memref<!tpu.dma_semaphore, #tpu.memory_space<semaphore_mem>>) src(%dma_wait3A_586 : memref<270000x128xf32, #tpu.memory_space<hbm>>) dst(%arg13 : memref<128x128xf32, #tpu.memory_space<vmem>>)
        %dma_start3A_587 = arith.constant 7 : i32
        %dma_start3A_588 = arith.constant 0 : i32
        %dma_start3A_589 = tpu.memref_slice %arg11[%dma_start3A_587, %dma_start3A_588] : memref<8x128xi32, #tpu.memory_space<vmem>> -> memref<1x128xi32, #tpu.memory_space<vmem>>
        %dma_start3A_590 = tpu.memref_squeeze %dma_start3A_589 : memref<1x128xi32, #tpu.memory_space<vmem>> -> memref<128xi32, #tpu.memory_space<vmem>>
        %dma_start3A_591 = arith.constant 0 : i32
        %dma_start3A_592 = arith.constant 0 : i32
        %dma_start3A_593 = tpu.memref_slice %arg14[%dma_start3A_591, %dma_start3A_592] : memref<10240x128xf32, #tpu.memory_space<vmem_shared>> -> memref<10240x128xf32, #tpu.memory_space<vmem_shared>>
        tpu.enqueue_indirect_dma source(%arg13 : memref<128x128xf32, #tpu.memory_space<vmem>>) target(%dma_start3A_593 : memref<10240x128xf32, #tpu.memory_space<vmem_shared>>) offsets(%dma_start3A_590 : memref<128xi32, #tpu.memory_space<vmem>>) semaphore(%arg20 : memref<!tpu.dma_semaphore, #tpu.memory_space<semaphore_mem>>) {add = true}
      }
      %scan3A_73 = arith.constant 10 : i32
      %dma_wait3A_74 = arith.constant 7 : i32
      %dma_wait3A_75 = arith.constant 0 : i32
      %dma_wait3A_76 = tpu.memref_slice %arg11[%dma_wait3A_74, %dma_wait3A_75] : memref<8x128xi32, #tpu.memory_space<vmem>> -> memref<1x128xi32, #tpu.memory_space<vmem>>
      %dma_wait3A_77 = tpu.memref_squeeze %dma_wait3A_76 : memref<1x128xi32, #tpu.memory_space<vmem>> -> memref<128xi32, #tpu.memory_space<vmem>>
      %dma_wait3A_78 = arith.constant 0 : i32
      %dma_wait3A_79 = arith.constant 0 : i32
      %dma_wait3A_80 = tpu.memref_slice %arg14[%dma_wait3A_78, %dma_wait3A_79] : memref<10240x128xf32, #tpu.memory_space<vmem_shared>> -> memref<10240x128xf32, #tpu.memory_space<vmem_shared>>
      tpu.wait_indirect_dma semaphore(%arg20 : memref<!tpu.dma_semaphore, #tpu.memory_space<semaphore_mem>>) src(%arg13 : memref<128x128xf32, #tpu.memory_space<vmem>>) dst(%dma_wait3A_80 : memref<10240x128xf32, #tpu.memory_space<vmem_shared>>)
    } else {
    }
    %eq3A_27 = arith.constant 1 : i32
    %eq3A_28 = arith.cmpi eq, %arg0, %eq3A_27 : i32
    %convert_element_type3A_29 = arith.extui %eq3A_28 : i1 to i32
    %cond3A_30 = arith.constant 0 : i32
    %cond3A_31 = arith.cmpi ne, %convert_element_type3A_29, %cond3A_30 : i32
    scf.if %cond3A_31 {
      %add3A_43 = arith.constant 0 : i32
      %add3A_44 = arith.addi %mul3A_0, %add3A_43 : i32
      %dma_start3A = arith.constant 0 : i32
      %dma_start3A_45 = tpu.memref_slice %arg2[%add3A_44, %dma_start3A] : memref<2560x128xi32, #tpu.memory_space<hbm>> -> memref<8x128xi32, #tpu.memory_space<hbm>>
      %dma_start3A_46 = arith.constant 0 : i32
      %dma_start3A_47 = tpu.memref_slice %arg2[%add3A_44, %dma_start3A_46] : memref<2560x128xi32, #tpu.memory_space<hbm>> -> memref<8x128xi32, #tpu.memory_space<hbm>>
      tpu.enqueue_dma source(%dma_start3A_47 : memref<8x128xi32, #tpu.memory_space<hbm>>) target(%arg8 : memref<8x128xi32, #tpu.memory_space<vmem>>) target_semaphore(%arg15 : memref<!tpu.dma_semaphore, #tpu.memory_space<semaphore_mem>>)
      %dma_start3A_48 = arith.constant 0 : i32
      %dma_start3A_49 = tpu.memref_slice %arg3[%add3A_44, %dma_start3A_48] : memref<2560x128xi32, #tpu.memory_space<hbm>> -> memref<8x128xi32, #tpu.memory_space<hbm>>
      %dma_start3A_50 = arith.constant 0 : i32
      %dma_start3A_51 = tpu.memref_slice %arg3[%add3A_44, %dma_start3A_50] : memref<2560x128xi32, #tpu.memory_space<hbm>> -> memref<8x128xi32, #tpu.memory_space<hbm>>
      tpu.enqueue_dma source(%dma_start3A_51 : memref<8x128xi32, #tpu.memory_space<hbm>>) target(%arg9 : memref<8x128xi32, #tpu.memory_space<vmem>>) target_semaphore(%arg15 : memref<!tpu.dma_semaphore, #tpu.memory_space<semaphore_mem>>)
      %add3A_52 = arith.constant 0 : i32
      %add3A_53 = arith.addi %mul3A_0, %add3A_52 : i32
      %dma_wait3A = arith.constant 0 : i32
      %dma_wait3A_54 = tpu.memref_slice %arg2[%add3A_53, %dma_wait3A] : memref<2560x128xi32, #tpu.memory_space<hbm>> -> memref<8x128xi32, #tpu.memory_space<hbm>>
      %dma_wait3A_55 = arith.constant 0 : i32
      %dma_wait3A_56 = tpu.memref_slice %arg2[%add3A_53, %dma_wait3A_55] : memref<2560x128xi32, #tpu.memory_space<hbm>> -> memref<8x128xi32, #tpu.memory_space<hbm>>
      tpu.wait_dma2 semaphore(%arg15 : memref<!tpu.dma_semaphore, #tpu.memory_space<semaphore_mem>>) src(%dma_wait3A_56 : memref<8x128xi32, #tpu.memory_space<hbm>>) dst(%arg8 : memref<8x128xi32, #tpu.memory_space<vmem>>)
      %dma_wait3A_57 = arith.constant 0 : i32
      %dma_wait3A_58 = tpu.memref_slice %arg3[%add3A_53, %dma_wait3A_57] : memref<2560x128xi32, #tpu.memory_space<hbm>> -> memref<8x128xi32, #tpu.memory_space<hbm>>
      %dma_wait3A_59 = arith.constant 0 : i32
      %dma_wait3A_60 = tpu.memref_slice %arg3[%add3A_53, %dma_wait3A_59] : memref<2560x128xi32, #tpu.memory_space<hbm>> -> memref<8x128xi32, #tpu.memory_space<hbm>>
      tpu.wait_dma2 semaphore(%arg15 : memref<!tpu.dma_semaphore, #tpu.memory_space<semaphore_mem>>) src(%dma_wait3A_60 : memref<8x128xi32, #tpu.memory_space<hbm>>) dst(%arg9 : memref<8x128xi32, #tpu.memory_space<vmem>>)
      %dma_start3A_61 = arith.constant 0 : i32
      %dma_start3A_62 = arith.constant 0 : i32
      %dma_start3A_63 = tpu.memref_slice %arg8[%dma_start3A_61, %dma_start3A_62] : memref<8x128xi32, #tpu.memory_space<vmem>> -> memref<1x128xi32, #tpu.memory_space<vmem>>
      %dma_start3A_64 = tpu.memref_squeeze %dma_start3A_63 : memref<1x128xi32, #tpu.memory_space<vmem>> -> memref<128xi32, #tpu.memory_space<vmem>>
      %dma_start3A_65 = arith.constant 0 : i32
      %dma_start3A_66 = arith.constant 0 : i32
      %dma_start3A_67 = tpu.memref_slice %arg5[%dma_start3A_65, %dma_start3A_66] : memref<270000x128xf32, #tpu.memory_space<hbm>> -> memref<270000x128xf32, #tpu.memory_space<hbm>>
      tpu.enqueue_indirect_dma source(%dma_start3A_67 : memref<270000x128xf32, #tpu.memory_space<hbm>>) target(%arg12 : memref<128x128xf32, #tpu.memory_space<vmem>>) offsets(%dma_start3A_64 : memref<128xi32, #tpu.memory_space<vmem>>) semaphore(%arg17 : memref<!tpu.dma_semaphore, #tpu.memory_space<semaphore_mem>>)
      %scan3A_68 = arith.constant 0 : i32
      %scan3A_69 = arith.constant 0 : i32
      %scan3A_70 = arith.constant 10 : i32
      %scan3A_71 = arith.addi %scan3A_69, %scan3A_70 : i32
      %scan3A_72 = arith.constant 1 : i32
      scf.for %scan3A_81 = %scan3A_69 to %scan3A_71 step %scan3A_72  : i32 {
        %mul3A_82 = arith.constant 2 : i32
        %mul3A_83 = arith.muli %mul3A_82, %scan3A_81 : i32
        %mul3A_84 = arith.constant 8 : i32
        %mul3A_85 = arith.muli %mul3A_83, %mul3A_84 : i32
        %add3A_86 = arith.constant 0 : i32
        %add3A_87 = arith.addi %mul3A_85, %add3A_86 : i32
        %ge3A = arith.constant 1 : i32
        %ge3A_88 = arith.cmpi sge, %add3A_87, %ge3A : i32
        %convert_element_type3A_89 = arith.extui %ge3A_88 : i1 to i32
        %cond3A_90 = arith.constant 0 : i32
        %cond3A_91 = arith.cmpi ne, %convert_element_type3A_89, %cond3A_90 : i32
        scf.if %cond3A_91 {
          %dma_wait3A_594 = arith.constant 0 : i32
          %dma_wait3A_595 = arith.constant 0 : i32
          %dma_wait3A_596 = tpu.memref_slice %arg9[%dma_wait3A_594, %dma_wait3A_595] : memref<8x128xi32, #tpu.memory_space<vmem>> -> memref<1x128xi32, #tpu.memory_space<vmem>>
          %dma_wait3A_597 = tpu.memref_squeeze %dma_wait3A_596 : memref<1x128xi32, #tpu.memory_space<vmem>> -> memref<128xi32, #tpu.memory_space<vmem>>
          %dma_wait3A_598 = arith.constant 0 : i32
          %dma_wait3A_599 = arith.constant 0 : i32
          %dma_wait3A_600 = tpu.memref_slice %arg14[%dma_wait3A_598, %dma_wait3A_599] : memref<10240x128xf32, #tpu.memory_space<vmem_shared>> -> memref<10240x128xf32, #tpu.memory_space<vmem_shared>>
          tpu.wait_indirect_dma semaphore(%arg20 : memref<!tpu.dma_semaphore, #tpu.memory_space<semaphore_mem>>) src(%arg13 : memref<128x128xf32, #tpu.memory_space<vmem>>) dst(%dma_wait3A_600 : memref<10240x128xf32, #tpu.memory_space<vmem_shared>>)
        } else {
        }
        %dma_start3A_92 = arith.constant 1 : i32
        %dma_start3A_93 = arith.constant 0 : i32
        %dma_start3A_94 = tpu.memref_slice %arg8[%dma_start3A_92, %dma_start3A_93] : memref<8x128xi32, #tpu.memory_space<vmem>> -> memref<1x128xi32, #tpu.memory_space<vmem>>
        %dma_start3A_95 = tpu.memref_squeeze %dma_start3A_94 : memref<1x128xi32, #tpu.memory_space<vmem>> -> memref<128xi32, #tpu.memory_space<vmem>>
        %dma_start3A_96 = arith.constant 0 : i32
        %dma_start3A_97 = arith.constant 0 : i32
        %dma_start3A_98 = tpu.memref_slice %arg5[%dma_start3A_96, %dma_start3A_97] : memref<270000x128xf32, #tpu.memory_space<hbm>> -> memref<270000x128xf32, #tpu.memory_space<hbm>>
        tpu.enqueue_indirect_dma source(%dma_start3A_98 : memref<270000x128xf32, #tpu.memory_space<hbm>>) target(%arg13 : memref<128x128xf32, #tpu.memory_space<vmem>>) offsets(%dma_start3A_95 : memref<128xi32, #tpu.memory_space<vmem>>) semaphore(%arg18 : memref<!tpu.dma_semaphore, #tpu.memory_space<semaphore_mem>>)
        %dma_wait3A_99 = arith.constant 0 : i32
        %dma_wait3A_100 = arith.constant 0 : i32
        %dma_wait3A_101 = tpu.memref_slice %arg8[%dma_wait3A_99, %dma_wait3A_100] : memref<8x128xi32, #tpu.memory_space<vmem>> -> memref<1x128xi32, #tpu.memory_space<vmem>>
        %dma_wait3A_102 = tpu.memref_squeeze %dma_wait3A_101 : memref<1x128xi32, #tpu.memory_space<vmem>> -> memref<128xi32, #tpu.memory_space<vmem>>
        %dma_wait3A_103 = arith.constant 0 : i32
        %dma_wait3A_104 = arith.constant 0 : i32
        %dma_wait3A_105 = tpu.memref_slice %arg5[%dma_wait3A_103, %dma_wait3A_104] : memref<270000x128xf32, #tpu.memory_space<hbm>> -> memref<270000x128xf32, #tpu.memory_space<hbm>>
        tpu.wait_indirect_dma semaphore(%arg17 : memref<!tpu.dma_semaphore, #tpu.memory_space<semaphore_mem>>) src(%dma_wait3A_105 : memref<270000x128xf32, #tpu.memory_space<hbm>>) dst(%arg12 : memref<128x128xf32, #tpu.memory_space<vmem>>)
        %dma_start3A_106 = arith.constant 0 : i32
        %dma_start3A_107 = arith.constant 0 : i32
        %dma_start3A_108 = tpu.memref_slice %arg9[%dma_start3A_106, %dma_start3A_107] : memref<8x128xi32, #tpu.memory_space<vmem>> -> memref<1x128xi32, #tpu.memory_space<vmem>>
        %dma_start3A_109 = tpu.memref_squeeze %dma_start3A_108 : memref<1x128xi32, #tpu.memory_space<vmem>> -> memref<128xi32, #tpu.memory_space<vmem>>
        %dma_start3A_110 = arith.constant 0 : i32
        %dma_start3A_111 = arith.constant 0 : i32
        %dma_start3A_112 = tpu.memref_slice %arg14[%dma_start3A_110, %dma_start3A_111] : memref<10240x128xf32, #tpu.memory_space<vmem_shared>> -> memref<10240x128xf32, #tpu.memory_space<vmem_shared>>
        tpu.enqueue_indirect_dma source(%arg12 : memref<128x128xf32, #tpu.memory_space<vmem>>) target(%dma_start3A_112 : memref<10240x128xf32, #tpu.memory_space<vmem_shared>>) offsets(%dma_start3A_109 : memref<128xi32, #tpu.memory_space<vmem>>) semaphore(%arg19 : memref<!tpu.dma_semaphore, #tpu.memory_space<semaphore_mem>>) {add = true}
        %add3A_113 = arith.constant 1 : i32
        %add3A_114 = arith.addi %mul3A_83, %add3A_113 : i32
        %lt3A = arith.constant 20 : i32
        %lt3A_115 = arith.cmpi slt, %add3A_114, %lt3A : i32
        %convert_element_type3A_116 = arith.extui %lt3A_115 : i1 to i32
        %cond3A_117 = arith.constant 0 : i32
        %cond3A_118 = arith.cmpi ne, %convert_element_type3A_116, %cond3A_117 : i32
        scf.if %cond3A_118 {
          %add3A_594 = arith.constant 1 : i32
          %add3A_595 = arith.addi %mul3A_83, %add3A_594 : i32
          %mul3A_596 = arith.constant 8 : i32
          %mul3A_597 = arith.muli %add3A_595, %mul3A_596 : i32
          %add3A_598 = arith.addi %mul3A_0, %mul3A_597 : i32
          %dma_start3A_599 = arith.constant 0 : i32
          %dma_start3A_600 = tpu.memref_slice %arg2[%add3A_598, %dma_start3A_599] : memref<2560x128xi32, #tpu.memory_space<hbm>> -> memref<8x128xi32, #tpu.memory_space<hbm>>
          %dma_start3A_601 = arith.constant 0 : i32
          %dma_start3A_602 = tpu.memref_slice %arg2[%add3A_598, %dma_start3A_601] : memref<2560x128xi32, #tpu.memory_space<hbm>> -> memref<8x128xi32, #tpu.memory_space<hbm>>
          tpu.enqueue_dma source(%dma_start3A_602 : memref<8x128xi32, #tpu.memory_space<hbm>>) target(%arg10 : memref<8x128xi32, #tpu.memory_space<vmem>>) target_semaphore(%arg16 : memref<!tpu.dma_semaphore, #tpu.memory_space<semaphore_mem>>)
          %dma_start3A_603 = arith.constant 0 : i32
          %dma_start3A_604 = tpu.memref_slice %arg3[%add3A_598, %dma_start3A_603] : memref<2560x128xi32, #tpu.memory_space<hbm>> -> memref<8x128xi32, #tpu.memory_space<hbm>>
          %dma_start3A_605 = arith.constant 0 : i32
          %dma_start3A_606 = tpu.memref_slice %arg3[%add3A_598, %dma_start3A_605] : memref<2560x128xi32, #tpu.memory_space<hbm>> -> memref<8x128xi32, #tpu.memory_space<hbm>>
          tpu.enqueue_dma source(%dma_start3A_606 : memref<8x128xi32, #tpu.memory_space<hbm>>) target(%arg11 : memref<8x128xi32, #tpu.memory_space<vmem>>) target_semaphore(%arg16 : memref<!tpu.dma_semaphore, #tpu.memory_space<semaphore_mem>>)
        } else {
        }
        %mul3A_119 = arith.constant 8 : i32
        %mul3A_120 = arith.muli %mul3A_83, %mul3A_119 : i32
        %add3A_121 = arith.constant 1 : i32
        %add3A_122 = arith.addi %mul3A_120, %add3A_121 : i32
        %ge3A_123 = arith.constant 1 : i32
        %ge3A_124 = arith.cmpi sge, %add3A_122, %ge3A_123 : i32
        %convert_element_type3A_125 = arith.extui %ge3A_124 : i1 to i32
        %cond3A_126 = arith.constant 0 : i32
        %cond3A_127 = arith.cmpi ne, %convert_element_type3A_125, %cond3A_126 : i32
        scf.if %cond3A_127 {
          %dma_wait3A_594 = arith.constant 0 : i32
          %dma_wait3A_595 = arith.constant 0 : i32
          %dma_wait3A_596 = tpu.memref_slice %arg9[%dma_wait3A_594, %dma_wait3A_595] : memref<8x128xi32, #tpu.memory_space<vmem>> -> memref<1x128xi32, #tpu.memory_space<vmem>>
          %dma_wait3A_597 = tpu.memref_squeeze %dma_wait3A_596 : memref<1x128xi32, #tpu.memory_space<vmem>> -> memref<128xi32, #tpu.memory_space<vmem>>
          %dma_wait3A_598 = arith.constant 0 : i32
          %dma_wait3A_599 = arith.constant 0 : i32
          %dma_wait3A_600 = tpu.memref_slice %arg14[%dma_wait3A_598, %dma_wait3A_599] : memref<10240x128xf32, #tpu.memory_space<vmem_shared>> -> memref<10240x128xf32, #tpu.memory_space<vmem_shared>>
          tpu.wait_indirect_dma semaphore(%arg19 : memref<!tpu.dma_semaphore, #tpu.memory_space<semaphore_mem>>) src(%arg12 : memref<128x128xf32, #tpu.memory_space<vmem>>) dst(%dma_wait3A_600 : memref<10240x128xf32, #tpu.memory_space<vmem_shared>>)
        } else {
        }
        %dma_start3A_128 = arith.constant 2 : i32
        %dma_start3A_129 = arith.constant 0 : i32
        %dma_start3A_130 = tpu.memref_slice %arg8[%dma_start3A_128, %dma_start3A_129] : memref<8x128xi32, #tpu.memory_space<vmem>> -> memref<1x128xi32, #tpu.memory_space<vmem>>
        %dma_start3A_131 = tpu.memref_squeeze %dma_start3A_130 : memref<1x128xi32, #tpu.memory_space<vmem>> -> memref<128xi32, #tpu.memory_space<vmem>>
        %dma_start3A_132 = arith.constant 0 : i32
        %dma_start3A_133 = arith.constant 0 : i32
        %dma_start3A_134 = tpu.memref_slice %arg5[%dma_start3A_132, %dma_start3A_133] : memref<270000x128xf32, #tpu.memory_space<hbm>> -> memref<270000x128xf32, #tpu.memory_space<hbm>>
        tpu.enqueue_indirect_dma source(%dma_start3A_134 : memref<270000x128xf32, #tpu.memory_space<hbm>>) target(%arg12 : memref<128x128xf32, #tpu.memory_space<vmem>>) offsets(%dma_start3A_131 : memref<128xi32, #tpu.memory_space<vmem>>) semaphore(%arg17 : memref<!tpu.dma_semaphore, #tpu.memory_space<semaphore_mem>>)
        %dma_wait3A_135 = arith.constant 1 : i32
        %dma_wait3A_136 = arith.constant 0 : i32
        %dma_wait3A_137 = tpu.memref_slice %arg8[%dma_wait3A_135, %dma_wait3A_136] : memref<8x128xi32, #tpu.memory_space<vmem>> -> memref<1x128xi32, #tpu.memory_space<vmem>>
        %dma_wait3A_138 = tpu.memref_squeeze %dma_wait3A_137 : memref<1x128xi32, #tpu.memory_space<vmem>> -> memref<128xi32, #tpu.memory_space<vmem>>
        %dma_wait3A_139 = arith.constant 0 : i32
        %dma_wait3A_140 = arith.constant 0 : i32
        %dma_wait3A_141 = tpu.memref_slice %arg5[%dma_wait3A_139, %dma_wait3A_140] : memref<270000x128xf32, #tpu.memory_space<hbm>> -> memref<270000x128xf32, #tpu.memory_space<hbm>>
        tpu.wait_indirect_dma semaphore(%arg18 : memref<!tpu.dma_semaphore, #tpu.memory_space<semaphore_mem>>) src(%dma_wait3A_141 : memref<270000x128xf32, #tpu.memory_space<hbm>>) dst(%arg13 : memref<128x128xf32, #tpu.memory_space<vmem>>)
        %dma_start3A_142 = arith.constant 1 : i32
        %dma_start3A_143 = arith.constant 0 : i32
        %dma_start3A_144 = tpu.memref_slice %arg9[%dma_start3A_142, %dma_start3A_143] : memref<8x128xi32, #tpu.memory_space<vmem>> -> memref<1x128xi32, #tpu.memory_space<vmem>>
        %dma_start3A_145 = tpu.memref_squeeze %dma_start3A_144 : memref<1x128xi32, #tpu.memory_space<vmem>> -> memref<128xi32, #tpu.memory_space<vmem>>
        %dma_start3A_146 = arith.constant 0 : i32
        %dma_start3A_147 = arith.constant 0 : i32
        %dma_start3A_148 = tpu.memref_slice %arg14[%dma_start3A_146, %dma_start3A_147] : memref<10240x128xf32, #tpu.memory_space<vmem_shared>> -> memref<10240x128xf32, #tpu.memory_space<vmem_shared>>
        tpu.enqueue_indirect_dma source(%arg13 : memref<128x128xf32, #tpu.memory_space<vmem>>) target(%dma_start3A_148 : memref<10240x128xf32, #tpu.memory_space<vmem_shared>>) offsets(%dma_start3A_145 : memref<128xi32, #tpu.memory_space<vmem>>) semaphore(%arg20 : memref<!tpu.dma_semaphore, #tpu.memory_space<semaphore_mem>>) {add = true}
        %mul3A_149 = arith.constant 8 : i32
        %mul3A_150 = arith.muli %mul3A_83, %mul3A_149 : i32
        %add3A_151 = arith.constant 2 : i32
        %add3A_152 = arith.addi %mul3A_150, %add3A_151 : i32
        %ge3A_153 = arith.constant 1 : i32
        %ge3A_154 = arith.cmpi sge, %add3A_152, %ge3A_153 : i32
        %convert_element_type3A_155 = arith.extui %ge3A_154 : i1 to i32
        %cond3A_156 = arith.constant 0 : i32
        %cond3A_157 = arith.cmpi ne, %convert_element_type3A_155, %cond3A_156 : i32
        scf.if %cond3A_157 {
          %dma_wait3A_594 = arith.constant 1 : i32
          %dma_wait3A_595 = arith.constant 0 : i32
          %dma_wait3A_596 = tpu.memref_slice %arg9[%dma_wait3A_594, %dma_wait3A_595] : memref<8x128xi32, #tpu.memory_space<vmem>> -> memref<1x128xi32, #tpu.memory_space<vmem>>
          %dma_wait3A_597 = tpu.memref_squeeze %dma_wait3A_596 : memref<1x128xi32, #tpu.memory_space<vmem>> -> memref<128xi32, #tpu.memory_space<vmem>>
          %dma_wait3A_598 = arith.constant 0 : i32
          %dma_wait3A_599 = arith.constant 0 : i32
          %dma_wait3A_600 = tpu.memref_slice %arg14[%dma_wait3A_598, %dma_wait3A_599] : memref<10240x128xf32, #tpu.memory_space<vmem_shared>> -> memref<10240x128xf32, #tpu.memory_space<vmem_shared>>
          tpu.wait_indirect_dma semaphore(%arg20 : memref<!tpu.dma_semaphore, #tpu.memory_space<semaphore_mem>>) src(%arg13 : memref<128x128xf32, #tpu.memory_space<vmem>>) dst(%dma_wait3A_600 : memref<10240x128xf32, #tpu.memory_space<vmem_shared>>)
        } else {
        }
        %dma_start3A_158 = arith.constant 3 : i32
        %dma_start3A_159 = arith.constant 0 : i32
        %dma_start3A_160 = tpu.memref_slice %arg8[%dma_start3A_158, %dma_start3A_159] : memref<8x128xi32, #tpu.memory_space<vmem>> -> memref<1x128xi32, #tpu.memory_space<vmem>>
        %dma_start3A_161 = tpu.memref_squeeze %dma_start3A_160 : memref<1x128xi32, #tpu.memory_space<vmem>> -> memref<128xi32, #tpu.memory_space<vmem>>
        %dma_start3A_162 = arith.constant 0 : i32
        %dma_start3A_163 = arith.constant 0 : i32
        %dma_start3A_164 = tpu.memref_slice %arg5[%dma_start3A_162, %dma_start3A_163] : memref<270000x128xf32, #tpu.memory_space<hbm>> -> memref<270000x128xf32, #tpu.memory_space<hbm>>
        tpu.enqueue_indirect_dma source(%dma_start3A_164 : memref<270000x128xf32, #tpu.memory_space<hbm>>) target(%arg13 : memref<128x128xf32, #tpu.memory_space<vmem>>) offsets(%dma_start3A_161 : memref<128xi32, #tpu.memory_space<vmem>>) semaphore(%arg18 : memref<!tpu.dma_semaphore, #tpu.memory_space<semaphore_mem>>)
        %dma_wait3A_165 = arith.constant 2 : i32
        %dma_wait3A_166 = arith.constant 0 : i32
        %dma_wait3A_167 = tpu.memref_slice %arg8[%dma_wait3A_165, %dma_wait3A_166] : memref<8x128xi32, #tpu.memory_space<vmem>> -> memref<1x128xi32, #tpu.memory_space<vmem>>
        %dma_wait3A_168 = tpu.memref_squeeze %dma_wait3A_167 : memref<1x128xi32, #tpu.memory_space<vmem>> -> memref<128xi32, #tpu.memory_space<vmem>>
        %dma_wait3A_169 = arith.constant 0 : i32
        %dma_wait3A_170 = arith.constant 0 : i32
        %dma_wait3A_171 = tpu.memref_slice %arg5[%dma_wait3A_169, %dma_wait3A_170] : memref<270000x128xf32, #tpu.memory_space<hbm>> -> memref<270000x128xf32, #tpu.memory_space<hbm>>
        tpu.wait_indirect_dma semaphore(%arg17 : memref<!tpu.dma_semaphore, #tpu.memory_space<semaphore_mem>>) src(%dma_wait3A_171 : memref<270000x128xf32, #tpu.memory_space<hbm>>) dst(%arg12 : memref<128x128xf32, #tpu.memory_space<vmem>>)
        %dma_start3A_172 = arith.constant 2 : i32
        %dma_start3A_173 = arith.constant 0 : i32
        %dma_start3A_174 = tpu.memref_slice %arg9[%dma_start3A_172, %dma_start3A_173] : memref<8x128xi32, #tpu.memory_space<vmem>> -> memref<1x128xi32, #tpu.memory_space<vmem>>
        %dma_start3A_175 = tpu.memref_squeeze %dma_start3A_174 : memref<1x128xi32, #tpu.memory_space<vmem>> -> memref<128xi32, #tpu.memory_space<vmem>>
        %dma_start3A_176 = arith.constant 0 : i32
        %dma_start3A_177 = arith.constant 0 : i32
        %dma_start3A_178 = tpu.memref_slice %arg14[%dma_start3A_176, %dma_start3A_177] : memref<10240x128xf32, #tpu.memory_space<vmem_shared>> -> memref<10240x128xf32, #tpu.memory_space<vmem_shared>>
        tpu.enqueue_indirect_dma source(%arg12 : memref<128x128xf32, #tpu.memory_space<vmem>>) target(%dma_start3A_178 : memref<10240x128xf32, #tpu.memory_space<vmem_shared>>) offsets(%dma_start3A_175 : memref<128xi32, #tpu.memory_space<vmem>>) semaphore(%arg19 : memref<!tpu.dma_semaphore, #tpu.memory_space<semaphore_mem>>) {add = true}
        %add3A_179 = arith.constant 1 : i32
        %add3A_180 = arith.addi %mul3A_83, %add3A_179 : i32
        %lt3A_181 = arith.constant 20 : i32
        %lt3A_182 = arith.cmpi slt, %add3A_180, %lt3A_181 : i32
        %convert_element_type3A_183 = arith.extui %lt3A_182 : i1 to i32
        %cond3A_184 = arith.constant 0 : i32
        %cond3A_185 = arith.cmpi ne, %convert_element_type3A_183, %cond3A_184 : i32
        scf.if %cond3A_185 {
          %add3A_594 = arith.constant 1 : i32
          %add3A_595 = arith.addi %mul3A_83, %add3A_594 : i32
          %mul3A_596 = arith.constant 8 : i32
          %mul3A_597 = arith.muli %add3A_595, %mul3A_596 : i32
          %add3A_598 = arith.addi %mul3A_0, %mul3A_597 : i32
          %dma_wait3A_599 = arith.constant 0 : i32
          %dma_wait3A_600 = tpu.memref_slice %arg2[%add3A_598, %dma_wait3A_599] : memref<2560x128xi32, #tpu.memory_space<hbm>> -> memref<8x128xi32, #tpu.memory_space<hbm>>
          %dma_wait3A_601 = arith.constant 0 : i32
          %dma_wait3A_602 = tpu.memref_slice %arg2[%add3A_598, %dma_wait3A_601] : memref<2560x128xi32, #tpu.memory_space<hbm>> -> memref<8x128xi32, #tpu.memory_space<hbm>>
          tpu.wait_dma2 semaphore(%arg16 : memref<!tpu.dma_semaphore, #tpu.memory_space<semaphore_mem>>) src(%dma_wait3A_602 : memref<8x128xi32, #tpu.memory_space<hbm>>) dst(%arg10 : memref<8x128xi32, #tpu.memory_space<vmem>>)
          %dma_wait3A_603 = arith.constant 0 : i32
          %dma_wait3A_604 = tpu.memref_slice %arg3[%add3A_598, %dma_wait3A_603] : memref<2560x128xi32, #tpu.memory_space<hbm>> -> memref<8x128xi32, #tpu.memory_space<hbm>>
          %dma_wait3A_605 = arith.constant 0 : i32
          %dma_wait3A_606 = tpu.memref_slice %arg3[%add3A_598, %dma_wait3A_605] : memref<2560x128xi32, #tpu.memory_space<hbm>> -> memref<8x128xi32, #tpu.memory_space<hbm>>
          tpu.wait_dma2 semaphore(%arg16 : memref<!tpu.dma_semaphore, #tpu.memory_space<semaphore_mem>>) src(%dma_wait3A_606 : memref<8x128xi32, #tpu.memory_space<hbm>>) dst(%arg11 : memref<8x128xi32, #tpu.memory_space<vmem>>)
        } else {
        }
        %mul3A_186 = arith.constant 8 : i32
        %mul3A_187 = arith.muli %mul3A_83, %mul3A_186 : i32
        %add3A_188 = arith.constant 3 : i32
        %add3A_189 = arith.addi %mul3A_187, %add3A_188 : i32
        %ge3A_190 = arith.constant 1 : i32
        %ge3A_191 = arith.cmpi sge, %add3A_189, %ge3A_190 : i32
        %convert_element_type3A_192 = arith.extui %ge3A_191 : i1 to i32
        %cond3A_193 = arith.constant 0 : i32
        %cond3A_194 = arith.cmpi ne, %convert_element_type3A_192, %cond3A_193 : i32
        scf.if %cond3A_194 {
          %dma_wait3A_594 = arith.constant 2 : i32
          %dma_wait3A_595 = arith.constant 0 : i32
          %dma_wait3A_596 = tpu.memref_slice %arg9[%dma_wait3A_594, %dma_wait3A_595] : memref<8x128xi32, #tpu.memory_space<vmem>> -> memref<1x128xi32, #tpu.memory_space<vmem>>
          %dma_wait3A_597 = tpu.memref_squeeze %dma_wait3A_596 : memref<1x128xi32, #tpu.memory_space<vmem>> -> memref<128xi32, #tpu.memory_space<vmem>>
          %dma_wait3A_598 = arith.constant 0 : i32
          %dma_wait3A_599 = arith.constant 0 : i32
          %dma_wait3A_600 = tpu.memref_slice %arg14[%dma_wait3A_598, %dma_wait3A_599] : memref<10240x128xf32, #tpu.memory_space<vmem_shared>> -> memref<10240x128xf32, #tpu.memory_space<vmem_shared>>
          tpu.wait_indirect_dma semaphore(%arg19 : memref<!tpu.dma_semaphore, #tpu.memory_space<semaphore_mem>>) src(%arg12 : memref<128x128xf32, #tpu.memory_space<vmem>>) dst(%dma_wait3A_600 : memref<10240x128xf32, #tpu.memory_space<vmem_shared>>)
        } else {
        }
        %dma_start3A_195 = arith.constant 4 : i32
        %dma_start3A_196 = arith.constant 0 : i32
        %dma_start3A_197 = tpu.memref_slice %arg8[%dma_start3A_195, %dma_start3A_196] : memref<8x128xi32, #tpu.memory_space<vmem>> -> memref<1x128xi32, #tpu.memory_space<vmem>>
        %dma_start3A_198 = tpu.memref_squeeze %dma_start3A_197 : memref<1x128xi32, #tpu.memory_space<vmem>> -> memref<128xi32, #tpu.memory_space<vmem>>
        %dma_start3A_199 = arith.constant 0 : i32
        %dma_start3A_200 = arith.constant 0 : i32
        %dma_start3A_201 = tpu.memref_slice %arg5[%dma_start3A_199, %dma_start3A_200] : memref<270000x128xf32, #tpu.memory_space<hbm>> -> memref<270000x128xf32, #tpu.memory_space<hbm>>
        tpu.enqueue_indirect_dma source(%dma_start3A_201 : memref<270000x128xf32, #tpu.memory_space<hbm>>) target(%arg12 : memref<128x128xf32, #tpu.memory_space<vmem>>) offsets(%dma_start3A_198 : memref<128xi32, #tpu.memory_space<vmem>>) semaphore(%arg17 : memref<!tpu.dma_semaphore, #tpu.memory_space<semaphore_mem>>)
        %dma_wait3A_202 = arith.constant 3 : i32
        %dma_wait3A_203 = arith.constant 0 : i32
        %dma_wait3A_204 = tpu.memref_slice %arg8[%dma_wait3A_202, %dma_wait3A_203] : memref<8x128xi32, #tpu.memory_space<vmem>> -> memref<1x128xi32, #tpu.memory_space<vmem>>
        %dma_wait3A_205 = tpu.memref_squeeze %dma_wait3A_204 : memref<1x128xi32, #tpu.memory_space<vmem>> -> memref<128xi32, #tpu.memory_space<vmem>>
        %dma_wait3A_206 = arith.constant 0 : i32
        %dma_wait3A_207 = arith.constant 0 : i32
        %dma_wait3A_208 = tpu.memref_slice %arg5[%dma_wait3A_206, %dma_wait3A_207] : memref<270000x128xf32, #tpu.memory_space<hbm>> -> memref<270000x128xf32, #tpu.memory_space<hbm>>
        tpu.wait_indirect_dma semaphore(%arg18 : memref<!tpu.dma_semaphore, #tpu.memory_space<semaphore_mem>>) src(%dma_wait3A_208 : memref<270000x128xf32, #tpu.memory_space<hbm>>) dst(%arg13 : memref<128x128xf32, #tpu.memory_space<vmem>>)
        %dma_start3A_209 = arith.constant 3 : i32
        %dma_start3A_210 = arith.constant 0 : i32
        %dma_start3A_211 = tpu.memref_slice %arg9[%dma_start3A_209, %dma_start3A_210] : memref<8x128xi32, #tpu.memory_space<vmem>> -> memref<1x128xi32, #tpu.memory_space<vmem>>
        %dma_start3A_212 = tpu.memref_squeeze %dma_start3A_211 : memref<1x128xi32, #tpu.memory_space<vmem>> -> memref<128xi32, #tpu.memory_space<vmem>>
        %dma_start3A_213 = arith.constant 0 : i32
        %dma_start3A_214 = arith.constant 0 : i32
        %dma_start3A_215 = tpu.memref_slice %arg14[%dma_start3A_213, %dma_start3A_214] : memref<10240x128xf32, #tpu.memory_space<vmem_shared>> -> memref<10240x128xf32, #tpu.memory_space<vmem_shared>>
        tpu.enqueue_indirect_dma source(%arg13 : memref<128x128xf32, #tpu.memory_space<vmem>>) target(%dma_start3A_215 : memref<10240x128xf32, #tpu.memory_space<vmem_shared>>) offsets(%dma_start3A_212 : memref<128xi32, #tpu.memory_space<vmem>>) semaphore(%arg20 : memref<!tpu.dma_semaphore, #tpu.memory_space<semaphore_mem>>) {add = true}
        %mul3A_216 = arith.constant 8 : i32
        %mul3A_217 = arith.muli %mul3A_83, %mul3A_216 : i32
        %add3A_218 = arith.constant 4 : i32
        %add3A_219 = arith.addi %mul3A_217, %add3A_218 : i32
        %ge3A_220 = arith.constant 1 : i32
        %ge3A_221 = arith.cmpi sge, %add3A_219, %ge3A_220 : i32
        %convert_element_type3A_222 = arith.extui %ge3A_221 : i1 to i32
        %cond3A_223 = arith.constant 0 : i32
        %cond3A_224 = arith.cmpi ne, %convert_element_type3A_222, %cond3A_223 : i32
        scf.if %cond3A_224 {
          %dma_wait3A_594 = arith.constant 3 : i32
          %dma_wait3A_595 = arith.constant 0 : i32
          %dma_wait3A_596 = tpu.memref_slice %arg9[%dma_wait3A_594, %dma_wait3A_595] : memref<8x128xi32, #tpu.memory_space<vmem>> -> memref<1x128xi32, #tpu.memory_space<vmem>>
          %dma_wait3A_597 = tpu.memref_squeeze %dma_wait3A_596 : memref<1x128xi32, #tpu.memory_space<vmem>> -> memref<128xi32, #tpu.memory_space<vmem>>
          %dma_wait3A_598 = arith.constant 0 : i32
          %dma_wait3A_599 = arith.constant 0 : i32
          %dma_wait3A_600 = tpu.memref_slice %arg14[%dma_wait3A_598, %dma_wait3A_599] : memref<10240x128xf32, #tpu.memory_space<vmem_shared>> -> memref<10240x128xf32, #tpu.memory_space<vmem_shared>>
          tpu.wait_indirect_dma semaphore(%arg20 : memref<!tpu.dma_semaphore, #tpu.memory_space<semaphore_mem>>) src(%arg13 : memref<128x128xf32, #tpu.memory_space<vmem>>) dst(%dma_wait3A_600 : memref<10240x128xf32, #tpu.memory_space<vmem_shared>>)
        } else {
        }
        %dma_start3A_225 = arith.constant 5 : i32
        %dma_start3A_226 = arith.constant 0 : i32
        %dma_start3A_227 = tpu.memref_slice %arg8[%dma_start3A_225, %dma_start3A_226] : memref<8x128xi32, #tpu.memory_space<vmem>> -> memref<1x128xi32, #tpu.memory_space<vmem>>
        %dma_start3A_228 = tpu.memref_squeeze %dma_start3A_227 : memref<1x128xi32, #tpu.memory_space<vmem>> -> memref<128xi32, #tpu.memory_space<vmem>>
        %dma_start3A_229 = arith.constant 0 : i32
        %dma_start3A_230 = arith.constant 0 : i32
        %dma_start3A_231 = tpu.memref_slice %arg5[%dma_start3A_229, %dma_start3A_230] : memref<270000x128xf32, #tpu.memory_space<hbm>> -> memref<270000x128xf32, #tpu.memory_space<hbm>>
        tpu.enqueue_indirect_dma source(%dma_start3A_231 : memref<270000x128xf32, #tpu.memory_space<hbm>>) target(%arg13 : memref<128x128xf32, #tpu.memory_space<vmem>>) offsets(%dma_start3A_228 : memref<128xi32, #tpu.memory_space<vmem>>) semaphore(%arg18 : memref<!tpu.dma_semaphore, #tpu.memory_space<semaphore_mem>>)
        %dma_wait3A_232 = arith.constant 4 : i32
        %dma_wait3A_233 = arith.constant 0 : i32
        %dma_wait3A_234 = tpu.memref_slice %arg8[%dma_wait3A_232, %dma_wait3A_233] : memref<8x128xi32, #tpu.memory_space<vmem>> -> memref<1x128xi32, #tpu.memory_space<vmem>>
        %dma_wait3A_235 = tpu.memref_squeeze %dma_wait3A_234 : memref<1x128xi32, #tpu.memory_space<vmem>> -> memref<128xi32, #tpu.memory_space<vmem>>
        %dma_wait3A_236 = arith.constant 0 : i32
        %dma_wait3A_237 = arith.constant 0 : i32
        %dma_wait3A_238 = tpu.memref_slice %arg5[%dma_wait3A_236, %dma_wait3A_237] : memref<270000x128xf32, #tpu.memory_space<hbm>> -> memref<270000x128xf32, #tpu.memory_space<hbm>>
        tpu.wait_indirect_dma semaphore(%arg17 : memref<!tpu.dma_semaphore, #tpu.memory_space<semaphore_mem>>) src(%dma_wait3A_238 : memref<270000x128xf32, #tpu.memory_space<hbm>>) dst(%arg12 : memref<128x128xf32, #tpu.memory_space<vmem>>)
        %dma_start3A_239 = arith.constant 4 : i32
        %dma_start3A_240 = arith.constant 0 : i32
        %dma_start3A_241 = tpu.memref_slice %arg9[%dma_start3A_239, %dma_start3A_240] : memref<8x128xi32, #tpu.memory_space<vmem>> -> memref<1x128xi32, #tpu.memory_space<vmem>>
        %dma_start3A_242 = tpu.memref_squeeze %dma_start3A_241 : memref<1x128xi32, #tpu.memory_space<vmem>> -> memref<128xi32, #tpu.memory_space<vmem>>
        %dma_start3A_243 = arith.constant 0 : i32
        %dma_start3A_244 = arith.constant 0 : i32
        %dma_start3A_245 = tpu.memref_slice %arg14[%dma_start3A_243, %dma_start3A_244] : memref<10240x128xf32, #tpu.memory_space<vmem_shared>> -> memref<10240x128xf32, #tpu.memory_space<vmem_shared>>
        tpu.enqueue_indirect_dma source(%arg12 : memref<128x128xf32, #tpu.memory_space<vmem>>) target(%dma_start3A_245 : memref<10240x128xf32, #tpu.memory_space<vmem_shared>>) offsets(%dma_start3A_242 : memref<128xi32, #tpu.memory_space<vmem>>) semaphore(%arg19 : memref<!tpu.dma_semaphore, #tpu.memory_space<semaphore_mem>>) {add = true}
        %mul3A_246 = arith.constant 8 : i32
        %mul3A_247 = arith.muli %mul3A_83, %mul3A_246 : i32
        %add3A_248 = arith.constant 5 : i32
        %add3A_249 = arith.addi %mul3A_247, %add3A_248 : i32
        %ge3A_250 = arith.constant 1 : i32
        %ge3A_251 = arith.cmpi sge, %add3A_249, %ge3A_250 : i32
        %convert_element_type3A_252 = arith.extui %ge3A_251 : i1 to i32
        %cond3A_253 = arith.constant 0 : i32
        %cond3A_254 = arith.cmpi ne, %convert_element_type3A_252, %cond3A_253 : i32
        scf.if %cond3A_254 {
          %dma_wait3A_594 = arith.constant 4 : i32
          %dma_wait3A_595 = arith.constant 0 : i32
          %dma_wait3A_596 = tpu.memref_slice %arg9[%dma_wait3A_594, %dma_wait3A_595] : memref<8x128xi32, #tpu.memory_space<vmem>> -> memref<1x128xi32, #tpu.memory_space<vmem>>
          %dma_wait3A_597 = tpu.memref_squeeze %dma_wait3A_596 : memref<1x128xi32, #tpu.memory_space<vmem>> -> memref<128xi32, #tpu.memory_space<vmem>>
          %dma_wait3A_598 = arith.constant 0 : i32
          %dma_wait3A_599 = arith.constant 0 : i32
          %dma_wait3A_600 = tpu.memref_slice %arg14[%dma_wait3A_598, %dma_wait3A_599] : memref<10240x128xf32, #tpu.memory_space<vmem_shared>> -> memref<10240x128xf32, #tpu.memory_space<vmem_shared>>
          tpu.wait_indirect_dma semaphore(%arg19 : memref<!tpu.dma_semaphore, #tpu.memory_space<semaphore_mem>>) src(%arg12 : memref<128x128xf32, #tpu.memory_space<vmem>>) dst(%dma_wait3A_600 : memref<10240x128xf32, #tpu.memory_space<vmem_shared>>)
        } else {
        }
        %dma_start3A_255 = arith.constant 6 : i32
        %dma_start3A_256 = arith.constant 0 : i32
        %dma_start3A_257 = tpu.memref_slice %arg8[%dma_start3A_255, %dma_start3A_256] : memref<8x128xi32, #tpu.memory_space<vmem>> -> memref<1x128xi32, #tpu.memory_space<vmem>>
        %dma_start3A_258 = tpu.memref_squeeze %dma_start3A_257 : memref<1x128xi32, #tpu.memory_space<vmem>> -> memref<128xi32, #tpu.memory_space<vmem>>
        %dma_start3A_259 = arith.constant 0 : i32
        %dma_start3A_260 = arith.constant 0 : i32
        %dma_start3A_261 = tpu.memref_slice %arg5[%dma_start3A_259, %dma_start3A_260] : memref<270000x128xf32, #tpu.memory_space<hbm>> -> memref<270000x128xf32, #tpu.memory_space<hbm>>
        tpu.enqueue_indirect_dma source(%dma_start3A_261 : memref<270000x128xf32, #tpu.memory_space<hbm>>) target(%arg12 : memref<128x128xf32, #tpu.memory_space<vmem>>) offsets(%dma_start3A_258 : memref<128xi32, #tpu.memory_space<vmem>>) semaphore(%arg17 : memref<!tpu.dma_semaphore, #tpu.memory_space<semaphore_mem>>)
        %dma_wait3A_262 = arith.constant 5 : i32
        %dma_wait3A_263 = arith.constant 0 : i32
        %dma_wait3A_264 = tpu.memref_slice %arg8[%dma_wait3A_262, %dma_wait3A_263] : memref<8x128xi32, #tpu.memory_space<vmem>> -> memref<1x128xi32, #tpu.memory_space<vmem>>
        %dma_wait3A_265 = tpu.memref_squeeze %dma_wait3A_264 : memref<1x128xi32, #tpu.memory_space<vmem>> -> memref<128xi32, #tpu.memory_space<vmem>>
        %dma_wait3A_266 = arith.constant 0 : i32
        %dma_wait3A_267 = arith.constant 0 : i32
        %dma_wait3A_268 = tpu.memref_slice %arg5[%dma_wait3A_266, %dma_wait3A_267] : memref<270000x128xf32, #tpu.memory_space<hbm>> -> memref<270000x128xf32, #tpu.memory_space<hbm>>
        tpu.wait_indirect_dma semaphore(%arg18 : memref<!tpu.dma_semaphore, #tpu.memory_space<semaphore_mem>>) src(%dma_wait3A_268 : memref<270000x128xf32, #tpu.memory_space<hbm>>) dst(%arg13 : memref<128x128xf32, #tpu.memory_space<vmem>>)
        %dma_start3A_269 = arith.constant 5 : i32
        %dma_start3A_270 = arith.constant 0 : i32
        %dma_start3A_271 = tpu.memref_slice %arg9[%dma_start3A_269, %dma_start3A_270] : memref<8x128xi32, #tpu.memory_space<vmem>> -> memref<1x128xi32, #tpu.memory_space<vmem>>
        %dma_start3A_272 = tpu.memref_squeeze %dma_start3A_271 : memref<1x128xi32, #tpu.memory_space<vmem>> -> memref<128xi32, #tpu.memory_space<vmem>>
        %dma_start3A_273 = arith.constant 0 : i32
        %dma_start3A_274 = arith.constant 0 : i32
        %dma_start3A_275 = tpu.memref_slice %arg14[%dma_start3A_273, %dma_start3A_274] : memref<10240x128xf32, #tpu.memory_space<vmem_shared>> -> memref<10240x128xf32, #tpu.memory_space<vmem_shared>>
        tpu.enqueue_indirect_dma source(%arg13 : memref<128x128xf32, #tpu.memory_space<vmem>>) target(%dma_start3A_275 : memref<10240x128xf32, #tpu.memory_space<vmem_shared>>) offsets(%dma_start3A_272 : memref<128xi32, #tpu.memory_space<vmem>>) semaphore(%arg20 : memref<!tpu.dma_semaphore, #tpu.memory_space<semaphore_mem>>) {add = true}
        %mul3A_276 = arith.constant 8 : i32
        %mul3A_277 = arith.muli %mul3A_83, %mul3A_276 : i32
        %add3A_278 = arith.constant 6 : i32
        %add3A_279 = arith.addi %mul3A_277, %add3A_278 : i32
        %ge3A_280 = arith.constant 1 : i32
        %ge3A_281 = arith.cmpi sge, %add3A_279, %ge3A_280 : i32
        %convert_element_type3A_282 = arith.extui %ge3A_281 : i1 to i32
        %cond3A_283 = arith.constant 0 : i32
        %cond3A_284 = arith.cmpi ne, %convert_element_type3A_282, %cond3A_283 : i32
        scf.if %cond3A_284 {
          %dma_wait3A_594 = arith.constant 5 : i32
          %dma_wait3A_595 = arith.constant 0 : i32
          %dma_wait3A_596 = tpu.memref_slice %arg9[%dma_wait3A_594, %dma_wait3A_595] : memref<8x128xi32, #tpu.memory_space<vmem>> -> memref<1x128xi32, #tpu.memory_space<vmem>>
          %dma_wait3A_597 = tpu.memref_squeeze %dma_wait3A_596 : memref<1x128xi32, #tpu.memory_space<vmem>> -> memref<128xi32, #tpu.memory_space<vmem>>
          %dma_wait3A_598 = arith.constant 0 : i32
          %dma_wait3A_599 = arith.constant 0 : i32
          %dma_wait3A_600 = tpu.memref_slice %arg14[%dma_wait3A_598, %dma_wait3A_599] : memref<10240x128xf32, #tpu.memory_space<vmem_shared>> -> memref<10240x128xf32, #tpu.memory_space<vmem_shared>>
          tpu.wait_indirect_dma semaphore(%arg20 : memref<!tpu.dma_semaphore, #tpu.memory_space<semaphore_mem>>) src(%arg13 : memref<128x128xf32, #tpu.memory_space<vmem>>) dst(%dma_wait3A_600 : memref<10240x128xf32, #tpu.memory_space<vmem_shared>>)
        } else {
        }
        %dma_start3A_285 = arith.constant 7 : i32
        %dma_start3A_286 = arith.constant 0 : i32
        %dma_start3A_287 = tpu.memref_slice %arg8[%dma_start3A_285, %dma_start3A_286] : memref<8x128xi32, #tpu.memory_space<vmem>> -> memref<1x128xi32, #tpu.memory_space<vmem>>
        %dma_start3A_288 = tpu.memref_squeeze %dma_start3A_287 : memref<1x128xi32, #tpu.memory_space<vmem>> -> memref<128xi32, #tpu.memory_space<vmem>>
        %dma_start3A_289 = arith.constant 0 : i32
        %dma_start3A_290 = arith.constant 0 : i32
        %dma_start3A_291 = tpu.memref_slice %arg5[%dma_start3A_289, %dma_start3A_290] : memref<270000x128xf32, #tpu.memory_space<hbm>> -> memref<270000x128xf32, #tpu.memory_space<hbm>>
        tpu.enqueue_indirect_dma source(%dma_start3A_291 : memref<270000x128xf32, #tpu.memory_space<hbm>>) target(%arg13 : memref<128x128xf32, #tpu.memory_space<vmem>>) offsets(%dma_start3A_288 : memref<128xi32, #tpu.memory_space<vmem>>) semaphore(%arg18 : memref<!tpu.dma_semaphore, #tpu.memory_space<semaphore_mem>>)
        %dma_wait3A_292 = arith.constant 6 : i32
        %dma_wait3A_293 = arith.constant 0 : i32
        %dma_wait3A_294 = tpu.memref_slice %arg8[%dma_wait3A_292, %dma_wait3A_293] : memref<8x128xi32, #tpu.memory_space<vmem>> -> memref<1x128xi32, #tpu.memory_space<vmem>>
        %dma_wait3A_295 = tpu.memref_squeeze %dma_wait3A_294 : memref<1x128xi32, #tpu.memory_space<vmem>> -> memref<128xi32, #tpu.memory_space<vmem>>
        %dma_wait3A_296 = arith.constant 0 : i32
        %dma_wait3A_297 = arith.constant 0 : i32
        %dma_wait3A_298 = tpu.memref_slice %arg5[%dma_wait3A_296, %dma_wait3A_297] : memref<270000x128xf32, #tpu.memory_space<hbm>> -> memref<270000x128xf32, #tpu.memory_space<hbm>>
        tpu.wait_indirect_dma semaphore(%arg17 : memref<!tpu.dma_semaphore, #tpu.memory_space<semaphore_mem>>) src(%dma_wait3A_298 : memref<270000x128xf32, #tpu.memory_space<hbm>>) dst(%arg12 : memref<128x128xf32, #tpu.memory_space<vmem>>)
        %dma_start3A_299 = arith.constant 6 : i32
        %dma_start3A_300 = arith.constant 0 : i32
        %dma_start3A_301 = tpu.memref_slice %arg9[%dma_start3A_299, %dma_start3A_300] : memref<8x128xi32, #tpu.memory_space<vmem>> -> memref<1x128xi32, #tpu.memory_space<vmem>>
        %dma_start3A_302 = tpu.memref_squeeze %dma_start3A_301 : memref<1x128xi32, #tpu.memory_space<vmem>> -> memref<128xi32, #tpu.memory_space<vmem>>
        %dma_start3A_303 = arith.constant 0 : i32
        %dma_start3A_304 = arith.constant 0 : i32
        %dma_start3A_305 = tpu.memref_slice %arg14[%dma_start3A_303, %dma_start3A_304] : memref<10240x128xf32, #tpu.memory_space<vmem_shared>> -> memref<10240x128xf32, #tpu.memory_space<vmem_shared>>
        tpu.enqueue_indirect_dma source(%arg12 : memref<128x128xf32, #tpu.memory_space<vmem>>) target(%dma_start3A_305 : memref<10240x128xf32, #tpu.memory_space<vmem_shared>>) offsets(%dma_start3A_302 : memref<128xi32, #tpu.memory_space<vmem>>) semaphore(%arg19 : memref<!tpu.dma_semaphore, #tpu.memory_space<semaphore_mem>>) {add = true}
        %mul3A_306 = arith.constant 8 : i32
        %mul3A_307 = arith.muli %mul3A_83, %mul3A_306 : i32
        %add3A_308 = arith.constant 7 : i32
        %add3A_309 = arith.addi %mul3A_307, %add3A_308 : i32
        %ge3A_310 = arith.constant 1 : i32
        %ge3A_311 = arith.cmpi sge, %add3A_309, %ge3A_310 : i32
        %convert_element_type3A_312 = arith.extui %ge3A_311 : i1 to i32
        %cond3A_313 = arith.constant 0 : i32
        %cond3A_314 = arith.cmpi ne, %convert_element_type3A_312, %cond3A_313 : i32
        scf.if %cond3A_314 {
          %dma_wait3A_594 = arith.constant 6 : i32
          %dma_wait3A_595 = arith.constant 0 : i32
          %dma_wait3A_596 = tpu.memref_slice %arg9[%dma_wait3A_594, %dma_wait3A_595] : memref<8x128xi32, #tpu.memory_space<vmem>> -> memref<1x128xi32, #tpu.memory_space<vmem>>
          %dma_wait3A_597 = tpu.memref_squeeze %dma_wait3A_596 : memref<1x128xi32, #tpu.memory_space<vmem>> -> memref<128xi32, #tpu.memory_space<vmem>>
          %dma_wait3A_598 = arith.constant 0 : i32
          %dma_wait3A_599 = arith.constant 0 : i32
          %dma_wait3A_600 = tpu.memref_slice %arg14[%dma_wait3A_598, %dma_wait3A_599] : memref<10240x128xf32, #tpu.memory_space<vmem_shared>> -> memref<10240x128xf32, #tpu.memory_space<vmem_shared>>
          tpu.wait_indirect_dma semaphore(%arg19 : memref<!tpu.dma_semaphore, #tpu.memory_space<semaphore_mem>>) src(%arg12 : memref<128x128xf32, #tpu.memory_space<vmem>>) dst(%dma_wait3A_600 : memref<10240x128xf32, #tpu.memory_space<vmem_shared>>)
        } else {
        }
        %add3A_315 = arith.constant 1 : i32
        %add3A_316 = arith.addi %mul3A_83, %add3A_315 : i32
        %lt3A_317 = arith.constant 20 : i32
        %lt3A_318 = arith.cmpi slt, %add3A_316, %lt3A_317 : i32
        %convert_element_type3A_319 = arith.extui %lt3A_318 : i1 to i32
        %cond3A_320 = arith.constant 0 : i32
        %cond3A_321 = arith.cmpi ne, %convert_element_type3A_319, %cond3A_320 : i32
        scf.if %cond3A_321 {
          %dma_start3A_594 = arith.constant 0 : i32
          %dma_start3A_595 = arith.constant 0 : i32
          %dma_start3A_596 = tpu.memref_slice %arg10[%dma_start3A_594, %dma_start3A_595] : memref<8x128xi32, #tpu.memory_space<vmem>> -> memref<1x128xi32, #tpu.memory_space<vmem>>
          %dma_start3A_597 = tpu.memref_squeeze %dma_start3A_596 : memref<1x128xi32, #tpu.memory_space<vmem>> -> memref<128xi32, #tpu.memory_space<vmem>>
          %dma_start3A_598 = arith.constant 0 : i32
          %dma_start3A_599 = arith.constant 0 : i32
          %dma_start3A_600 = tpu.memref_slice %arg5[%dma_start3A_598, %dma_start3A_599] : memref<270000x128xf32, #tpu.memory_space<hbm>> -> memref<270000x128xf32, #tpu.memory_space<hbm>>
          tpu.enqueue_indirect_dma source(%dma_start3A_600 : memref<270000x128xf32, #tpu.memory_space<hbm>>) target(%arg12 : memref<128x128xf32, #tpu.memory_space<vmem>>) offsets(%dma_start3A_597 : memref<128xi32, #tpu.memory_space<vmem>>) semaphore(%arg17 : memref<!tpu.dma_semaphore, #tpu.memory_space<semaphore_mem>>)
        } else {
        }
        %dma_wait3A_322 = arith.constant 7 : i32
        %dma_wait3A_323 = arith.constant 0 : i32
        %dma_wait3A_324 = tpu.memref_slice %arg8[%dma_wait3A_322, %dma_wait3A_323] : memref<8x128xi32, #tpu.memory_space<vmem>> -> memref<1x128xi32, #tpu.memory_space<vmem>>
        %dma_wait3A_325 = tpu.memref_squeeze %dma_wait3A_324 : memref<1x128xi32, #tpu.memory_space<vmem>> -> memref<128xi32, #tpu.memory_space<vmem>>
        %dma_wait3A_326 = arith.constant 0 : i32
        %dma_wait3A_327 = arith.constant 0 : i32
        %dma_wait3A_328 = tpu.memref_slice %arg5[%dma_wait3A_326, %dma_wait3A_327] : memref<270000x128xf32, #tpu.memory_space<hbm>> -> memref<270000x128xf32, #tpu.memory_space<hbm>>
        tpu.wait_indirect_dma semaphore(%arg18 : memref<!tpu.dma_semaphore, #tpu.memory_space<semaphore_mem>>) src(%dma_wait3A_328 : memref<270000x128xf32, #tpu.memory_space<hbm>>) dst(%arg13 : memref<128x128xf32, #tpu.memory_space<vmem>>)
        %dma_start3A_329 = arith.constant 7 : i32
        %dma_start3A_330 = arith.constant 0 : i32
        %dma_start3A_331 = tpu.memref_slice %arg9[%dma_start3A_329, %dma_start3A_330] : memref<8x128xi32, #tpu.memory_space<vmem>> -> memref<1x128xi32, #tpu.memory_space<vmem>>
        %dma_start3A_332 = tpu.memref_squeeze %dma_start3A_331 : memref<1x128xi32, #tpu.memory_space<vmem>> -> memref<128xi32, #tpu.memory_space<vmem>>
        %dma_start3A_333 = arith.constant 0 : i32
        %dma_start3A_334 = arith.constant 0 : i32
        %dma_start3A_335 = tpu.memref_slice %arg14[%dma_start3A_333, %dma_start3A_334] : memref<10240x128xf32, #tpu.memory_space<vmem_shared>> -> memref<10240x128xf32, #tpu.memory_space<vmem_shared>>
        tpu.enqueue_indirect_dma source(%arg13 : memref<128x128xf32, #tpu.memory_space<vmem>>) target(%dma_start3A_335 : memref<10240x128xf32, #tpu.memory_space<vmem_shared>>) offsets(%dma_start3A_332 : memref<128xi32, #tpu.memory_space<vmem>>) semaphore(%arg20 : memref<!tpu.dma_semaphore, #tpu.memory_space<semaphore_mem>>) {add = true}
        %mul3A_336 = arith.constant 2 : i32
        %mul3A_337 = arith.muli %mul3A_336, %scan3A_81 : i32
        %add3A_338 = arith.constant 1 : i32
        %add3A_339 = arith.addi %mul3A_337, %add3A_338 : i32
        %mul3A_340 = arith.constant 8 : i32
        %mul3A_341 = arith.muli %add3A_339, %mul3A_340 : i32
        %add3A_342 = arith.constant 0 : i32
        %add3A_343 = arith.addi %mul3A_341, %add3A_342 : i32
        %ge3A_344 = arith.constant 1 : i32
        %ge3A_345 = arith.cmpi sge, %add3A_343, %ge3A_344 : i32
        %convert_element_type3A_346 = arith.extui %ge3A_345 : i1 to i32
        %cond3A_347 = arith.constant 0 : i32
        %cond3A_348 = arith.cmpi ne, %convert_element_type3A_346, %cond3A_347 : i32
        scf.if %cond3A_348 {
          %dma_wait3A_594 = arith.constant 0 : i32
          %dma_wait3A_595 = arith.constant 0 : i32
          %dma_wait3A_596 = tpu.memref_slice %arg11[%dma_wait3A_594, %dma_wait3A_595] : memref<8x128xi32, #tpu.memory_space<vmem>> -> memref<1x128xi32, #tpu.memory_space<vmem>>
          %dma_wait3A_597 = tpu.memref_squeeze %dma_wait3A_596 : memref<1x128xi32, #tpu.memory_space<vmem>> -> memref<128xi32, #tpu.memory_space<vmem>>
          %dma_wait3A_598 = arith.constant 0 : i32
          %dma_wait3A_599 = arith.constant 0 : i32
          %dma_wait3A_600 = tpu.memref_slice %arg14[%dma_wait3A_598, %dma_wait3A_599] : memref<10240x128xf32, #tpu.memory_space<vmem_shared>> -> memref<10240x128xf32, #tpu.memory_space<vmem_shared>>
          tpu.wait_indirect_dma semaphore(%arg20 : memref<!tpu.dma_semaphore, #tpu.memory_space<semaphore_mem>>) src(%arg13 : memref<128x128xf32, #tpu.memory_space<vmem>>) dst(%dma_wait3A_600 : memref<10240x128xf32, #tpu.memory_space<vmem_shared>>)
        } else {
        }
        %dma_start3A_349 = arith.constant 1 : i32
        %dma_start3A_350 = arith.constant 0 : i32
        %dma_start3A_351 = tpu.memref_slice %arg10[%dma_start3A_349, %dma_start3A_350] : memref<8x128xi32, #tpu.memory_space<vmem>> -> memref<1x128xi32, #tpu.memory_space<vmem>>
        %dma_start3A_352 = tpu.memref_squeeze %dma_start3A_351 : memref<1x128xi32, #tpu.memory_space<vmem>> -> memref<128xi32, #tpu.memory_space<vmem>>
        %dma_start3A_353 = arith.constant 0 : i32
        %dma_start3A_354 = arith.constant 0 : i32
        %dma_start3A_355 = tpu.memref_slice %arg5[%dma_start3A_353, %dma_start3A_354] : memref<270000x128xf32, #tpu.memory_space<hbm>> -> memref<270000x128xf32, #tpu.memory_space<hbm>>
        tpu.enqueue_indirect_dma source(%dma_start3A_355 : memref<270000x128xf32, #tpu.memory_space<hbm>>) target(%arg13 : memref<128x128xf32, #tpu.memory_space<vmem>>) offsets(%dma_start3A_352 : memref<128xi32, #tpu.memory_space<vmem>>) semaphore(%arg18 : memref<!tpu.dma_semaphore, #tpu.memory_space<semaphore_mem>>)
        %dma_wait3A_356 = arith.constant 0 : i32
        %dma_wait3A_357 = arith.constant 0 : i32
        %dma_wait3A_358 = tpu.memref_slice %arg10[%dma_wait3A_356, %dma_wait3A_357] : memref<8x128xi32, #tpu.memory_space<vmem>> -> memref<1x128xi32, #tpu.memory_space<vmem>>
        %dma_wait3A_359 = tpu.memref_squeeze %dma_wait3A_358 : memref<1x128xi32, #tpu.memory_space<vmem>> -> memref<128xi32, #tpu.memory_space<vmem>>
        %dma_wait3A_360 = arith.constant 0 : i32
        %dma_wait3A_361 = arith.constant 0 : i32
        %dma_wait3A_362 = tpu.memref_slice %arg5[%dma_wait3A_360, %dma_wait3A_361] : memref<270000x128xf32, #tpu.memory_space<hbm>> -> memref<270000x128xf32, #tpu.memory_space<hbm>>
        tpu.wait_indirect_dma semaphore(%arg17 : memref<!tpu.dma_semaphore, #tpu.memory_space<semaphore_mem>>) src(%dma_wait3A_362 : memref<270000x128xf32, #tpu.memory_space<hbm>>) dst(%arg12 : memref<128x128xf32, #tpu.memory_space<vmem>>)
        %dma_start3A_363 = arith.constant 0 : i32
        %dma_start3A_364 = arith.constant 0 : i32
        %dma_start3A_365 = tpu.memref_slice %arg11[%dma_start3A_363, %dma_start3A_364] : memref<8x128xi32, #tpu.memory_space<vmem>> -> memref<1x128xi32, #tpu.memory_space<vmem>>
        %dma_start3A_366 = tpu.memref_squeeze %dma_start3A_365 : memref<1x128xi32, #tpu.memory_space<vmem>> -> memref<128xi32, #tpu.memory_space<vmem>>
        %dma_start3A_367 = arith.constant 0 : i32
        %dma_start3A_368 = arith.constant 0 : i32
        %dma_start3A_369 = tpu.memref_slice %arg14[%dma_start3A_367, %dma_start3A_368] : memref<10240x128xf32, #tpu.memory_space<vmem_shared>> -> memref<10240x128xf32, #tpu.memory_space<vmem_shared>>
        tpu.enqueue_indirect_dma source(%arg12 : memref<128x128xf32, #tpu.memory_space<vmem>>) target(%dma_start3A_369 : memref<10240x128xf32, #tpu.memory_space<vmem_shared>>) offsets(%dma_start3A_366 : memref<128xi32, #tpu.memory_space<vmem>>) semaphore(%arg19 : memref<!tpu.dma_semaphore, #tpu.memory_space<semaphore_mem>>) {add = true}
        %add3A_370 = arith.constant 1 : i32
        %add3A_371 = arith.addi %add3A_339, %add3A_370 : i32
        %lt3A_372 = arith.constant 20 : i32
        %lt3A_373 = arith.cmpi slt, %add3A_371, %lt3A_372 : i32
        %convert_element_type3A_374 = arith.extui %lt3A_373 : i1 to i32
        %cond3A_375 = arith.constant 0 : i32
        %cond3A_376 = arith.cmpi ne, %convert_element_type3A_374, %cond3A_375 : i32
        scf.if %cond3A_376 {
          %add3A_594 = arith.constant 1 : i32
          %add3A_595 = arith.addi %add3A_339, %add3A_594 : i32
          %mul3A_596 = arith.constant 8 : i32
          %mul3A_597 = arith.muli %add3A_595, %mul3A_596 : i32
          %add3A_598 = arith.addi %mul3A_0, %mul3A_597 : i32
          %dma_start3A_599 = arith.constant 0 : i32
          %dma_start3A_600 = tpu.memref_slice %arg2[%add3A_598, %dma_start3A_599] : memref<2560x128xi32, #tpu.memory_space<hbm>> -> memref<8x128xi32, #tpu.memory_space<hbm>>
          %dma_start3A_601 = arith.constant 0 : i32
          %dma_start3A_602 = tpu.memref_slice %arg2[%add3A_598, %dma_start3A_601] : memref<2560x128xi32, #tpu.memory_space<hbm>> -> memref<8x128xi32, #tpu.memory_space<hbm>>
          tpu.enqueue_dma source(%dma_start3A_602 : memref<8x128xi32, #tpu.memory_space<hbm>>) target(%arg8 : memref<8x128xi32, #tpu.memory_space<vmem>>) target_semaphore(%arg15 : memref<!tpu.dma_semaphore, #tpu.memory_space<semaphore_mem>>)
          %dma_start3A_603 = arith.constant 0 : i32
          %dma_start3A_604 = tpu.memref_slice %arg3[%add3A_598, %dma_start3A_603] : memref<2560x128xi32, #tpu.memory_space<hbm>> -> memref<8x128xi32, #tpu.memory_space<hbm>>
          %dma_start3A_605 = arith.constant 0 : i32
          %dma_start3A_606 = tpu.memref_slice %arg3[%add3A_598, %dma_start3A_605] : memref<2560x128xi32, #tpu.memory_space<hbm>> -> memref<8x128xi32, #tpu.memory_space<hbm>>
          tpu.enqueue_dma source(%dma_start3A_606 : memref<8x128xi32, #tpu.memory_space<hbm>>) target(%arg9 : memref<8x128xi32, #tpu.memory_space<vmem>>) target_semaphore(%arg15 : memref<!tpu.dma_semaphore, #tpu.memory_space<semaphore_mem>>)
        } else {
        }
        %mul3A_377 = arith.constant 8 : i32
        %mul3A_378 = arith.muli %add3A_339, %mul3A_377 : i32
        %add3A_379 = arith.constant 1 : i32
        %add3A_380 = arith.addi %mul3A_378, %add3A_379 : i32
        %ge3A_381 = arith.constant 1 : i32
        %ge3A_382 = arith.cmpi sge, %add3A_380, %ge3A_381 : i32
        %convert_element_type3A_383 = arith.extui %ge3A_382 : i1 to i32
        %cond3A_384 = arith.constant 0 : i32
        %cond3A_385 = arith.cmpi ne, %convert_element_type3A_383, %cond3A_384 : i32
        scf.if %cond3A_385 {
          %dma_wait3A_594 = arith.constant 0 : i32
          %dma_wait3A_595 = arith.constant 0 : i32
          %dma_wait3A_596 = tpu.memref_slice %arg11[%dma_wait3A_594, %dma_wait3A_595] : memref<8x128xi32, #tpu.memory_space<vmem>> -> memref<1x128xi32, #tpu.memory_space<vmem>>
          %dma_wait3A_597 = tpu.memref_squeeze %dma_wait3A_596 : memref<1x128xi32, #tpu.memory_space<vmem>> -> memref<128xi32, #tpu.memory_space<vmem>>
          %dma_wait3A_598 = arith.constant 0 : i32
          %dma_wait3A_599 = arith.constant 0 : i32
          %dma_wait3A_600 = tpu.memref_slice %arg14[%dma_wait3A_598, %dma_wait3A_599] : memref<10240x128xf32, #tpu.memory_space<vmem_shared>> -> memref<10240x128xf32, #tpu.memory_space<vmem_shared>>
          tpu.wait_indirect_dma semaphore(%arg19 : memref<!tpu.dma_semaphore, #tpu.memory_space<semaphore_mem>>) src(%arg12 : memref<128x128xf32, #tpu.memory_space<vmem>>) dst(%dma_wait3A_600 : memref<10240x128xf32, #tpu.memory_space<vmem_shared>>)
        } else {
        }
        %dma_start3A_386 = arith.constant 2 : i32
        %dma_start3A_387 = arith.constant 0 : i32
        %dma_start3A_388 = tpu.memref_slice %arg10[%dma_start3A_386, %dma_start3A_387] : memref<8x128xi32, #tpu.memory_space<vmem>> -> memref<1x128xi32, #tpu.memory_space<vmem>>
        %dma_start3A_389 = tpu.memref_squeeze %dma_start3A_388 : memref<1x128xi32, #tpu.memory_space<vmem>> -> memref<128xi32, #tpu.memory_space<vmem>>
        %dma_start3A_390 = arith.constant 0 : i32
        %dma_start3A_391 = arith.constant 0 : i32
        %dma_start3A_392 = tpu.memref_slice %arg5[%dma_start3A_390, %dma_start3A_391] : memref<270000x128xf32, #tpu.memory_space<hbm>> -> memref<270000x128xf32, #tpu.memory_space<hbm>>
        tpu.enqueue_indirect_dma source(%dma_start3A_392 : memref<270000x128xf32, #tpu.memory_space<hbm>>) target(%arg12 : memref<128x128xf32, #tpu.memory_space<vmem>>) offsets(%dma_start3A_389 : memref<128xi32, #tpu.memory_space<vmem>>) semaphore(%arg17 : memref<!tpu.dma_semaphore, #tpu.memory_space<semaphore_mem>>)
        %dma_wait3A_393 = arith.constant 1 : i32
        %dma_wait3A_394 = arith.constant 0 : i32
        %dma_wait3A_395 = tpu.memref_slice %arg10[%dma_wait3A_393, %dma_wait3A_394] : memref<8x128xi32, #tpu.memory_space<vmem>> -> memref<1x128xi32, #tpu.memory_space<vmem>>
        %dma_wait3A_396 = tpu.memref_squeeze %dma_wait3A_395 : memref<1x128xi32, #tpu.memory_space<vmem>> -> memref<128xi32, #tpu.memory_space<vmem>>
        %dma_wait3A_397 = arith.constant 0 : i32
        %dma_wait3A_398 = arith.constant 0 : i32
        %dma_wait3A_399 = tpu.memref_slice %arg5[%dma_wait3A_397, %dma_wait3A_398] : memref<270000x128xf32, #tpu.memory_space<hbm>> -> memref<270000x128xf32, #tpu.memory_space<hbm>>
        tpu.wait_indirect_dma semaphore(%arg18 : memref<!tpu.dma_semaphore, #tpu.memory_space<semaphore_mem>>) src(%dma_wait3A_399 : memref<270000x128xf32, #tpu.memory_space<hbm>>) dst(%arg13 : memref<128x128xf32, #tpu.memory_space<vmem>>)
        %dma_start3A_400 = arith.constant 1 : i32
        %dma_start3A_401 = arith.constant 0 : i32
        %dma_start3A_402 = tpu.memref_slice %arg11[%dma_start3A_400, %dma_start3A_401] : memref<8x128xi32, #tpu.memory_space<vmem>> -> memref<1x128xi32, #tpu.memory_space<vmem>>
        %dma_start3A_403 = tpu.memref_squeeze %dma_start3A_402 : memref<1x128xi32, #tpu.memory_space<vmem>> -> memref<128xi32, #tpu.memory_space<vmem>>
        %dma_start3A_404 = arith.constant 0 : i32
        %dma_start3A_405 = arith.constant 0 : i32
        %dma_start3A_406 = tpu.memref_slice %arg14[%dma_start3A_404, %dma_start3A_405] : memref<10240x128xf32, #tpu.memory_space<vmem_shared>> -> memref<10240x128xf32, #tpu.memory_space<vmem_shared>>
        tpu.enqueue_indirect_dma source(%arg13 : memref<128x128xf32, #tpu.memory_space<vmem>>) target(%dma_start3A_406 : memref<10240x128xf32, #tpu.memory_space<vmem_shared>>) offsets(%dma_start3A_403 : memref<128xi32, #tpu.memory_space<vmem>>) semaphore(%arg20 : memref<!tpu.dma_semaphore, #tpu.memory_space<semaphore_mem>>) {add = true}
        %mul3A_407 = arith.constant 8 : i32
        %mul3A_408 = arith.muli %add3A_339, %mul3A_407 : i32
        %add3A_409 = arith.constant 2 : i32
        %add3A_410 = arith.addi %mul3A_408, %add3A_409 : i32
        %ge3A_411 = arith.constant 1 : i32
        %ge3A_412 = arith.cmpi sge, %add3A_410, %ge3A_411 : i32
        %convert_element_type3A_413 = arith.extui %ge3A_412 : i1 to i32
        %cond3A_414 = arith.constant 0 : i32
        %cond3A_415 = arith.cmpi ne, %convert_element_type3A_413, %cond3A_414 : i32
        scf.if %cond3A_415 {
          %dma_wait3A_594 = arith.constant 1 : i32
          %dma_wait3A_595 = arith.constant 0 : i32
          %dma_wait3A_596 = tpu.memref_slice %arg11[%dma_wait3A_594, %dma_wait3A_595] : memref<8x128xi32, #tpu.memory_space<vmem>> -> memref<1x128xi32, #tpu.memory_space<vmem>>
          %dma_wait3A_597 = tpu.memref_squeeze %dma_wait3A_596 : memref<1x128xi32, #tpu.memory_space<vmem>> -> memref<128xi32, #tpu.memory_space<vmem>>
          %dma_wait3A_598 = arith.constant 0 : i32
          %dma_wait3A_599 = arith.constant 0 : i32
          %dma_wait3A_600 = tpu.memref_slice %arg14[%dma_wait3A_598, %dma_wait3A_599] : memref<10240x128xf32, #tpu.memory_space<vmem_shared>> -> memref<10240x128xf32, #tpu.memory_space<vmem_shared>>
          tpu.wait_indirect_dma semaphore(%arg20 : memref<!tpu.dma_semaphore, #tpu.memory_space<semaphore_mem>>) src(%arg13 : memref<128x128xf32, #tpu.memory_space<vmem>>) dst(%dma_wait3A_600 : memref<10240x128xf32, #tpu.memory_space<vmem_shared>>)
        } else {
        }
        %dma_start3A_416 = arith.constant 3 : i32
        %dma_start3A_417 = arith.constant 0 : i32
        %dma_start3A_418 = tpu.memref_slice %arg10[%dma_start3A_416, %dma_start3A_417] : memref<8x128xi32, #tpu.memory_space<vmem>> -> memref<1x128xi32, #tpu.memory_space<vmem>>
        %dma_start3A_419 = tpu.memref_squeeze %dma_start3A_418 : memref<1x128xi32, #tpu.memory_space<vmem>> -> memref<128xi32, #tpu.memory_space<vmem>>
        %dma_start3A_420 = arith.constant 0 : i32
        %dma_start3A_421 = arith.constant 0 : i32
        %dma_start3A_422 = tpu.memref_slice %arg5[%dma_start3A_420, %dma_start3A_421] : memref<270000x128xf32, #tpu.memory_space<hbm>> -> memref<270000x128xf32, #tpu.memory_space<hbm>>
        tpu.enqueue_indirect_dma source(%dma_start3A_422 : memref<270000x128xf32, #tpu.memory_space<hbm>>) target(%arg13 : memref<128x128xf32, #tpu.memory_space<vmem>>) offsets(%dma_start3A_419 : memref<128xi32, #tpu.memory_space<vmem>>) semaphore(%arg18 : memref<!tpu.dma_semaphore, #tpu.memory_space<semaphore_mem>>)
        %dma_wait3A_423 = arith.constant 2 : i32
        %dma_wait3A_424 = arith.constant 0 : i32
        %dma_wait3A_425 = tpu.memref_slice %arg10[%dma_wait3A_423, %dma_wait3A_424] : memref<8x128xi32, #tpu.memory_space<vmem>> -> memref<1x128xi32, #tpu.memory_space<vmem>>
        %dma_wait3A_426 = tpu.memref_squeeze %dma_wait3A_425 : memref<1x128xi32, #tpu.memory_space<vmem>> -> memref<128xi32, #tpu.memory_space<vmem>>
        %dma_wait3A_427 = arith.constant 0 : i32
        %dma_wait3A_428 = arith.constant 0 : i32
        %dma_wait3A_429 = tpu.memref_slice %arg5[%dma_wait3A_427, %dma_wait3A_428] : memref<270000x128xf32, #tpu.memory_space<hbm>> -> memref<270000x128xf32, #tpu.memory_space<hbm>>
        tpu.wait_indirect_dma semaphore(%arg17 : memref<!tpu.dma_semaphore, #tpu.memory_space<semaphore_mem>>) src(%dma_wait3A_429 : memref<270000x128xf32, #tpu.memory_space<hbm>>) dst(%arg12 : memref<128x128xf32, #tpu.memory_space<vmem>>)
        %dma_start3A_430 = arith.constant 2 : i32
        %dma_start3A_431 = arith.constant 0 : i32
        %dma_start3A_432 = tpu.memref_slice %arg11[%dma_start3A_430, %dma_start3A_431] : memref<8x128xi32, #tpu.memory_space<vmem>> -> memref<1x128xi32, #tpu.memory_space<vmem>>
        %dma_start3A_433 = tpu.memref_squeeze %dma_start3A_432 : memref<1x128xi32, #tpu.memory_space<vmem>> -> memref<128xi32, #tpu.memory_space<vmem>>
        %dma_start3A_434 = arith.constant 0 : i32
        %dma_start3A_435 = arith.constant 0 : i32
        %dma_start3A_436 = tpu.memref_slice %arg14[%dma_start3A_434, %dma_start3A_435] : memref<10240x128xf32, #tpu.memory_space<vmem_shared>> -> memref<10240x128xf32, #tpu.memory_space<vmem_shared>>
        tpu.enqueue_indirect_dma source(%arg12 : memref<128x128xf32, #tpu.memory_space<vmem>>) target(%dma_start3A_436 : memref<10240x128xf32, #tpu.memory_space<vmem_shared>>) offsets(%dma_start3A_433 : memref<128xi32, #tpu.memory_space<vmem>>) semaphore(%arg19 : memref<!tpu.dma_semaphore, #tpu.memory_space<semaphore_mem>>) {add = true}
        %add3A_437 = arith.constant 1 : i32
        %add3A_438 = arith.addi %add3A_339, %add3A_437 : i32
        %lt3A_439 = arith.constant 20 : i32
        %lt3A_440 = arith.cmpi slt, %add3A_438, %lt3A_439 : i32
        %convert_element_type3A_441 = arith.extui %lt3A_440 : i1 to i32
        %cond3A_442 = arith.constant 0 : i32
        %cond3A_443 = arith.cmpi ne, %convert_element_type3A_441, %cond3A_442 : i32
        scf.if %cond3A_443 {
          %add3A_594 = arith.constant 1 : i32
          %add3A_595 = arith.addi %add3A_339, %add3A_594 : i32
          %mul3A_596 = arith.constant 8 : i32
          %mul3A_597 = arith.muli %add3A_595, %mul3A_596 : i32
          %add3A_598 = arith.addi %mul3A_0, %mul3A_597 : i32
          %dma_wait3A_599 = arith.constant 0 : i32
          %dma_wait3A_600 = tpu.memref_slice %arg2[%add3A_598, %dma_wait3A_599] : memref<2560x128xi32, #tpu.memory_space<hbm>> -> memref<8x128xi32, #tpu.memory_space<hbm>>
          %dma_wait3A_601 = arith.constant 0 : i32
          %dma_wait3A_602 = tpu.memref_slice %arg2[%add3A_598, %dma_wait3A_601] : memref<2560x128xi32, #tpu.memory_space<hbm>> -> memref<8x128xi32, #tpu.memory_space<hbm>>
          tpu.wait_dma2 semaphore(%arg15 : memref<!tpu.dma_semaphore, #tpu.memory_space<semaphore_mem>>) src(%dma_wait3A_602 : memref<8x128xi32, #tpu.memory_space<hbm>>) dst(%arg8 : memref<8x128xi32, #tpu.memory_space<vmem>>)
          %dma_wait3A_603 = arith.constant 0 : i32
          %dma_wait3A_604 = tpu.memref_slice %arg3[%add3A_598, %dma_wait3A_603] : memref<2560x128xi32, #tpu.memory_space<hbm>> -> memref<8x128xi32, #tpu.memory_space<hbm>>
          %dma_wait3A_605 = arith.constant 0 : i32
          %dma_wait3A_606 = tpu.memref_slice %arg3[%add3A_598, %dma_wait3A_605] : memref<2560x128xi32, #tpu.memory_space<hbm>> -> memref<8x128xi32, #tpu.memory_space<hbm>>
          tpu.wait_dma2 semaphore(%arg15 : memref<!tpu.dma_semaphore, #tpu.memory_space<semaphore_mem>>) src(%dma_wait3A_606 : memref<8x128xi32, #tpu.memory_space<hbm>>) dst(%arg9 : memref<8x128xi32, #tpu.memory_space<vmem>>)
        } else {
        }
        %mul3A_444 = arith.constant 8 : i32
        %mul3A_445 = arith.muli %add3A_339, %mul3A_444 : i32
        %add3A_446 = arith.constant 3 : i32
        %add3A_447 = arith.addi %mul3A_445, %add3A_446 : i32
        %ge3A_448 = arith.constant 1 : i32
        %ge3A_449 = arith.cmpi sge, %add3A_447, %ge3A_448 : i32
        %convert_element_type3A_450 = arith.extui %ge3A_449 : i1 to i32
        %cond3A_451 = arith.constant 0 : i32
        %cond3A_452 = arith.cmpi ne, %convert_element_type3A_450, %cond3A_451 : i32
        scf.if %cond3A_452 {
          %dma_wait3A_594 = arith.constant 2 : i32
          %dma_wait3A_595 = arith.constant 0 : i32
          %dma_wait3A_596 = tpu.memref_slice %arg11[%dma_wait3A_594, %dma_wait3A_595] : memref<8x128xi32, #tpu.memory_space<vmem>> -> memref<1x128xi32, #tpu.memory_space<vmem>>
          %dma_wait3A_597 = tpu.memref_squeeze %dma_wait3A_596 : memref<1x128xi32, #tpu.memory_space<vmem>> -> memref<128xi32, #tpu.memory_space<vmem>>
          %dma_wait3A_598 = arith.constant 0 : i32
          %dma_wait3A_599 = arith.constant 0 : i32
          %dma_wait3A_600 = tpu.memref_slice %arg14[%dma_wait3A_598, %dma_wait3A_599] : memref<10240x128xf32, #tpu.memory_space<vmem_shared>> -> memref<10240x128xf32, #tpu.memory_space<vmem_shared>>
          tpu.wait_indirect_dma semaphore(%arg19 : memref<!tpu.dma_semaphore, #tpu.memory_space<semaphore_mem>>) src(%arg12 : memref<128x128xf32, #tpu.memory_space<vmem>>) dst(%dma_wait3A_600 : memref<10240x128xf32, #tpu.memory_space<vmem_shared>>)
        } else {
        }
        %dma_start3A_453 = arith.constant 4 : i32
        %dma_start3A_454 = arith.constant 0 : i32
        %dma_start3A_455 = tpu.memref_slice %arg10[%dma_start3A_453, %dma_start3A_454] : memref<8x128xi32, #tpu.memory_space<vmem>> -> memref<1x128xi32, #tpu.memory_space<vmem>>
        %dma_start3A_456 = tpu.memref_squeeze %dma_start3A_455 : memref<1x128xi32, #tpu.memory_space<vmem>> -> memref<128xi32, #tpu.memory_space<vmem>>
        %dma_start3A_457 = arith.constant 0 : i32
        %dma_start3A_458 = arith.constant 0 : i32
        %dma_start3A_459 = tpu.memref_slice %arg5[%dma_start3A_457, %dma_start3A_458] : memref<270000x128xf32, #tpu.memory_space<hbm>> -> memref<270000x128xf32, #tpu.memory_space<hbm>>
        tpu.enqueue_indirect_dma source(%dma_start3A_459 : memref<270000x128xf32, #tpu.memory_space<hbm>>) target(%arg12 : memref<128x128xf32, #tpu.memory_space<vmem>>) offsets(%dma_start3A_456 : memref<128xi32, #tpu.memory_space<vmem>>) semaphore(%arg17 : memref<!tpu.dma_semaphore, #tpu.memory_space<semaphore_mem>>)
        %dma_wait3A_460 = arith.constant 3 : i32
        %dma_wait3A_461 = arith.constant 0 : i32
        %dma_wait3A_462 = tpu.memref_slice %arg10[%dma_wait3A_460, %dma_wait3A_461] : memref<8x128xi32, #tpu.memory_space<vmem>> -> memref<1x128xi32, #tpu.memory_space<vmem>>
        %dma_wait3A_463 = tpu.memref_squeeze %dma_wait3A_462 : memref<1x128xi32, #tpu.memory_space<vmem>> -> memref<128xi32, #tpu.memory_space<vmem>>
        %dma_wait3A_464 = arith.constant 0 : i32
        %dma_wait3A_465 = arith.constant 0 : i32
        %dma_wait3A_466 = tpu.memref_slice %arg5[%dma_wait3A_464, %dma_wait3A_465] : memref<270000x128xf32, #tpu.memory_space<hbm>> -> memref<270000x128xf32, #tpu.memory_space<hbm>>
        tpu.wait_indirect_dma semaphore(%arg18 : memref<!tpu.dma_semaphore, #tpu.memory_space<semaphore_mem>>) src(%dma_wait3A_466 : memref<270000x128xf32, #tpu.memory_space<hbm>>) dst(%arg13 : memref<128x128xf32, #tpu.memory_space<vmem>>)
        %dma_start3A_467 = arith.constant 3 : i32
        %dma_start3A_468 = arith.constant 0 : i32
        %dma_start3A_469 = tpu.memref_slice %arg11[%dma_start3A_467, %dma_start3A_468] : memref<8x128xi32, #tpu.memory_space<vmem>> -> memref<1x128xi32, #tpu.memory_space<vmem>>
        %dma_start3A_470 = tpu.memref_squeeze %dma_start3A_469 : memref<1x128xi32, #tpu.memory_space<vmem>> -> memref<128xi32, #tpu.memory_space<vmem>>
        %dma_start3A_471 = arith.constant 0 : i32
        %dma_start3A_472 = arith.constant 0 : i32
        %dma_start3A_473 = tpu.memref_slice %arg14[%dma_start3A_471, %dma_start3A_472] : memref<10240x128xf32, #tpu.memory_space<vmem_shared>> -> memref<10240x128xf32, #tpu.memory_space<vmem_shared>>
        tpu.enqueue_indirect_dma source(%arg13 : memref<128x128xf32, #tpu.memory_space<vmem>>) target(%dma_start3A_473 : memref<10240x128xf32, #tpu.memory_space<vmem_shared>>) offsets(%dma_start3A_470 : memref<128xi32, #tpu.memory_space<vmem>>) semaphore(%arg20 : memref<!tpu.dma_semaphore, #tpu.memory_space<semaphore_mem>>) {add = true}
        %mul3A_474 = arith.constant 8 : i32
        %mul3A_475 = arith.muli %add3A_339, %mul3A_474 : i32
        %add3A_476 = arith.constant 4 : i32
        %add3A_477 = arith.addi %mul3A_475, %add3A_476 : i32
        %ge3A_478 = arith.constant 1 : i32
        %ge3A_479 = arith.cmpi sge, %add3A_477, %ge3A_478 : i32
        %convert_element_type3A_480 = arith.extui %ge3A_479 : i1 to i32
        %cond3A_481 = arith.constant 0 : i32
        %cond3A_482 = arith.cmpi ne, %convert_element_type3A_480, %cond3A_481 : i32
        scf.if %cond3A_482 {
          %dma_wait3A_594 = arith.constant 3 : i32
          %dma_wait3A_595 = arith.constant 0 : i32
          %dma_wait3A_596 = tpu.memref_slice %arg11[%dma_wait3A_594, %dma_wait3A_595] : memref<8x128xi32, #tpu.memory_space<vmem>> -> memref<1x128xi32, #tpu.memory_space<vmem>>
          %dma_wait3A_597 = tpu.memref_squeeze %dma_wait3A_596 : memref<1x128xi32, #tpu.memory_space<vmem>> -> memref<128xi32, #tpu.memory_space<vmem>>
          %dma_wait3A_598 = arith.constant 0 : i32
          %dma_wait3A_599 = arith.constant 0 : i32
          %dma_wait3A_600 = tpu.memref_slice %arg14[%dma_wait3A_598, %dma_wait3A_599] : memref<10240x128xf32, #tpu.memory_space<vmem_shared>> -> memref<10240x128xf32, #tpu.memory_space<vmem_shared>>
          tpu.wait_indirect_dma semaphore(%arg20 : memref<!tpu.dma_semaphore, #tpu.memory_space<semaphore_mem>>) src(%arg13 : memref<128x128xf32, #tpu.memory_space<vmem>>) dst(%dma_wait3A_600 : memref<10240x128xf32, #tpu.memory_space<vmem_shared>>)
        } else {
        }
        %dma_start3A_483 = arith.constant 5 : i32
        %dma_start3A_484 = arith.constant 0 : i32
        %dma_start3A_485 = tpu.memref_slice %arg10[%dma_start3A_483, %dma_start3A_484] : memref<8x128xi32, #tpu.memory_space<vmem>> -> memref<1x128xi32, #tpu.memory_space<vmem>>
        %dma_start3A_486 = tpu.memref_squeeze %dma_start3A_485 : memref<1x128xi32, #tpu.memory_space<vmem>> -> memref<128xi32, #tpu.memory_space<vmem>>
        %dma_start3A_487 = arith.constant 0 : i32
        %dma_start3A_488 = arith.constant 0 : i32
        %dma_start3A_489 = tpu.memref_slice %arg5[%dma_start3A_487, %dma_start3A_488] : memref<270000x128xf32, #tpu.memory_space<hbm>> -> memref<270000x128xf32, #tpu.memory_space<hbm>>
        tpu.enqueue_indirect_dma source(%dma_start3A_489 : memref<270000x128xf32, #tpu.memory_space<hbm>>) target(%arg13 : memref<128x128xf32, #tpu.memory_space<vmem>>) offsets(%dma_start3A_486 : memref<128xi32, #tpu.memory_space<vmem>>) semaphore(%arg18 : memref<!tpu.dma_semaphore, #tpu.memory_space<semaphore_mem>>)
        %dma_wait3A_490 = arith.constant 4 : i32
        %dma_wait3A_491 = arith.constant 0 : i32
        %dma_wait3A_492 = tpu.memref_slice %arg10[%dma_wait3A_490, %dma_wait3A_491] : memref<8x128xi32, #tpu.memory_space<vmem>> -> memref<1x128xi32, #tpu.memory_space<vmem>>
        %dma_wait3A_493 = tpu.memref_squeeze %dma_wait3A_492 : memref<1x128xi32, #tpu.memory_space<vmem>> -> memref<128xi32, #tpu.memory_space<vmem>>
        %dma_wait3A_494 = arith.constant 0 : i32
        %dma_wait3A_495 = arith.constant 0 : i32
        %dma_wait3A_496 = tpu.memref_slice %arg5[%dma_wait3A_494, %dma_wait3A_495] : memref<270000x128xf32, #tpu.memory_space<hbm>> -> memref<270000x128xf32, #tpu.memory_space<hbm>>
        tpu.wait_indirect_dma semaphore(%arg17 : memref<!tpu.dma_semaphore, #tpu.memory_space<semaphore_mem>>) src(%dma_wait3A_496 : memref<270000x128xf32, #tpu.memory_space<hbm>>) dst(%arg12 : memref<128x128xf32, #tpu.memory_space<vmem>>)
        %dma_start3A_497 = arith.constant 4 : i32
        %dma_start3A_498 = arith.constant 0 : i32
        %dma_start3A_499 = tpu.memref_slice %arg11[%dma_start3A_497, %dma_start3A_498] : memref<8x128xi32, #tpu.memory_space<vmem>> -> memref<1x128xi32, #tpu.memory_space<vmem>>
        %dma_start3A_500 = tpu.memref_squeeze %dma_start3A_499 : memref<1x128xi32, #tpu.memory_space<vmem>> -> memref<128xi32, #tpu.memory_space<vmem>>
        %dma_start3A_501 = arith.constant 0 : i32
        %dma_start3A_502 = arith.constant 0 : i32
        %dma_start3A_503 = tpu.memref_slice %arg14[%dma_start3A_501, %dma_start3A_502] : memref<10240x128xf32, #tpu.memory_space<vmem_shared>> -> memref<10240x128xf32, #tpu.memory_space<vmem_shared>>
        tpu.enqueue_indirect_dma source(%arg12 : memref<128x128xf32, #tpu.memory_space<vmem>>) target(%dma_start3A_503 : memref<10240x128xf32, #tpu.memory_space<vmem_shared>>) offsets(%dma_start3A_500 : memref<128xi32, #tpu.memory_space<vmem>>) semaphore(%arg19 : memref<!tpu.dma_semaphore, #tpu.memory_space<semaphore_mem>>) {add = true}
        %mul3A_504 = arith.constant 8 : i32
        %mul3A_505 = arith.muli %add3A_339, %mul3A_504 : i32
        %add3A_506 = arith.constant 5 : i32
        %add3A_507 = arith.addi %mul3A_505, %add3A_506 : i32
        %ge3A_508 = arith.constant 1 : i32
        %ge3A_509 = arith.cmpi sge, %add3A_507, %ge3A_508 : i32
        %convert_element_type3A_510 = arith.extui %ge3A_509 : i1 to i32
        %cond3A_511 = arith.constant 0 : i32
        %cond3A_512 = arith.cmpi ne, %convert_element_type3A_510, %cond3A_511 : i32
        scf.if %cond3A_512 {
          %dma_wait3A_594 = arith.constant 4 : i32
          %dma_wait3A_595 = arith.constant 0 : i32
          %dma_wait3A_596 = tpu.memref_slice %arg11[%dma_wait3A_594, %dma_wait3A_595] : memref<8x128xi32, #tpu.memory_space<vmem>> -> memref<1x128xi32, #tpu.memory_space<vmem>>
          %dma_wait3A_597 = tpu.memref_squeeze %dma_wait3A_596 : memref<1x128xi32, #tpu.memory_space<vmem>> -> memref<128xi32, #tpu.memory_space<vmem>>
          %dma_wait3A_598 = arith.constant 0 : i32
          %dma_wait3A_599 = arith.constant 0 : i32
          %dma_wait3A_600 = tpu.memref_slice %arg14[%dma_wait3A_598, %dma_wait3A_599] : memref<10240x128xf32, #tpu.memory_space<vmem_shared>> -> memref<10240x128xf32, #tpu.memory_space<vmem_shared>>
          tpu.wait_indirect_dma semaphore(%arg19 : memref<!tpu.dma_semaphore, #tpu.memory_space<semaphore_mem>>) src(%arg12 : memref<128x128xf32, #tpu.memory_space<vmem>>) dst(%dma_wait3A_600 : memref<10240x128xf32, #tpu.memory_space<vmem_shared>>)
        } else {
        }
        %dma_start3A_513 = arith.constant 6 : i32
        %dma_start3A_514 = arith.constant 0 : i32
        %dma_start3A_515 = tpu.memref_slice %arg10[%dma_start3A_513, %dma_start3A_514] : memref<8x128xi32, #tpu.memory_space<vmem>> -> memref<1x128xi32, #tpu.memory_space<vmem>>
        %dma_start3A_516 = tpu.memref_squeeze %dma_start3A_515 : memref<1x128xi32, #tpu.memory_space<vmem>> -> memref<128xi32, #tpu.memory_space<vmem>>
        %dma_start3A_517 = arith.constant 0 : i32
        %dma_start3A_518 = arith.constant 0 : i32
        %dma_start3A_519 = tpu.memref_slice %arg5[%dma_start3A_517, %dma_start3A_518] : memref<270000x128xf32, #tpu.memory_space<hbm>> -> memref<270000x128xf32, #tpu.memory_space<hbm>>
        tpu.enqueue_indirect_dma source(%dma_start3A_519 : memref<270000x128xf32, #tpu.memory_space<hbm>>) target(%arg12 : memref<128x128xf32, #tpu.memory_space<vmem>>) offsets(%dma_start3A_516 : memref<128xi32, #tpu.memory_space<vmem>>) semaphore(%arg17 : memref<!tpu.dma_semaphore, #tpu.memory_space<semaphore_mem>>)
        %dma_wait3A_520 = arith.constant 5 : i32
        %dma_wait3A_521 = arith.constant 0 : i32
        %dma_wait3A_522 = tpu.memref_slice %arg10[%dma_wait3A_520, %dma_wait3A_521] : memref<8x128xi32, #tpu.memory_space<vmem>> -> memref<1x128xi32, #tpu.memory_space<vmem>>
        %dma_wait3A_523 = tpu.memref_squeeze %dma_wait3A_522 : memref<1x128xi32, #tpu.memory_space<vmem>> -> memref<128xi32, #tpu.memory_space<vmem>>
        %dma_wait3A_524 = arith.constant 0 : i32
        %dma_wait3A_525 = arith.constant 0 : i32
        %dma_wait3A_526 = tpu.memref_slice %arg5[%dma_wait3A_524, %dma_wait3A_525] : memref<270000x128xf32, #tpu.memory_space<hbm>> -> memref<270000x128xf32, #tpu.memory_space<hbm>>
        tpu.wait_indirect_dma semaphore(%arg18 : memref<!tpu.dma_semaphore, #tpu.memory_space<semaphore_mem>>) src(%dma_wait3A_526 : memref<270000x128xf32, #tpu.memory_space<hbm>>) dst(%arg13 : memref<128x128xf32, #tpu.memory_space<vmem>>)
        %dma_start3A_527 = arith.constant 5 : i32
        %dma_start3A_528 = arith.constant 0 : i32
        %dma_start3A_529 = tpu.memref_slice %arg11[%dma_start3A_527, %dma_start3A_528] : memref<8x128xi32, #tpu.memory_space<vmem>> -> memref<1x128xi32, #tpu.memory_space<vmem>>
        %dma_start3A_530 = tpu.memref_squeeze %dma_start3A_529 : memref<1x128xi32, #tpu.memory_space<vmem>> -> memref<128xi32, #tpu.memory_space<vmem>>
        %dma_start3A_531 = arith.constant 0 : i32
        %dma_start3A_532 = arith.constant 0 : i32
        %dma_start3A_533 = tpu.memref_slice %arg14[%dma_start3A_531, %dma_start3A_532] : memref<10240x128xf32, #tpu.memory_space<vmem_shared>> -> memref<10240x128xf32, #tpu.memory_space<vmem_shared>>
        tpu.enqueue_indirect_dma source(%arg13 : memref<128x128xf32, #tpu.memory_space<vmem>>) target(%dma_start3A_533 : memref<10240x128xf32, #tpu.memory_space<vmem_shared>>) offsets(%dma_start3A_530 : memref<128xi32, #tpu.memory_space<vmem>>) semaphore(%arg20 : memref<!tpu.dma_semaphore, #tpu.memory_space<semaphore_mem>>) {add = true}
        %mul3A_534 = arith.constant 8 : i32
        %mul3A_535 = arith.muli %add3A_339, %mul3A_534 : i32
        %add3A_536 = arith.constant 6 : i32
        %add3A_537 = arith.addi %mul3A_535, %add3A_536 : i32
        %ge3A_538 = arith.constant 1 : i32
        %ge3A_539 = arith.cmpi sge, %add3A_537, %ge3A_538 : i32
        %convert_element_type3A_540 = arith.extui %ge3A_539 : i1 to i32
        %cond3A_541 = arith.constant 0 : i32
        %cond3A_542 = arith.cmpi ne, %convert_element_type3A_540, %cond3A_541 : i32
        scf.if %cond3A_542 {
          %dma_wait3A_594 = arith.constant 5 : i32
          %dma_wait3A_595 = arith.constant 0 : i32
          %dma_wait3A_596 = tpu.memref_slice %arg11[%dma_wait3A_594, %dma_wait3A_595] : memref<8x128xi32, #tpu.memory_space<vmem>> -> memref<1x128xi32, #tpu.memory_space<vmem>>
          %dma_wait3A_597 = tpu.memref_squeeze %dma_wait3A_596 : memref<1x128xi32, #tpu.memory_space<vmem>> -> memref<128xi32, #tpu.memory_space<vmem>>
          %dma_wait3A_598 = arith.constant 0 : i32
          %dma_wait3A_599 = arith.constant 0 : i32
          %dma_wait3A_600 = tpu.memref_slice %arg14[%dma_wait3A_598, %dma_wait3A_599] : memref<10240x128xf32, #tpu.memory_space<vmem_shared>> -> memref<10240x128xf32, #tpu.memory_space<vmem_shared>>
          tpu.wait_indirect_dma semaphore(%arg20 : memref<!tpu.dma_semaphore, #tpu.memory_space<semaphore_mem>>) src(%arg13 : memref<128x128xf32, #tpu.memory_space<vmem>>) dst(%dma_wait3A_600 : memref<10240x128xf32, #tpu.memory_space<vmem_shared>>)
        } else {
        }
        %dma_start3A_543 = arith.constant 7 : i32
        %dma_start3A_544 = arith.constant 0 : i32
        %dma_start3A_545 = tpu.memref_slice %arg10[%dma_start3A_543, %dma_start3A_544] : memref<8x128xi32, #tpu.memory_space<vmem>> -> memref<1x128xi32, #tpu.memory_space<vmem>>
        %dma_start3A_546 = tpu.memref_squeeze %dma_start3A_545 : memref<1x128xi32, #tpu.memory_space<vmem>> -> memref<128xi32, #tpu.memory_space<vmem>>
        %dma_start3A_547 = arith.constant 0 : i32
        %dma_start3A_548 = arith.constant 0 : i32
        %dma_start3A_549 = tpu.memref_slice %arg5[%dma_start3A_547, %dma_start3A_548] : memref<270000x128xf32, #tpu.memory_space<hbm>> -> memref<270000x128xf32, #tpu.memory_space<hbm>>
        tpu.enqueue_indirect_dma source(%dma_start3A_549 : memref<270000x128xf32, #tpu.memory_space<hbm>>) target(%arg13 : memref<128x128xf32, #tpu.memory_space<vmem>>) offsets(%dma_start3A_546 : memref<128xi32, #tpu.memory_space<vmem>>) semaphore(%arg18 : memref<!tpu.dma_semaphore, #tpu.memory_space<semaphore_mem>>)
        %dma_wait3A_550 = arith.constant 6 : i32
        %dma_wait3A_551 = arith.constant 0 : i32
        %dma_wait3A_552 = tpu.memref_slice %arg10[%dma_wait3A_550, %dma_wait3A_551] : memref<8x128xi32, #tpu.memory_space<vmem>> -> memref<1x128xi32, #tpu.memory_space<vmem>>
        %dma_wait3A_553 = tpu.memref_squeeze %dma_wait3A_552 : memref<1x128xi32, #tpu.memory_space<vmem>> -> memref<128xi32, #tpu.memory_space<vmem>>
        %dma_wait3A_554 = arith.constant 0 : i32
        %dma_wait3A_555 = arith.constant 0 : i32
        %dma_wait3A_556 = tpu.memref_slice %arg5[%dma_wait3A_554, %dma_wait3A_555] : memref<270000x128xf32, #tpu.memory_space<hbm>> -> memref<270000x128xf32, #tpu.memory_space<hbm>>
        tpu.wait_indirect_dma semaphore(%arg17 : memref<!tpu.dma_semaphore, #tpu.memory_space<semaphore_mem>>) src(%dma_wait3A_556 : memref<270000x128xf32, #tpu.memory_space<hbm>>) dst(%arg12 : memref<128x128xf32, #tpu.memory_space<vmem>>)
        %dma_start3A_557 = arith.constant 6 : i32
        %dma_start3A_558 = arith.constant 0 : i32
        %dma_start3A_559 = tpu.memref_slice %arg11[%dma_start3A_557, %dma_start3A_558] : memref<8x128xi32, #tpu.memory_space<vmem>> -> memref<1x128xi32, #tpu.memory_space<vmem>>
        %dma_start3A_560 = tpu.memref_squeeze %dma_start3A_559 : memref<1x128xi32, #tpu.memory_space<vmem>> -> memref<128xi32, #tpu.memory_space<vmem>>
        %dma_start3A_561 = arith.constant 0 : i32
        %dma_start3A_562 = arith.constant 0 : i32
        %dma_start3A_563 = tpu.memref_slice %arg14[%dma_start3A_561, %dma_start3A_562] : memref<10240x128xf32, #tpu.memory_space<vmem_shared>> -> memref<10240x128xf32, #tpu.memory_space<vmem_shared>>
        tpu.enqueue_indirect_dma source(%arg12 : memref<128x128xf32, #tpu.memory_space<vmem>>) target(%dma_start3A_563 : memref<10240x128xf32, #tpu.memory_space<vmem_shared>>) offsets(%dma_start3A_560 : memref<128xi32, #tpu.memory_space<vmem>>) semaphore(%arg19 : memref<!tpu.dma_semaphore, #tpu.memory_space<semaphore_mem>>) {add = true}
        %mul3A_564 = arith.constant 8 : i32
        %mul3A_565 = arith.muli %add3A_339, %mul3A_564 : i32
        %add3A_566 = arith.constant 7 : i32
        %add3A_567 = arith.addi %mul3A_565, %add3A_566 : i32
        %ge3A_568 = arith.constant 1 : i32
        %ge3A_569 = arith.cmpi sge, %add3A_567, %ge3A_568 : i32
        %convert_element_type3A_570 = arith.extui %ge3A_569 : i1 to i32
        %cond3A_571 = arith.constant 0 : i32
        %cond3A_572 = arith.cmpi ne, %convert_element_type3A_570, %cond3A_571 : i32
        scf.if %cond3A_572 {
          %dma_wait3A_594 = arith.constant 6 : i32
          %dma_wait3A_595 = arith.constant 0 : i32
          %dma_wait3A_596 = tpu.memref_slice %arg11[%dma_wait3A_594, %dma_wait3A_595] : memref<8x128xi32, #tpu.memory_space<vmem>> -> memref<1x128xi32, #tpu.memory_space<vmem>>
          %dma_wait3A_597 = tpu.memref_squeeze %dma_wait3A_596 : memref<1x128xi32, #tpu.memory_space<vmem>> -> memref<128xi32, #tpu.memory_space<vmem>>
          %dma_wait3A_598 = arith.constant 0 : i32
          %dma_wait3A_599 = arith.constant 0 : i32
          %dma_wait3A_600 = tpu.memref_slice %arg14[%dma_wait3A_598, %dma_wait3A_599] : memref<10240x128xf32, #tpu.memory_space<vmem_shared>> -> memref<10240x128xf32, #tpu.memory_space<vmem_shared>>
          tpu.wait_indirect_dma semaphore(%arg19 : memref<!tpu.dma_semaphore, #tpu.memory_space<semaphore_mem>>) src(%arg12 : memref<128x128xf32, #tpu.memory_space<vmem>>) dst(%dma_wait3A_600 : memref<10240x128xf32, #tpu.memory_space<vmem_shared>>)
        } else {
        }
        %add3A_573 = arith.constant 1 : i32
        %add3A_574 = arith.addi %add3A_339, %add3A_573 : i32
        %lt3A_575 = arith.constant 20 : i32
        %lt3A_576 = arith.cmpi slt, %add3A_574, %lt3A_575 : i32
        %convert_element_type3A_577 = arith.extui %lt3A_576 : i1 to i32
        %cond3A_578 = arith.constant 0 : i32
        %cond3A_579 = arith.cmpi ne, %convert_element_type3A_577, %cond3A_578 : i32
        scf.if %cond3A_579 {
          %dma_start3A_594 = arith.constant 0 : i32
          %dma_start3A_595 = arith.constant 0 : i32
          %dma_start3A_596 = tpu.memref_slice %arg8[%dma_start3A_594, %dma_start3A_595] : memref<8x128xi32, #tpu.memory_space<vmem>> -> memref<1x128xi32, #tpu.memory_space<vmem>>
          %dma_start3A_597 = tpu.memref_squeeze %dma_start3A_596 : memref<1x128xi32, #tpu.memory_space<vmem>> -> memref<128xi32, #tpu.memory_space<vmem>>
          %dma_start3A_598 = arith.constant 0 : i32
          %dma_start3A_599 = arith.constant 0 : i32
          %dma_start3A_600 = tpu.memref_slice %arg5[%dma_start3A_598, %dma_start3A_599] : memref<270000x128xf32, #tpu.memory_space<hbm>> -> memref<270000x128xf32, #tpu.memory_space<hbm>>
          tpu.enqueue_indirect_dma source(%dma_start3A_600 : memref<270000x128xf32, #tpu.memory_space<hbm>>) target(%arg12 : memref<128x128xf32, #tpu.memory_space<vmem>>) offsets(%dma_start3A_597 : memref<128xi32, #tpu.memory_space<vmem>>) semaphore(%arg17 : memref<!tpu.dma_semaphore, #tpu.memory_space<semaphore_mem>>)
        } else {
        }
        %dma_wait3A_580 = arith.constant 7 : i32
        %dma_wait3A_581 = arith.constant 0 : i32
        %dma_wait3A_582 = tpu.memref_slice %arg10[%dma_wait3A_580, %dma_wait3A_581] : memref<8x128xi32, #tpu.memory_space<vmem>> -> memref<1x128xi32, #tpu.memory_space<vmem>>
        %dma_wait3A_583 = tpu.memref_squeeze %dma_wait3A_582 : memref<1x128xi32, #tpu.memory_space<vmem>> -> memref<128xi32, #tpu.memory_space<vmem>>
        %dma_wait3A_584 = arith.constant 0 : i32
        %dma_wait3A_585 = arith.constant 0 : i32
        %dma_wait3A_586 = tpu.memref_slice %arg5[%dma_wait3A_584, %dma_wait3A_585] : memref<270000x128xf32, #tpu.memory_space<hbm>> -> memref<270000x128xf32, #tpu.memory_space<hbm>>
        tpu.wait_indirect_dma semaphore(%arg18 : memref<!tpu.dma_semaphore, #tpu.memory_space<semaphore_mem>>) src(%dma_wait3A_586 : memref<270000x128xf32, #tpu.memory_space<hbm>>) dst(%arg13 : memref<128x128xf32, #tpu.memory_space<vmem>>)
        %dma_start3A_587 = arith.constant 7 : i32
        %dma_start3A_588 = arith.constant 0 : i32
        %dma_start3A_589 = tpu.memref_slice %arg11[%dma_start3A_587, %dma_start3A_588] : memref<8x128xi32, #tpu.memory_space<vmem>> -> memref<1x128xi32, #tpu.memory_space<vmem>>
        %dma_start3A_590 = tpu.memref_squeeze %dma_start3A_589 : memref<1x128xi32, #tpu.memory_space<vmem>> -> memref<128xi32, #tpu.memory_space<vmem>>
        %dma_start3A_591 = arith.constant 0 : i32
        %dma_start3A_592 = arith.constant 0 : i32
        %dma_start3A_593 = tpu.memref_slice %arg14[%dma_start3A_591, %dma_start3A_592] : memref<10240x128xf32, #tpu.memory_space<vmem_shared>> -> memref<10240x128xf32, #tpu.memory_space<vmem_shared>>
        tpu.enqueue_indirect_dma source(%arg13 : memref<128x128xf32, #tpu.memory_space<vmem>>) target(%dma_start3A_593 : memref<10240x128xf32, #tpu.memory_space<vmem_shared>>) offsets(%dma_start3A_590 : memref<128xi32, #tpu.memory_space<vmem>>) semaphore(%arg20 : memref<!tpu.dma_semaphore, #tpu.memory_space<semaphore_mem>>) {add = true}
      }
      %scan3A_73 = arith.constant 10 : i32
      %dma_wait3A_74 = arith.constant 7 : i32
      %dma_wait3A_75 = arith.constant 0 : i32
      %dma_wait3A_76 = tpu.memref_slice %arg11[%dma_wait3A_74, %dma_wait3A_75] : memref<8x128xi32, #tpu.memory_space<vmem>> -> memref<1x128xi32, #tpu.memory_space<vmem>>
      %dma_wait3A_77 = tpu.memref_squeeze %dma_wait3A_76 : memref<1x128xi32, #tpu.memory_space<vmem>> -> memref<128xi32, #tpu.memory_space<vmem>>
      %dma_wait3A_78 = arith.constant 0 : i32
      %dma_wait3A_79 = arith.constant 0 : i32
      %dma_wait3A_80 = tpu.memref_slice %arg14[%dma_wait3A_78, %dma_wait3A_79] : memref<10240x128xf32, #tpu.memory_space<vmem_shared>> -> memref<10240x128xf32, #tpu.memory_space<vmem_shared>>
      tpu.wait_indirect_dma semaphore(%arg20 : memref<!tpu.dma_semaphore, #tpu.memory_space<semaphore_mem>>) src(%arg13 : memref<128x128xf32, #tpu.memory_space<vmem>>) dst(%dma_wait3A_80 : memref<10240x128xf32, #tpu.memory_space<vmem_shared>>)
    } else {
    }
    %barrier3A_32 = arith.constant 0 : index
    tpu.barrier barrier_id(%barrier3A_32)
    %eq3A_33 = arith.constant 0 : i32
    %eq3A_34 = arith.cmpi eq, %arg0, %eq3A_33 : i32
    %convert_element_type3A_35 = arith.extui %eq3A_34 : i1 to i32
    %cond3A_36 = arith.constant 0 : i32
    %cond3A_37 = arith.cmpi ne, %convert_element_type3A_35, %cond3A_36 : i32
    scf.if %cond3A_37 {
      %mul3A_43 = arith.constant 640 : i32
      %mul3A_44 = arith.muli %arg1, %mul3A_43 : i32
      %mul3A_45 = arith.constant 640 : i32
      %mul3A_46 = arith.muli %arg1, %mul3A_45 : i32
      "tpu.region"() ({
        %run_scoped3A = tpu.sem_alloc : memref<!tpu.dma_semaphore, #tpu.memory_space<semaphore_mem>>
        %dma_start3A = arith.constant 0 : i32
        %dma_start3A_47 = tpu.memref_slice %arg6[%mul3A_46, %dma_start3A] : memref<10240x128xf32, #tpu.memory_space<hbm>> -> memref<640x128xf32, #tpu.memory_space<hbm>>
        %dma_start3A_48 = arith.constant 0 : i32
        %dma_start3A_49 = tpu.memref_slice %arg14[%mul3A_44, %dma_start3A_48] : memref<10240x128xf32, #tpu.memory_space<vmem_shared>> -> memref<640x128xf32, #tpu.memory_space<vmem_shared>>
        tpu.enqueue_dma source(%dma_start3A_49 : memref<640x128xf32, #tpu.memory_space<vmem_shared>>) target(%dma_start3A_47 : memref<640x128xf32, #tpu.memory_space<hbm>>) target_semaphore(%run_scoped3A : memref<!tpu.dma_semaphore, #tpu.memory_space<semaphore_mem>>)
        %dma_wait3A = arith.constant 0 : i32
        %dma_wait3A_50 = tpu.memref_slice %arg6[%mul3A_46, %dma_wait3A] : memref<10240x128xf32, #tpu.memory_space<hbm>> -> memref<640x128xf32, #tpu.memory_space<hbm>>
        %dma_wait3A_51 = arith.constant 0 : i32
        %dma_wait3A_52 = tpu.memref_slice %arg14[%mul3A_44, %dma_wait3A_51] : memref<10240x128xf32, #tpu.memory_space<vmem_shared>> -> memref<640x128xf32, #tpu.memory_space<vmem_shared>>
        tpu.wait_dma2 semaphore(%run_scoped3A : memref<!tpu.dma_semaphore, #tpu.memory_space<semaphore_mem>>) src(%dma_wait3A_52 : memref<640x128xf32, #tpu.memory_space<vmem_shared>>) dst(%dma_wait3A_50 : memref<640x128xf32, #tpu.memory_space<hbm>>)
        tpu.yield
      }) : () -> ()
    } else {
    }
    %eq3A_38 = arith.constant 1 : i32
    %eq3A_39 = arith.cmpi eq, %arg0, %eq3A_38 : i32
    %convert_element_type3A_40 = arith.extui %eq3A_39 : i1 to i32
    %cond3A_41 = arith.constant 0 : i32
    %cond3A_42 = arith.cmpi ne, %convert_element_type3A_40, %cond3A_41 : i32
    scf.if %cond3A_42 {
      %mul3A_43 = arith.constant 640 : i32
      %mul3A_44 = arith.muli %arg1, %mul3A_43 : i32
      %mul3A_45 = arith.constant 640 : i32
      %mul3A_46 = arith.muli %arg1, %mul3A_45 : i32
      "tpu.region"() ({
        %run_scoped3A = tpu.sem_alloc : memref<!tpu.dma_semaphore, #tpu.memory_space<semaphore_mem>>
        %dma_start3A = arith.constant 0 : i32
        %dma_start3A_47 = tpu.memref_slice %arg7[%mul3A_46, %dma_start3A] : memref<10240x128xf32, #tpu.memory_space<hbm>> -> memref<640x128xf32, #tpu.memory_space<hbm>>
        %dma_start3A_48 = arith.constant 0 : i32
        %dma_start3A_49 = tpu.memref_slice %arg14[%mul3A_44, %dma_start3A_48] : memref<10240x128xf32, #tpu.memory_space<vmem_shared>> -> memref<640x128xf32, #tpu.memory_space<vmem_shared>>
        tpu.enqueue_dma source(%dma_start3A_49 : memref<640x128xf32, #tpu.memory_space<vmem_shared>>) target(%dma_start3A_47 : memref<640x128xf32, #tpu.memory_space<hbm>>) target_semaphore(%run_scoped3A : memref<!tpu.dma_semaphore, #tpu.memory_space<semaphore_mem>>)
        %dma_wait3A = arith.constant 0 : i32
        %dma_wait3A_50 = tpu.memref_slice %arg7[%mul3A_46, %dma_wait3A] : memref<10240x128xf32, #tpu.memory_space<hbm>> -> memref<640x128xf32, #tpu.memory_space<hbm>>
        %dma_wait3A_51 = arith.constant 0 : i32
        %dma_wait3A_52 = tpu.memref_slice %arg14[%mul3A_44, %dma_wait3A_51] : memref<10240x128xf32, #tpu.memory_space<vmem_shared>> -> memref<640x128xf32, #tpu.memory_space<vmem_shared>>
        tpu.wait_dma2 semaphore(%run_scoped3A : memref<!tpu.dma_semaphore, #tpu.memory_space<semaphore_mem>>) src(%dma_wait3A_52 : memref<640x128xf32, #tpu.memory_space<vmem_shared>>) dst(%dma_wait3A_50 : memref<640x128xf32, #tpu.memory_space<hbm>>)
        tpu.yield
      }) : () -> ()
    } else {
    }
    return
  }
}

module attributes {stable_mosaic.version = 14 : i64} {
  func.func @_gidx_body(%arg0: memref<2560x128xi32, #tpu.memory_space<vmem>>, %arg1: memref<2560x128xi32, #tpu.memory_space<vmem>>, %arg2: memref<2560x128xi32, #tpu.memory_space<vmem>>) attributes {dimension_semantics = [], scalar_prefetch = 0 : i64, scratch_operands = 0 : i64, tpu.core_type = #tpu.core_type<tc>} {
    %get3A = arith.constant 0 : index
    %get3A_0 = arith.constant 0 : index
    %get3A_1 = vector.load %arg1[%get3A, %get3A_0] : memref<2560x128xi32, #tpu.memory_space<vmem>>, vector<2560x128xi32>
    %mul3A = arith.constant 10000 : i32
    %mul3A_2 = vector.broadcast %mul3A : i32 to vector<2560x128xi32>
    %mul3A_3 = arith.muli %get3A_1, %mul3A_2 : vector<2560x128xi32>
    %get3A_4 = arith.constant 0 : index
    %get3A_5 = arith.constant 0 : index
    %get3A_6 = vector.load %arg0[%get3A_4, %get3A_5] : memref<2560x128xi32, #tpu.memory_space<vmem>>, vector<2560x128xi32>
    %add3A = arith.addi %mul3A_3, %get3A_6 : vector<2560x128xi32>
    %swap3A = arith.constant 0 : index
    %swap3A_7 = arith.constant 0 : index
    %swap3A_8 = vector.load %arg2[%swap3A, %swap3A_7] : memref<2560x128xi32, #tpu.memory_space<vmem>>, vector<2560x128xi32>
    tpu.vector_store %arg2[%swap3A, %swap3A_7], %add3A {strides = array<i32>} : memref<2560x128xi32, #tpu.memory_space<vmem>>, vector<2560x128xi32>,
    return
  }
}

module attributes {stable_mosaic.version = 14 : i64} {
  func.func @_mm_body(%arg0: i32, %arg1: memref<10000x128xf32, #tpu.memory_space<vmem>>, %arg2: memref<1x128x256xf32, #tpu.memory_space<vmem>>, %arg3: memref<1x10000x128xf32, #tpu.memory_space<vmem>>, %arg4: memref<1x10000x128xf32, #tpu.memory_space<vmem>>) attributes {dimension_semantics = [#tpu.dimension_semantics<arbitrary>], iteration_bounds = array<i64: 27>, scalar_prefetch = 0 : i64, scratch_operands = 0 : i64, tpu.core_type = #tpu.core_type<tc>, window_params = [{pipeline_mode = #tpu.pipeline_mode<synchronous>, transform_indices = @transform_0, window_bounds = array<i64: 10000, 128>}, {transform_indices = @transform_1, window_bounds = array<i64: 1, 128, 256>}, {transform_indices = @transform_2, window_bounds = array<i64: 1, 10000, 128>}, {transform_indices = @transform_3, window_bounds = array<i64: 1, 10000, 128>}]} {
    %get3A = arith.constant 0 : index
    %get3A_0 = arith.constant 0 : index
    %get3A_1 = vector.load %arg1[%get3A, %get3A_0] : memref<10000x128xf32, #tpu.memory_space<vmem>>, vector<10000x128xf32>
    %get3A_2 = arith.constant 0 : index
    %get3A_3 = arith.constant 0 : index
    %get3A_4 = arith.constant 0 : index
    %get3A_5 = vector.load %arg2[%get3A_2, %get3A_3, %get3A_4] : memref<1x128x256xf32, #tpu.memory_space<vmem>>, vector<1x128x256xf32>
    %get3A_6 = vector.shape_cast %get3A_5 : vector<1x128x256xf32> to vector<128x256xf32>
    %dot_general3A = arith.constant dense<0.000000e+00> : vector<10000x256xf32>
    %dot_general3A_7 = tpu.matmul %get3A_1, %get3A_6, %dot_general3A {dimension_numbers = #tpu.dot_dimension_numbers<[1], [0], [0], [1], [0, 0, 1, 1], [], []>, transpose_lhs_hint = false} : vector<10000x128xf32>, vector<128x256xf32>, vector<10000x256xf32> -> vector<10000x256xf32>
    %slice3A = vector.extract_strided_slice %dot_general3A_7 {offsets = [0, 0], sizes = [10000, 128], strides = [1, 1]} : vector<10000x256xf32> to vector<10000x128xf32>
    %swap3A = arith.constant 0 : index
    %swap3A_8 = arith.constant 0 : index
    %swap3A_9 = arith.constant 0 : index
    %swap3A_10 = vector.load %arg3[%swap3A, %swap3A_8, %swap3A_9] : memref<1x10000x128xf32, #tpu.memory_space<vmem>>, vector<1x10000x128xf32>
    %swap3A_11 = vector.shape_cast %swap3A_10 : vector<1x10000x128xf32> to vector<10000x128xf32>
    %swap3A_12 = vector.shape_cast %slice3A : vector<10000x128xf32> to vector<1x10000x128xf32>
    tpu.vector_store %arg3[%swap3A, %swap3A_8, %swap3A_9], %swap3A_12 {strides = array<i32>} : memref<1x10000x128xf32, #tpu.memory_space<vmem>>, vector<1x10000x128xf32>,
    %slice3A_13 = vector.extract_strided_slice %dot_general3A_7 {offsets = [0, 128], sizes = [10000, 128], strides = [1, 1]} : vector<10000x256xf32> to vector<10000x128xf32>
    %swap3A_14 = arith.constant 0 : index
    %swap3A_15 = arith.constant 0 : index
    %swap3A_16 = arith.constant 0 : index
    %swap3A_17 = vector.load %arg4[%swap3A_14, %swap3A_15, %swap3A_16] : memref<1x10000x128xf32, #tpu.memory_space<vmem>>, vector<1x10000x128xf32>
    %swap3A_18 = vector.shape_cast %swap3A_17 : vector<1x10000x128xf32> to vector<10000x128xf32>
    %swap3A_19 = vector.shape_cast %slice3A_13 : vector<10000x128xf32> to vector<1x10000x128xf32>
    tpu.vector_store %arg4[%swap3A_14, %swap3A_15, %swap3A_16], %swap3A_19 {strides = array<i32>} : memref<1x10000x128xf32, #tpu.memory_space<vmem>>, vector<1x10000x128xf32>,
    return
  }
  func.func @transform_0(%arg0: i32) -> (i32, i32) {
    %c0_i32 = arith.constant 0 : i32
    %c0_i32_0 = arith.constant 0 : i32
    %c0_i32_1 = arith.constant 0 : i32
    return %c0_i32, %c0_i32_0 : i32, i32
  }
  func.func @transform_1(%arg0: i32) -> (i32, i32, i32) {
    %c0_i32 = arith.constant 0 : i32
    %c0_i32_0 = arith.constant 0 : i32
    %c0_i32_1 = arith.constant 0 : i32
    return %arg0, %c0_i32, %c0_i32_0 : i32, i32, i32
  }
  func.func @transform_2(%arg0: i32) -> (i32, i32, i32) {
    %c0_i32 = arith.constant 0 : i32
    %c0_i32_0 = arith.constant 0 : i32
    %c0_i32_1 = arith.constant 0 : i32
    return %arg0, %c0_i32, %c0_i32_0 : i32, i32, i32
  }
  func.func @transform_3(%arg0: i32) -> (i32, i32, i32) {
    %c0_i32 = arith.constant 0 : i32
    %c0_i32_0 = arith.constant 0 : i32
    %c0_i32_1 = arith.constant 0 : i32
    return %arg0, %c0_i32, %c0_i32_0 : i32, i32, i32
  }
}

module attributes {stable_mosaic.version = 14 : i64} {
  func.func @_fuse_body(%arg0: memref<10000x128xf32, #tpu.memory_space<vmem>>, %arg1: memref<10000x128xf32, #tpu.memory_space<vmem>>, %arg2: memref<1x128xf32, #tpu.memory_space<vmem>>, %arg3: memref<1x128xf32, #tpu.memory_space<vmem>>, %arg4: memref<1x128xf32, #tpu.memory_space<vmem>>, %arg5: memref<1x128xf32, #tpu.memory_space<vmem>>, %arg6: memref<128x128xf32, #tpu.memory_space<vmem>>, %arg7: memref<128x128xf32, #tpu.memory_space<vmem>>, %arg8: memref<1x128xf32, #tpu.memory_space<vmem>>, %arg9: memref<1x128xf32, #tpu.memory_space<vmem>>, %arg10: memref<10000x128xf32, #tpu.memory_space<vmem>>) attributes {dimension_semantics = [], scalar_prefetch = 0 : i64, scratch_operands = 0 : i64, tpu.core_type = #tpu.core_type<tc>} {
    %get3A = arith.constant 0 : index
    %get3A_0 = arith.constant 0 : index
    %get3A_1 = vector.load %arg0[%get3A, %get3A_0] : memref<10000x128xf32, #tpu.memory_space<vmem>>, vector<10000x128xf32>
    %get3A_2 = arith.constant 0 : index
    %get3A_3 = arith.constant 0 : index
    %get3A_4 = vector.load %arg2[%get3A_2, %get3A_3] : memref<1x128xf32, #tpu.memory_space<vmem>>, vector<1x128xf32>
    %get3A_5 = arith.constant 0 : index
    %get3A_6 = arith.constant 0 : index
    %get3A_7 = vector.load %arg3[%get3A_5, %get3A_6] : memref<1x128xf32, #tpu.memory_space<vmem>>, vector<1x128xf32>
    %reduce_sum3A = arith.constant dense<0.000000e+00> : vector<128xf32>
    %reduce_sum3A_8 = vector.multi_reduction <add>, %get3A_1, %reduce_sum3A [0] : vector<10000x128xf32> to vector<128xf32>
    %broadcast_in_dim3A = vector.shape_cast %reduce_sum3A_8 : vector<128xf32> to vector<1x128xf32>
    %div3A = arith.constant 1.000000e+04 : f32
    %div3A_9 = vector.broadcast %div3A : f32 to vector<1x128xf32>
    %div3A_10 = arith.divf %broadcast_in_dim3A, %div3A_9 : vector<1x128xf32>
    %sub3A = vector.broadcast %div3A_10 : vector<1x128xf32> to vector<10000x128xf32>
    %sub3A_11 = arith.subf %get3A_1, %sub3A : vector<10000x128xf32>
    %integer_pow3A = arith.mulf %sub3A_11, %sub3A_11 : vector<10000x128xf32>
    %reduce_sum3A_12 = arith.constant dense<0.000000e+00> : vector<128xf32>
    %reduce_sum3A_13 = vector.multi_reduction <add>, %integer_pow3A, %reduce_sum3A_12 [0] : vector<10000x128xf32> to vector<128xf32>
    %broadcast_in_dim3A_14 = vector.shape_cast %reduce_sum3A_13 : vector<128xf32> to vector<1x128xf32>
    %div3A_15 = arith.constant 1.000000e+04 : f32
    %div3A_16 = vector.broadcast %div3A_15 : f32 to vector<1x128xf32>
    %div3A_17 = arith.divf %broadcast_in_dim3A_14, %div3A_16 : vector<1x128xf32>
    %sub3A_18 = vector.broadcast %div3A_10 : vector<1x128xf32> to vector<10000x128xf32>
    %sub3A_19 = arith.subf %get3A_1, %sub3A_18 : vector<10000x128xf32>
    %add3A = arith.constant 9.99999974E-6 : f32
    %add3A_20 = vector.broadcast %add3A : f32 to vector<1x128xf32>
    %add3A_21 = arith.addf %div3A_17, %add3A_20 : vector<1x128xf32>
    %sqrt3A = math.sqrt %add3A_21 : vector<1x128xf32>
    %div3A_22 = vector.broadcast %sqrt3A : vector<1x128xf32> to vector<10000x128xf32>
    %div3A_23 = arith.divf %sub3A_19, %div3A_22 : vector<10000x128xf32>
    %mul3A = vector.broadcast %get3A_4 : vector<1x128xf32> to vector<10000x128xf32>
    %mul3A_24 = arith.mulf %div3A_23, %mul3A : vector<10000x128xf32>
    %add3A_25 = vector.broadcast %get3A_7 : vector<1x128xf32> to vector<10000x128xf32>
    %add3A_26 = arith.addf %mul3A_24, %add3A_25 : vector<10000x128xf32>
    %max3A = arith.constant 0.000000e+00 : f32
    %max3A_27 = vector.broadcast %max3A : f32 to vector<10000x128xf32>
    %max3A_28 = arith.maximumf %add3A_26, %max3A_27 : vector<10000x128xf32>
    %get3A_29 = arith.constant 0 : index
    %get3A_30 = arith.constant 0 : index
    %get3A_31 = vector.load %arg1[%get3A_29, %get3A_30] : memref<10000x128xf32, #tpu.memory_space<vmem>>, vector<10000x128xf32>
    %get3A_32 = arith.constant 0 : index
    %get3A_33 = arith.constant 0 : index
    %get3A_34 = vector.load %arg4[%get3A_32, %get3A_33] : memref<1x128xf32, #tpu.memory_space<vmem>>, vector<1x128xf32>
    %get3A_35 = arith.constant 0 : index
    %get3A_36 = arith.constant 0 : index
    %get3A_37 = vector.load %arg5[%get3A_35, %get3A_36] : memref<1x128xf32, #tpu.memory_space<vmem>>, vector<1x128xf32>
    %reduce_sum3A_38 = arith.constant dense<0.000000e+00> : vector<128xf32>
    %reduce_sum3A_39 = vector.multi_reduction <add>, %get3A_31, %reduce_sum3A_38 [0] : vector<10000x128xf32> to vector<128xf32>
    %broadcast_in_dim3A_40 = vector.shape_cast %reduce_sum3A_39 : vector<128xf32> to vector<1x128xf32>
    %div3A_41 = arith.constant 1.000000e+04 : f32
    %div3A_42 = vector.broadcast %div3A_41 : f32 to vector<1x128xf32>
    %div3A_43 = arith.divf %broadcast_in_dim3A_40, %div3A_42 : vector<1x128xf32>
    %sub3A_44 = vector.broadcast %div3A_43 : vector<1x128xf32> to vector<10000x128xf32>
    %sub3A_45 = arith.subf %get3A_31, %sub3A_44 : vector<10000x128xf32>
    %integer_pow3A_46 = arith.mulf %sub3A_45, %sub3A_45 : vector<10000x128xf32>
    %reduce_sum3A_47 = arith.constant dense<0.000000e+00> : vector<128xf32>
    %reduce_sum3A_48 = vector.multi_reduction <add>, %integer_pow3A_46, %reduce_sum3A_47 [0] : vector<10000x128xf32> to vector<128xf32>
    %broadcast_in_dim3A_49 = vector.shape_cast %reduce_sum3A_48 : vector<128xf32> to vector<1x128xf32>
    %div3A_50 = arith.constant 1.000000e+04 : f32
    %div3A_51 = vector.broadcast %div3A_50 : f32 to vector<1x128xf32>
    %div3A_52 = arith.divf %broadcast_in_dim3A_49, %div3A_51 : vector<1x128xf32>
    %sub3A_53 = vector.broadcast %div3A_43 : vector<1x128xf32> to vector<10000x128xf32>
    %sub3A_54 = arith.subf %get3A_31, %sub3A_53 : vector<10000x128xf32>
    %add3A_55 = arith.constant 9.99999974E-6 : f32
    %add3A_56 = vector.broadcast %add3A_55 : f32 to vector<1x128xf32>
    %add3A_57 = arith.addf %div3A_52, %add3A_56 : vector<1x128xf32>
    %sqrt3A_58 = math.sqrt %add3A_57 : vector<1x128xf32>
    %div3A_59 = vector.broadcast %sqrt3A_58 : vector<1x128xf32> to vector<10000x128xf32>
    %div3A_60 = arith.divf %sub3A_54, %div3A_59 : vector<10000x128xf32>
    %mul3A_61 = vector.broadcast %get3A_34 : vector<1x128xf32> to vector<10000x128xf32>
    %mul3A_62 = arith.mulf %div3A_60, %mul3A_61 : vector<10000x128xf32>
    %add3A_63 = vector.broadcast %get3A_37 : vector<1x128xf32> to vector<10000x128xf32>
    %add3A_64 = arith.addf %mul3A_62, %add3A_63 : vector<10000x128xf32>
    %max3A_65 = arith.constant 0.000000e+00 : f32
    %max3A_66 = vector.broadcast %max3A_65 : f32 to vector<10000x128xf32>
    %max3A_67 = arith.maximumf %add3A_64, %max3A_66 : vector<10000x128xf32>
    %get3A_68 = arith.constant 0 : index
    %get3A_69 = arith.constant 0 : index
    %get3A_70 = vector.load %arg6[%get3A_68, %get3A_69] : memref<128x128xf32, #tpu.memory_space<vmem>>, vector<128x128xf32>
    %dot_general3A = arith.constant dense<0.000000e+00> : vector<10000x128xf32>
    %dot_general3A_71 = tpu.matmul %max3A_28, %get3A_70, %dot_general3A {dimension_numbers = #tpu.dot_dimension_numbers<[1], [0], [0], [1], [0, 0, 1, 1], [], []>, transpose_lhs_hint = false} : vector<10000x128xf32>, vector<128x128xf32>, vector<10000x128xf32> -> vector<10000x128xf32>
    %get3A_72 = arith.constant 0 : index
    %get3A_73 = arith.constant 0 : index
    %get3A_74 = vector.load %arg7[%get3A_72, %get3A_73] : memref<128x128xf32, #tpu.memory_space<vmem>>, vector<128x128xf32>
    %dot_general3A_75 = arith.constant dense<0.000000e+00> : vector<10000x128xf32>
    %dot_general3A_76 = tpu.matmul %max3A_67, %get3A_74, %dot_general3A_75 {dimension_numbers = #tpu.dot_dimension_numbers<[1], [0], [0], [1], [0, 0, 1, 1], [], []>, transpose_lhs_hint = false} : vector<10000x128xf32>, vector<128x128xf32>, vector<10000x128xf32> -> vector<10000x128xf32>
    %add3A_77 = arith.addf %dot_general3A_71, %dot_general3A_76 : vector<10000x128xf32>
    %get3A_78 = arith.constant 0 : index
    %get3A_79 = arith.constant 0 : index
    %get3A_80 = vector.load %arg8[%get3A_78, %get3A_79] : memref<1x128xf32, #tpu.memory_space<vmem>>, vector<1x128xf32>
    %get3A_81 = arith.constant 0 : index
    %get3A_82 = arith.constant 0 : index
    %get3A_83 = vector.load %arg9[%get3A_81, %get3A_82] : memref<1x128xf32, #tpu.memory_space<vmem>>, vector<1x128xf32>
    %reduce_sum3A_84 = arith.constant dense<0.000000e+00> : vector<128xf32>
    %reduce_sum3A_85 = vector.multi_reduction <add>, %add3A_77, %reduce_sum3A_84 [0] : vector<10000x128xf32> to vector<128xf32>
    %broadcast_in_dim3A_86 = vector.shape_cast %reduce_sum3A_85 : vector<128xf32> to vector<1x128xf32>
    %div3A_87 = arith.constant 1.000000e+04 : f32
    %div3A_88 = vector.broadcast %div3A_87 : f32 to vector<1x128xf32>
    %div3A_89 = arith.divf %broadcast_in_dim3A_86, %div3A_88 : vector<1x128xf32>
    %sub3A_90 = vector.broadcast %div3A_89 : vector<1x128xf32> to vector<10000x128xf32>
    %sub3A_91 = arith.subf %add3A_77, %sub3A_90 : vector<10000x128xf32>
    %integer_pow3A_92 = arith.mulf %sub3A_91, %sub3A_91 : vector<10000x128xf32>
    %reduce_sum3A_93 = arith.constant dense<0.000000e+00> : vector<128xf32>
    %reduce_sum3A_94 = vector.multi_reduction <add>, %integer_pow3A_92, %reduce_sum3A_93 [0] : vector<10000x128xf32> to vector<128xf32>
    %broadcast_in_dim3A_95 = vector.shape_cast %reduce_sum3A_94 : vector<128xf32> to vector<1x128xf32>
    %div3A_96 = arith.constant 1.000000e+04 : f32
    %div3A_97 = vector.broadcast %div3A_96 : f32 to vector<1x128xf32>
    %div3A_98 = arith.divf %broadcast_in_dim3A_95, %div3A_97 : vector<1x128xf32>
    %sub3A_99 = vector.broadcast %div3A_89 : vector<1x128xf32> to vector<10000x128xf32>
    %sub3A_100 = arith.subf %add3A_77, %sub3A_99 : vector<10000x128xf32>
    %add3A_101 = arith.constant 9.99999974E-6 : f32
    %add3A_102 = vector.broadcast %add3A_101 : f32 to vector<1x128xf32>
    %add3A_103 = arith.addf %div3A_98, %add3A_102 : vector<1x128xf32>
    %sqrt3A_104 = math.sqrt %add3A_103 : vector<1x128xf32>
    %div3A_105 = vector.broadcast %sqrt3A_104 : vector<1x128xf32> to vector<10000x128xf32>
    %div3A_106 = arith.divf %sub3A_100, %div3A_105 : vector<10000x128xf32>
    %mul3A_107 = vector.broadcast %get3A_80 : vector<1x128xf32> to vector<10000x128xf32>
    %mul3A_108 = arith.mulf %div3A_106, %mul3A_107 : vector<10000x128xf32>
    %add3A_109 = vector.broadcast %get3A_83 : vector<1x128xf32> to vector<10000x128xf32>
    %add3A_110 = arith.addf %mul3A_108, %add3A_109 : vector<10000x128xf32>
    %max3A_111 = arith.constant 0.000000e+00 : f32
    %max3A_112 = vector.broadcast %max3A_111 : f32 to vector<10000x128xf32>
    %max3A_113 = arith.maximumf %add3A_110, %max3A_112 : vector<10000x128xf32>
    %swap3A = arith.constant 0 : index
    %swap3A_114 = arith.constant 0 : index
    %swap3A_115 = vector.load %arg10[%swap3A, %swap3A_114] : memref<10000x128xf32, #tpu.memory_space<vmem>>, vector<10000x128xf32>
    tpu.vector_store %arg10[%swap3A, %swap3A_114], %max3A_113 {strides = array<i32>} : memref<10000x128xf32, #tpu.memory_space<vmem>>, vector<10000x128xf32>,
    return
  }
}

</mosaic_0001>

<sc_bundles>
// kernel: kernel.6.cloned.1.call-start
scs
__scs_entry_jumppad:
0x0: {  	(pc) =	sbr.rel $0x88, $3  }
0x1: {  	(tag) =	ssettag $0x0;
	lr =	simm.s32 $0x1  }
0x2: {  	[smem:$0x3F92] =	sst lr;
	_ =	strace $0xD0000000  }
0x3: {  	_ = 	snop  }
0x4: {  	_ = 	snop  }
0x5: {  	_ = 	snop  }
0x6: {  	_ = 	snop  }
0x7: {  	_ = 	snop  }
__scs_overlays_trampoline_lowered:
0x8: {  	[smem:$0x3FA1] =	sst s0  }
0x9: {  	[smem:$0x3FA2] =	sst s1  }
0xa: {  	[smem:$0x3FA3] =	sst s2  }
0xb: {  	[smem:$0x3FA4] =	sst s3  }
0xc: {  	[smem:$0x3FA5] =	sst s4  }
0xd: {  	[smem:$0x3FA6] =	sst s5  }
0xe: {  	[smem:$0x3FA7] =	sst s6  }
0xf: {  	[smem:$0x3FA8] =	sst s7  }
0x10: {  	[smem:$0x3FA9] =	sst s8  }
0x11: {  	[smem:$0x3FAA] =	sst s9;
	s0 =	simm.s32 @!p0 $0x0  }
0x12: {  	s1 =	sld [smem:$0x3F90];
	s0 =	simm.s32 @p0 $0x1  }
0x13: {  	[smem:$0x3FAB] =	sst s0;
	s0 =	simm.s32 @!p1 $0x0  }
0x14: {  	s2 =	sld [smem:$0x3F8F];
	s0 =	simm.s32 @p1 $0x1  }
0x15: {  	[smem:$0x3FAC] =	sst s0;
	s0 =	simm.s32 @!p2 $0x0  }
0x16: {  	s3 =	sld [smem:$0x3FDB];
	s0 =	simm.s32 @p2 $0x1  }
0x17: {  	s4 =	simm.s32 $0x1BF5;
	[smem:$0x3FAE] =	sst s0  }
0x18: {  	s0 =	sld [smem:$0x3F91];
	_ =	swait.ge [sflag:s4], $0x0  }
0x19: {  	s7 =	sld [smem:$0x3F92]  }
0x1a: {  	s8 =	sadd.s32 $0xFFFFE003, lr  }
0x1b: {  	s9 =	sadd.s32 $0xFFFFFEF7, lr;
	s5 =	simm.s32 $0xFFFFFFFF;
	p2 =	slt.u32 s8, $0xFFFFF086  }
0x1c: {  	p1 =	slt.u32 s9, $0xF7A;
	s5 =	simm.s32 @!p2 $0x0  }
0x1d: {  	s5 =	simm.s32 @p1 $0x1;
	p0 =	seq.s32 s7, s2  }
0x1e: {  	s7 =	smul.u32 @!p0 $0xF7A, s2;
	p2 =	seq.s32 @!p0 s5, $0x0  }
0x1f: {  	s9 =	smul.u32 $0xF7A, s1;
	s8 =	simm.s32 @!p0 $0x1BF5;
	p2 =	por !p2, p0  }
0x20: {  	[sflag:s8] =	ssyncset.s32 @!p0 $0xFFFFF086;
	s6 =	sadd.s32 @!p0 s3, s7;
	s7 =	simm.s32 @!p0 $0x108  }
0x21: {  	s3 =	sadd.s32 s3, s9;
	s6 =	sadd.s32 @!p0 $0x88, s6;
	s7 =	simm.s32 @p2 $0x1082  }
0x22: {  	[simem:s7], [sflag:s8] =	dma.local @!p0 [hbm:s6], $0xF7A  }
0x23: {  	s9 =	sor.u32 $0xD0000000, s2;
	s6 =	simm.s32 $0x108;
	_ =	swait.ge @!p0 [sflag:s8], $0x0  }
0x24: {  	s3 =	sadd.s32 $0x88, s3;
	s6 =	simm.s32 @!p1 $0x1082;
	[sflag:s4] =	ssyncset.s32 $0xFFFFF086  }
0x25: {  	[simem:s6], [sflag:s4] =	dma.local [hbm:s3], $0xF7A  }
0x26: {  	[smem:$0x3F92] =	sst s1;
	(tag) =	ssettag s2;
	_ =	strace s9  }
0x27: {  	s1 =	sld [smem:$0x3FA2]  }
0x28: {  	s2 =	sld [smem:$0x3FA3]  }
0x29: {  	s4 =	sld [smem:$0x3FA5]  }
0x2a: {  	p0 =	seq.s32 s5, $0x0;
	s5 =	sld [smem:$0x3FA6]  }
0x2b: {  	s6 =	sld [smem:$0x3FA7]  }
0x2c: {  	s7 =	sld [smem:$0x3FA8]  }
0x2d: {  	s3 =	simm.s32 $0x108;
	s8 =	sld [smem:$0x3FA9]  }
0x2e: {  	s3 =	simm.s32 @!p0 $0x1082;
	s9 =	sld [smem:$0x3FAA]  }
0x2f: {  	lr =	sadd.s32 s0, s3;
	s0 =	sld [smem:$0x3FA1]  }
0x30: {  	s3 =	sld [smem:$0x3FA4]  }
0x31: {  	[smem:$0x3FAD] =	sst s10  }
0x32: {  	s10 =	sld [smem:$0x3FAB];
	_ =	sdelay $0x3  }
0x33: {  	p0 =	seq.s32 s10, $0x1;
	s10 =	sld [smem:$0x3FAD];
	_ =	sdelay $0x3  }
0x34: {  	[smem:$0x3FAD] =	sst s10  }
0x35: {  	s10 =	sld [smem:$0x3FAC];
	_ =	sdelay $0x3  }
0x36: {  	p1 =	seq.s32 s10, $0x1;
	s10 =	sld [smem:$0x3FAD];
	_ =	sdelay $0x3  }
0x37: {  	[smem:$0x3FAD] =	sst s10  }
0x38: {  	s10 =	sld [smem:$0x3FAE]  }
0x39: {  	_ = 	snop;
	(pc) =	sbr.ind lr, $3  }
0x3a: {  	_ = 	snop  }
0x3b: {  	_ = 	snop  }
0x3c: {  	p2 =	seq.s32 s10, $0x1;
	s10 =	sld [smem:$0x3FAD]  }
0x3d: {  	_ =	shalt  }
0x3e: {  	_ =	shalt  }
0x3f: {  	_ =	shalt  }
0x40: {  	_ =	shalt  }
0x41: {  	_ =	shalt  }
0x42: {  	_ =	shalt  }
0x43: {  	_ =	shalt  }
0x44: {  	_ =	shalt  }
0x45: {  	_ =	shalt  }
0x46: {  	_ =	shalt  }
0x47: {  	_ =	shalt  }
0x48: {  	_ =	shalt  }
0x49: {  	_ =	shalt  }
0x4a: {  	_ =	shalt  }
0x4b: {  	_ =	shalt  }
0x4c: {  	_ =	shalt  }
0x4d: {  	_ =	shalt  }
0x4e: {  	_ =	shalt  }
0x4f: {  	_ =	shalt  }
0x50: {  	_ =	shalt  }
0x51: {  	_ =	shalt  }
0x52: {  	_ =	shalt  }
0x53: {  	_ =	shalt  }
0x54: {  	_ =	shalt  }
0x55: {  	_ =	shalt  }
0x56: {  	_ =	shalt  }
0x57: {  	_ =	shalt  }
0x58: {  	_ =	shalt  }
0x59: {  	_ =	shalt  }
0x5a: {  	_ =	shalt  }
0x5b: {  	_ =	shalt  }
0x5c: {  	_ =	shalt  }
0x5d: {  	_ =	shalt  }
0x5e: {  	_ =	shalt  }
0x5f: {  	_ =	shalt  }
0x60: {  	_ =	shalt  }
0x61: {  	_ =	shalt  }
0x62: {  	_ =	shalt  }
0x63: {  	_ =	shalt  }
0x64: {  	_ =	shalt  }
0x65: {  	_ =	shalt  }
0x66: {  	_ =	shalt  }
0x67: {  	_ =	shalt  }
0x68: {  	_ =	shalt  }
0x69: {  	_ =	shalt  }
0x6a: {  	_ =	shalt  }
0x6b: {  	_ =	shalt  }
0x6c: {  	_ =	shalt  }
0x6d: {  	_ =	shalt  }
0x6e: {  	_ =	shalt  }
0x6f: {  	_ =	shalt  }
0x70: {  	_ =	shalt  }
0x71: {  	_ =	shalt  }
0x72: {  	_ =	shalt  }
0x73: {  	_ =	shalt  }
0x74: {  	_ =	shalt  }
0x75: {  	_ =	shalt  }
0x76: {  	_ =	shalt  }
0x77: {  	_ =	shalt  }
0x78: {  	_ =	shalt  }
0x79: {  	_ =	shalt  }
0x7a: {  	_ =	shalt  }
0x7b: {  	_ =	shalt  }
0x7c: {  	_ =	shalt  }
0x7d: {  	_ =	shalt  }
0x7e: {  	_ =	shalt  }
0x7f: {  	_ =	shalt  }
0x80: {  	_ =	shalt  }
0x81: {  	_ =	shalt  }
0x82: {  	_ =	shalt  }
0x83: {  	_ =	shalt  }
0x84: {  	_ =	shalt  }
0x85: {  	_ =	shalt  }
0x86: {  	_ =	shalt  }
0x87: {  	_ =	shalt  }
.Lfunc_end0:
.L_simem_size_0:
called_computation_lowered:
.L_overlay_start_0:
0x88: {  	s2 =	sld [smem:$0x3FD9]  }
0x89: {  	s3 =	sld [smem:$0x3FFE];
	_ =	sdelay $0x1  }
0x8a: {  	s1 =	srdreg.scid  }
0x8b: {  	s0 =	sand.u32 $0x1, s1  }
0x8c: {  	s17 =	sshll.u32 s0, $0xA;
	s2 =	sadd.s32 s3, s2  }
0x8d: {  	s2 =	sadd.s32 s2, s17  }
0x8e: {  	[smem:$0x3FB9] =	sst s2  }
0x8f: {  	_ = 	snop  }
0x90: {  	s2 =	sld [smem:$0x3FD0];
	(tm) =	ssettm $0x1  }
0x91: {  	s18 =	sld [smem:$0x3FFB];
	_ =	sdelay $0x3  }
0x92: {  	_ =	strace s18  }
0x93: {  	s3 =	sld [smem:$0x3FFC];
	_ =	sdelay $0x3  }
0x94: {  	_ =	strace s3  }
0x95: {  	s3 =	sld [smem:$0x3FFD];
	_ =	sdelay $0x3  }
0x96: {  	_ =	strace s3  }
0x97: {  	_ =	strace $0x8FFFFFFF  }
0x98: {  	s19 =	sld [smem:$0x3FDB];
	_ =	sdelay $0x1  }
0x99: {  	s4 =	simm.s32 $_scs_section_size  }
0x9a: {  	s5 =	simm.s32 $_size__tile_overlayer_lowered;
	s6 =	simm.s32 $_tile_overlayer_lowered  }
0x9b: {  	s22 =	simm.s32 $0x1BFF;
	s21 =	sshll.u32 s6, $0x1;
	s3 =	sadd.s32 s4, s19  }
0x9c: {  	s7 =	simm.s32 $0x0;
	s20 =	sshll.u32 s5, $0x1;
	s5 =	sadd.s32 s21, s3  }
0x9d: {  	[timem:s7], [sflag:s22] =	dma.local [hbm:s5], s20  }
0x9e: {  	_ =	swait.ge [sflag:s22], s20  }
0x9f: {  	s4 =	ssub.s32 $0x0, s20;
	[sflag:s22] =	ssyncset.done $0x0  }
0xa0: {  	[sflag:s22] =	ssyncadd.s32 s4;
	_ =	sdelay $0x1  }
0xa1: {  	s23 =	simm.s32 $0x1B8B  }
0xa2: {  	_ =	swait.ge [sflag:s23], $0x1  }
0xa3: {  	[sflag:s23] =	ssyncset.done $0x0  }
0xa4: {  	s25 =	simm.s32 $0x1B8E;
	s24 =	sld [smem:$0x3FFE];
	[sflag:s23] =	ssyncadd.s32 $0xFFFFFFFF  }
0xa5: {  	s26 =	simm.s32 $execute0_lowered;
	[smem:$0x3FD2] =	sst s25  }
0xa6: {  	s5 =	sshll.u32 s26, $0x1;
	_ =	strace $0x80000046;
	[dreg:$0x1] =	wrdreg $0xFFFFFFFF  }
0xa7: {  	s28 =	simm.s32 $_size_execute0_lowered;
	s3 =	sadd.s32 s3, s5;
	[dreg:$0x0] =	wrdreg $0x0  }
0xa8: {  	s5 =	sshll.u32 s28, $0x1;
	[dreg:$0x2] =	wrdreg s3  }
0xa9: {  	[dreg:$0x3] =	wrdreg s5  }
0xaa: {  	[dreg:$0x4] =	wrdreg $0xC0  }
0xab: {  	_ =	task [dreg:s7], $0x5FFFF  }
0xac: {  	[dreg:$0x1] =	wrdreg $0xFFFFFFFF  }
0xad: {  	[dreg:$0x0] =	wrdreg $0x60  }
0xae: {  	[dreg:$0x2] =	wrdreg s24  }
0xaf: {  	[dreg:$0x3] =	wrdreg s2  }
0xb0: {  	[dreg:$0x4] =	wrdreg $0x90000  }
0xb1: {  	[dreg:$0x5] =	wrdreg $0x9  }
0xb2: {  	_ =	task.clear_ibuf [dreg:s7], $0x6FFFF;
	_ =	strace $0x90000046  }
0xb3: {  	s29 =	simm.s32 $0x9;
	_ =	strace $0x80000048  }
0xb4: {  	_ =	swait.ge [sflag:s29], $0x1  }
0xb5: {  	[sflag:s29] =	ssyncadd.s32 $0xFFFFFFFF  }
0xb6: {  	_ =	strace $0x90000048  }
0xb7: {  	_ =	sfence  }
0xb8: {  	s30 =	sld [smem:$0x0];
	_ =	sdelay $0x2  }
0xb9: {  	s31 =	sshll.u32 s1, $0xD;
	s1 =	sshrl.u32 s1, $0x2  }
0xba: {  	s3 =	sand.u32 $0x4000, s31;
	s1 =	sadd.s32 s1, s30  }
0xbb: {  	s0 =	sor.u32 s3, s0;
	s1 =	sshll.u32 s1, $0x11  }
0xbc: {  	s0 =	sor.u32 s1, s0  }
0xbd: {  	s0 =	sadd.s32 $0x8F2B, s0  }
0xbe: {  	[sflag:s0] =	ssyncadd.remote.s32 $0x1  }
0xbf: {  	_ =	sfence.sel $0xFFFF  }
0xc0: {  	[dreg:$0x0] =	wrdreg $0xFFFFFFFF;
	(pc) =	sbr.abs _section_cstart, $3  }
0xc1: {  	[dreg:$0x1] =	wrdreg $0xFFFFFFFF  }
0xc2: {  	_ =	task.clear_ibuf [dreg:s7], $0x2FFFF;
	_ =	strace $0x9FFFFFFF  }
0xc3: {  	(tm) =	ssettm $0x7FFFFFFF  }
tec
execute0_lowered:
.L_overlay_start_1:
0x0: {  	(tag) =	ssettag $0x1  }
0x1: {  	s0 =	rddreg [dreg:$0x0]  }
0x2: {  	s1 =	rddreg [dreg:$0x1]  }
0x3: {  	s2 =	rddreg [dreg:$0x2];
	s3 =	simm.s32 $0x0;
	s11 =	stileid.u32  }
0x4: {  	s8 =	srdreg.scid;
	s17 =	simm.s32 $0x1000;
	s28 =	simm.s32 $0x7  }
0x5: {  	s30 =	simm.s32 $0x400;
	s29 =	simm.s32 $0x4;
	s6 =	smul.u32 $0xA00, s11  }
0x6: {  	[smem:$0x7FF] =	sst s3;
	s9 =	smul.u32 $0x50000, s11;
	s4 =	sadd.s32 $0xCE00, s0  }
0x7: {  	s31 =	simm.s32 $0x6;
	s5 =	sadd.s32 $0x42BA00, s0;
	s10 =	sadd.s32 $0x84A600, s0  }
0x8: {  	s8 =	sand.u32 $0x1, s8;
	s26 =	smul.u32 $0x2800, s11;
	_ =	strace $0x80000047  }
0x9: {  	[dreg:$0x4] =	wrdreg s10;
	s21 =	ssub.s32 $0x2, s8;
	p0 =	sne.s32 s8, $0x0  }
0xa: {  	s7 =	sadd.s32 s6, s0;
	s9 =	sshrl.u32 s9, $0x2;
	s0 =	sadd.s32 $0x872600, s0  }
0xb: {  	s22 =	sshrl.u32 s21, $0x1;
	s14 =	sadd.s32 s1, s6;
	[dreg:$0xb] =	wrdreg s26  }
0xc: {  	s26 =	simm.s32 $0x5;
	[dreg:$0x5] =	wrdreg s0;
	s20 =	sadd.s32 s9, s2  }
0xd: {  	s0 =	ssub.s32 s21, s22;
	s9 =	sadd.s32 $0x4000, s20;
	[dreg:$0x6] =	wrdreg s20  }
0xe: {  	s13 =	sadd.s32 $0x2E00, s7;
	s23 =	sadd.s32 $0x8000, s20;
	[dreg:$0x7] =	wrdreg s9  }
.Ltmp0:
0xf: {  	s24 =	sadd.s32 $0xC000, s20;
	[dreg:$0x8] =	wrdreg s23;
	(pc) =	sbr.rel .LBB2_1-.Ltmp0, $4  }
0x10: {  	s21 =	simm.s32 $0x80;
	s25 =	sadd.s32 $0x10000, s20;
	[dreg:$0x9] =	wrdreg s24  }
0x11: {  	s22 =	simm.s32 $0x5000;
	s0 =	smax.u32 s0, $0x1;
	[dreg:$0xa] =	wrdreg s25  }
0x12: {  	s7 =	simm.s32 $0x2;
	[dreg:$0xc] =	wrdreg s0;
	s23 =	simm.s32 $0x3  }
0x13: {  	v0 =	vimm.f32 $0.0e+00;
	s24 =	simm.s32 $0x800;
	s25 =	simm.s32 $0xC00;
	s0 =	simm.s32 $0x0  }
.LBB2_9:
0x14: {  	[sflag:s29] =	ssyncset.done $0x0  }
0x15: {  	s0 =	simm.s32 @!p2 $0x6;
	[sflag:s29] =	ssyncadd.s32 $0xFFFFC000  }
0x16: {  	[spmem:s2] =	stream.indirect.scatter.add.f32 [tilespmem:s22], [sflag:$0x6], $0x80, s1, s21, $0xb8;
	[tilespmem:$0x1D000] =	vst v63  }
0x17: {  	_ =	swait.ge @!p2 [sflag:s0], $0x4000  }
0x18: {  	[sflag:s0] =	ssyncset.done @!p2 $0x0  }
0x19: {  	[sflag:s0] =	ssyncadd.s32 @!p2 $0xFFFFC000  }
0x1a: {  	[tilespmem:s22], [sflag:$0x4] =	stream.indirect.gather [hbm4b:s5+s21], $0x80, s21, s21, $0xb8;
	[tilespmem:$0x1D000] =	vst v63  }
0x1b: {  	_ =	swait.ge [sflag:s23], $0x4000  }
0x1c: {  	[sflag:s23] =	ssyncset.done $0x0  }
0x1d: {  	s19 =	sadd.s32 s20, s13;
	[sflag:s23] =	ssyncadd.s32 $0xFFFFC000  }
0x1e: {  	[spmem:s2] =	stream.indirect.scatter.add.f32 [tilespmem:s17], [sflag:$0x5], $0x80, s30, s21, $0xb8;
	[tilespmem:$0x1D000] =	vst v63  }
0x1f: {  	s18 =	sadd.s32 s20, s14;
	s0 =	sadd.s32 $0x80, s19  }
0x20: {  	[tilespmem:s24], [sflag:$0x2] =	stream.linear.gather [hbm4b:s0+s3], $0x400, $0x38;
	[tilespmem:$0x1D000] =	vst v63  }
0x21: {  	s28 =	sadd.s32 $0x80, s18  }
0x22: {  	[tilespmem:s25], [sflag:$0x2] =	stream.linear.gather [hbm4b:s28+s3], $0x400, $0x38;
	[tilespmem:$0x1D000] =	vst v63  }
0x23: {  	_ =	swait.ge [sflag:s26], $0x4000  }
0x24: {  	[sflag:s26] =	ssyncset.done $0x0  }
0x25: {  	[sflag:s26] =	ssyncadd.s32 $0xFFFFC000  }
0x26: {  	[tilespmem:s17], [sflag:$0x3] =	stream.indirect.gather [hbm4b:s5+s21], $0x80, s6, s21, $0xb8;
	[tilespmem:$0x1D000] =	vst v63  }
0x27: {  	_ =	swait.ge [sflag:s29], $0x4000  }
0x28: {  	[sflag:s29] =	ssyncset.done $0x0  }
0x29: {  	s6 =	simm.s32 $0x480;
	[sflag:s29] =	ssyncadd.s32 $0xFFFFC000  }
0x2a: {  	[spmem:s2] =	stream.indirect.scatter.add.f32 [tilespmem:s22], [sflag:$0x6], $0x80, s6, s21, $0xb8;
	[tilespmem:$0x1D000] =	vst v63  }
0x2b: {  	_ =	swait.ge [sflag:s31], $0x4000  }
0x2c: {  	[sflag:s31] =	ssyncset.done $0x0  }
0x2d: {  	[sflag:s31] =	ssyncadd.s32 $0xFFFFC000  }
0x2e: {  	[tilespmem:s22], [sflag:$0x4] =	stream.indirect.gather [hbm4b:s5+s21], $0x80, s9, s21, $0xb8;
	[tilespmem:$0x1D000] =	vst v63  }
0x2f: {  	_ =	swait.ge [sflag:s23], $0x4000  }
0x30: {  	[sflag:s23] =	ssyncset.done $0x0  }
0x31: {  	[sflag:s23] =	ssyncadd.s32 $0xFFFFC000  }
0x32: {  	[spmem:s2] =	stream.indirect.scatter.add.f32 [tilespmem:s17], [sflag:$0x5], $0x80, s10, s21, $0xb8;
	[tilespmem:$0x1D000] =	vst v63  }
0x33: {  	_ =	swait.ge [sflag:s7], $0x400  }
0x34: {  	[sflag:s7] =	ssyncset.done $0x0  }
0x35: {  	[sflag:s7] =	ssyncadd.s32 $0xFFFFFC00  }
0x36: {  	_ =	swait.ge [sflag:s7], $0x400  }
0x37: {  	[sflag:s7] =	ssyncset.done $0x0  }
0x38: {  	[sflag:s7] =	ssyncadd.s32 $0xFFFFFC00  }
0x39: {  	_ =	swait.ge [sflag:s26], $0x4000  }
0x3a: {  	[sflag:s26] =	ssyncset.done $0x0  }
0x3b: {  	[sflag:s26] =	ssyncadd.s32 $0xFFFFC000  }
0x3c: {  	[tilespmem:s17], [sflag:$0x3] =	stream.indirect.gather [hbm4b:s5+s21], $0x80, s11, s21, $0xb8;
	[tilespmem:$0x1D000] =	vst v63  }
0x3d: {  	_ =	swait.ge [sflag:s29], $0x4000  }
0x3e: {  	[sflag:s29] =	ssyncset.done $0x0  }
0x3f: {  	[sflag:s29] =	ssyncadd.s32 $0xFFFFC000  }
0x40: {  	[spmem:s2] =	stream.indirect.scatter.add.f32 [tilespmem:s22], [sflag:$0x6], $0x80, s12, s21, $0xb8;
	[tilespmem:$0x1D000] =	vst v63  }
0x41: {  	_ =	swait.ge [sflag:s31], $0x4000  }
0x42: {  	[sflag:s31] =	ssyncset.done $0x0  }
0x43: {  	[sflag:s31] =	ssyncadd.s32 $0xFFFFC000  }
0x44: {  	[tilespmem:s22], [sflag:$0x4] =	stream.indirect.gather [hbm4b:s5+s21], $0x80, s15, s21, $0xb8;
	[tilespmem:$0x1D000] =	vst v63  }
0x45: {  	_ =	swait.ge [sflag:s23], $0x4000  }
0x46: {  	[sflag:s23] =	ssyncset.done $0x0  }
0x47: {  	[sflag:s23] =	ssyncadd.s32 $0xFFFFC000  }
0x48: {  	[spmem:s2] =	stream.indirect.scatter.add.f32 [tilespmem:s17], [sflag:$0x5], $0x80, s16, s21, $0xb8;
	[tilespmem:$0x1D000] =	vst v63  }
0x49: {  	_ =	swait.ge [sflag:s26], $0x4000  }
0x4a: {  	[sflag:s26] =	ssyncset.done $0x0  }
0x4b: {  	[sflag:s26] =	ssyncadd.s32 $0xFFFFC000  }
0x4c: {  	[tilespmem:s17], [sflag:$0x3] =	stream.indirect.gather [hbm4b:s5+s21], $0x80, s8, s21, $0xb8;
	[tilespmem:$0x1D000] =	vst v63  }
0x4d: {  	_ =	swait.ge [sflag:s29], $0x4000  }
0x4e: {  	[sflag:s29] =	ssyncset.done $0x0  }
0x4f: {  	s12 =	simm.s32 $0x680;
	[sflag:s29] =	ssyncadd.s32 $0xFFFFC000  }
0x50: {  	[spmem:s2] =	stream.indirect.scatter.add.f32 [tilespmem:s22], [sflag:$0x6], $0x80, s12, s21, $0xb8;
	[tilespmem:$0x1D000] =	vst v63  }
0x51: {  	_ =	swait.ge [sflag:s31], $0x4000  }
0x52: {  	[sflag:s31] =	ssyncset.done $0x0  }
0x53: {  	s15 =	simm.s32 $0x380;
	[sflag:s31] =	ssyncadd.s32 $0xFFFFC000  }
0x54: {  	[tilespmem:s22], [sflag:$0x4] =	stream.indirect.gather [hbm4b:s5+s21], $0x80, s15, s21, $0xb8;
	[tilespmem:$0x1D000] =	vst v63  }
0x55: {  	_ =	swait.ge [sflag:s23], $0x4000  }
0x56: {  	[sflag:s23] =	ssyncset.done $0x0  }
0x57: {  	s16 =	simm.s32 $0x700;
	[sflag:s23] =	ssyncadd.s32 $0xFFFFC000  }
0x58: {  	[spmem:s2] =	stream.indirect.scatter.add.f32 [tilespmem:s17], [sflag:$0x5], $0x80, s16, s21, $0xb8;
	[tilespmem:$0x1D000] =	vst v63  }
0x59: {  	_ =	swait.ge [sflag:s26], $0x4000  }
0x5a: {  	[sflag:s26] =	ssyncset.done $0x0  }
0x5b: {  	[sflag:s26] =	ssyncadd.s32 $0xFFFFC000  }
0x5c: {  	[tilespmem:s17], [sflag:$0x3] =	stream.indirect.gather [hbm4b:s5+s21], $0x80, s24, s21, $0xb8;
	[tilespmem:$0x1D000] =	vst v63  }
0x5d: {  	_ =	swait.ge [sflag:s29], $0x4000  }
0x5e: {  	[sflag:s29] =	ssyncset.done $0x0  }
0x5f: {  	s18 =	simm.s32 $0x780;
	[sflag:s29] =	ssyncadd.s32 $0xFFFFC000  }
0x60: {  	[spmem:s2] =	stream.indirect.scatter.add.f32 [tilespmem:s22], [sflag:$0x6], $0x80, s18, s21, $0xb8;
	[tilespmem:$0x1D000] =	vst v63  }
0x61: {  	_ =	swait.ge [sflag:s31], $0x4000  }
0x62: {  	[sflag:s31] =	ssyncset.done $0x0  }
0x63: {  	s19 =	simm.s32 $0x880;
	[sflag:s31] =	ssyncadd.s32 $0xFFFFC000  }
0x64: {  	[tilespmem:s22], [sflag:$0x4] =	stream.indirect.gather [hbm4b:s5+s21], $0x80, s19, s21, $0xb8;
	[tilespmem:$0x1D000] =	vst v63  }
0x65: {  	_ =	swait.ge [sflag:s23], $0x4000  }
0x66: {  	p1 =	seq.s32 s20, $0x900;
	[sflag:s23] =	ssyncset.done $0x0  }
0x67: {  	s0 =	sadd.s32 @!p1 s20, s13;
	[sflag:s23] =	ssyncadd.s32 $0xFFFFC000  }
0x68: {  	[spmem:s2] =	stream.indirect.scatter.add.f32 [tilespmem:s17], [sflag:$0x5], $0x80, s25, s21, $0xb8;
	[tilespmem:$0x1D000] =	vst v63  }
0x69: {  	s0 =	sadd.s32 @!p1 $0x100, s0;
	s18 =	simm.s32 @!p1 $0x0;
	s19 =	sadd.s32 @!p1 s20, s14  }
0x6a: {  	[tilespmem:s18], [sflag:$0x1] =	stream.linear.gather @!p1 [hbm4b:s0+s18], $0x400, $0x38;
	[tilespmem:$0x1D000] =	vst v63  }
0x6b: {  	s19 =	sadd.s32 @!p1 $0x100, s19;
	s0 =	simm.s32 @!p1 $0x400  }
0x6c: {  	[tilespmem:s0], [sflag:$0x1] =	stream.linear.gather @!p1 [hbm4b:s19+s18], $0x400, $0x38;
	[tilespmem:$0x1D000] =	vst v63  }
0x6d: {  	_ =	swait.ge [sflag:s26], $0x4000  }
0x6e: {  	[sflag:s26] =	ssyncset.done $0x0  }
0x6f: {  	s28 =	simm.s32 $0x900;
	[sflag:s26] =	ssyncadd.s32 $0xFFFFC000  }
0x70: {  	[tilespmem:s17], [sflag:$0x3] =	stream.indirect.gather [hbm4b:s5+s21], $0x80, s28, s21, $0xb8;
	[tilespmem:$0x1D000] =	vst v63  }
0x71: {  	_ =	swait.ge [sflag:s29], $0x4000  }
0x72: {  	[sflag:s29] =	ssyncset.done $0x0  }
0x73: {  	s6 =	simm.s32 $0xC80;
	[sflag:s29] =	ssyncadd.s32 $0xFFFFC000  }
0x74: {  	[spmem:s2] =	stream.indirect.scatter.add.f32 [tilespmem:s22], [sflag:$0x6], $0x80, s6, s21, $0xb8;
	[tilespmem:$0x1D000] =	vst v63  }
0x75: {  	_ =	swait.ge [sflag:s31], $0x4000  }
0x76: {  	[sflag:s31] =	ssyncset.done $0x0  }
0x77: {  	s8 =	simm.s32 $0x980;
	[sflag:s31] =	ssyncadd.s32 $0xFFFFC000  }
0x78: {  	[tilespmem:s22], [sflag:$0x4] =	stream.indirect.gather [hbm4b:s5+s21], $0x80, s8, s21, $0xb8;
	[tilespmem:$0x1D000] =	vst v63  }
0x79: {  	_ =	swait.ge [sflag:s23], $0x4000  }
0x7a: {  	[sflag:s23] =	ssyncset.done $0x0  }
0x7b: {  	s9 =	simm.s32 $0xD00;
	s0 =	simm.s32 @!p1 $0x1;
	[sflag:s23] =	ssyncadd.s32 $0xFFFFC000  }
0x7c: {  	[spmem:s2] =	stream.indirect.scatter.add.f32 [tilespmem:s17], [sflag:$0x5], $0x80, s9, s21, $0xb8;
	[tilespmem:$0x1D000] =	vst v63  }
0x7d: {  	_ =	swait.ge @!p1 [sflag:s0], $0x400  }
0x7e: {  	[sflag:s0] =	ssyncset.done @!p1 $0x0  }
0x7f: {  	[sflag:s0] =	ssyncadd.s32 @!p1 $0xFFFFFC00  }
0x80: {  	_ =	swait.ge @!p1 [sflag:s0], $0x400  }
0x81: {  	[sflag:s0] =	ssyncset.done @!p1 $0x0  }
0x82: {  	[sflag:s0] =	ssyncadd.s32 @!p1 $0xFFFFFC00  }
0x83: {  	_ =	swait.ge [sflag:s26], $0x4000  }
0x84: {  	[sflag:s26] =	ssyncset.done $0x0  }
0x85: {  	s10 =	simm.s32 $0xA00;
	[sflag:s26] =	ssyncadd.s32 $0xFFFFC000  }
0x86: {  	[tilespmem:s17], [sflag:$0x3] =	stream.indirect.gather [hbm4b:s5+s21], $0x80, s10, s21, $0xb8;
	[tilespmem:$0x1D000] =	vst v63  }
0x87: {  	_ =	swait.ge [sflag:s29], $0x4000  }
0x88: {  	[sflag:s29] =	ssyncset.done $0x0  }
0x89: {  	s11 =	simm.s32 $0xD80;
	[sflag:s29] =	ssyncadd.s32 $0xFFFFC000  }
0x8a: {  	[spmem:s2] =	stream.indirect.scatter.add.f32 [tilespmem:s22], [sflag:$0x6], $0x80, s11, s21, $0xb8;
	[tilespmem:$0x1D000] =	vst v63  }
0x8b: {  	_ =	swait.ge [sflag:s31], $0x4000  }
0x8c: {  	[sflag:s31] =	ssyncset.done $0x0  }
0x8d: {  	s12 =	simm.s32 $0xA80;
	[sflag:s31] =	ssyncadd.s32 $0xFFFFC000  }
0x8e: {  	[tilespmem:s22], [sflag:$0x4] =	stream.indirect.gather [hbm4b:s5+s21], $0x80, s12, s21, $0xb8;
	[tilespmem:$0x1D000] =	vst v63  }
0x8f: {  	_ =	swait.ge [sflag:s23], $0x4000  }
0x90: {  	[sflag:s23] =	ssyncset.done $0x0  }
0x91: {  	s15 =	simm.s32 $0xE00;
	[sflag:s23] =	ssyncadd.s32 $0xFFFFC000  }
0x92: {  	[spmem:s2] =	stream.indirect.scatter.add.f32 [tilespmem:s17], [sflag:$0x5], $0x80, s15, s21, $0xb8;
	[tilespmem:$0x1D000] =	vst v63  }
0x93: {  	_ =	swait.ge [sflag:s26], $0x4000  }
0x94: {  	[sflag:s26] =	ssyncset.done $0x0  }
0x95: {  	s16 =	simm.s32 $0xB00;
	[sflag:s26] =	ssyncadd.s32 $0xFFFFC000  }
0x96: {  	[tilespmem:s17], [sflag:$0x3] =	stream.indirect.gather [hbm4b:s5+s21], $0x80, s16, s21, $0xb8;
	[tilespmem:$0x1D000] =	vst v63  }
0x97: {  	_ =	swait.ge [sflag:s29], $0x4000  }
0x98: {  	[sflag:s29] =	ssyncset.done $0x0  }
0x99: {  	s19 =	simm.s32 $0xE80;
	[sflag:s29] =	ssyncadd.s32 $0xFFFFC000  }
0x9a: {  	[spmem:s2] =	stream.indirect.scatter.add.f32 [tilespmem:s22], [sflag:$0x6], $0x80, s19, s21, $0xb8;
	[tilespmem:$0x1D000] =	vst v63  }
0x9b: {  	_ =	swait.ge [sflag:s31], $0x4000  }
0x9c: {  	[sflag:s31] =	ssyncset.done $0x0  }
0x9d: {  	s20 =	simm.s32 $0xB80;
	[sflag:s31] =	ssyncadd.s32 $0xFFFFC000  }
0x9e: {  	[tilespmem:s22], [sflag:$0x4] =	stream.indirect.gather [hbm4b:s5+s21], $0x80, s20, s21, $0xb8;
	[tilespmem:$0x1D000] =	vst v63  }
0x9f: {  	_ =	swait.ge [sflag:s23], $0x4000  }
0xa0: {  	[sflag:s23] =	ssyncset.done $0x0  }
0xa1: {  	s28 =	simm.s32 $0xF00;
	[sflag:s23] =	ssyncadd.s32 $0xFFFFC000  }
0xa2: {  	[spmem:s2] =	stream.indirect.scatter.add.f32 [tilespmem:s17], [sflag:$0x5], $0x80, s28, s21, $0xb8;
	[tilespmem:$0x1D000] =	vst v63  }
0xa3: {  	_ =	swait.ge [sflag:s26], $0x4000  }
0xa4: {  	[sflag:s26] =	ssyncset.done $0x0  }
0xa5: {  	s0 =	simm.s32 @!p1 $0x80;
	s19 =	simm.s32 @!p1 $0x1000;
	[sflag:s26] =	ssyncadd.s32 $0xFFFFC000  }
0xa6: {  	[tilespmem:s19], [sflag:$0x3] =	stream.indirect.gather @!p1 [hbm4b:s5+s0], $0x80, s18, s0, $0xb8;
	[tilespmem:$0x1D000] =	vst v63  }
0xa7: {  	_ =	swait.ge [sflag:s29], $0x4000  }
0xa8: {  	[sflag:s29] =	ssyncset.done $0x0  }
0xa9: {  	s18 =	rddreg [dreg:$0x5];
	[sflag:s29] =	ssyncadd.s32 $0xFFFFC000  }
0xaa: {  	[spmem:s2] =	stream.indirect.scatter.add.f32 [tilespmem:s22], [sflag:$0x6], $0x80, s1, s21, $0xb8;
	[tilespmem:$0x1D000] =	vst v63  }
0xab: {  	s1 =	rddreg [dreg:$0xd]  }
.LBB2_10:
0xac: {  	_ =	swait.ge [sflag:s31], $0x4000  }
0xad: {  	[sflag:s31] =	ssyncset.done $0x0  }
0xae: {  	[sflag:s31] =	ssyncadd.s32 $0xFFFFC000  }
0xaf: {  	s16 =	stileid.u32;
	s0 =	rddreg [dreg:$0xb];
	[bflag:$0x0] =	sbarrier.arrive $0xFFFF  }
0xb0: {  	s0 =	sadd.s32 s18, s0;
	s18 =	sshll.u32 s16, $0x6;
	s20 =	rddreg [dreg:$0x6]  }
0xb1: {  	s28 =	simm.s32 $0x7;
	s18 =	sor.u32 $0x1C07, s18;
	s19 =	sshrl.u32 s20, $0x3  }
0xb2: {  	[hbm:s0], [sflag:s18] =	dma.local [spmem:s19], $0x2800  }
0xb3: {  	_ =	swait.ge [sflag:s28], $0x2800  }
0xb4: {  	s1 =	sadd.s32 $0x1, s1;
	s19 =	rddreg [dreg:$0xc]  }
0xb5: {  	p1 =	sne.s32 s1, s19  }
.Ltmp1:
0xb6: {  	_ = 	snop;
	(pc) =	sbr.rel @!p1 .LBB2_11-.Ltmp1, $3  }
0xb7: {  	_ =	sdelay $0x1  }
0xb8: {  	[sflag:s28] =	ssyncset.done $0x0  }
0xb9: {  	s0 =	smov.u32 s1;
	[sflag:s28] =	ssyncadd.s32 $0xFFFFD800  }
.LBB2_1:
0xba: {  	s18 =	simm.s32 $0x0;
	s19 =	simm.s32 $0x200  }
.LBB2_2:
0xbb: {  	p1 =	sne.s32 s19, $0xFE00;
	[tilespmem:s18+$0x1070] =	vst v0  }
0xbc: {  	[tilespmem:s18+$0x1000] =	vst v0  }
0xbd: {  	[tilespmem:s18+$0x1010] =	vst v0  }
.Ltmp2:
0xbe: {  	[tilespmem:s18+$0x1020] =	vst v0;
	(pc) =	sbr.rel @p1 .LBB2_2-.Ltmp2, $4  }
0xbf: {  	[tilespmem:s18+$0x1030] =	vst v0  }
0xc0: {  	[tilespmem:s18+$0x1040] =	vst v0  }
0xc1: {  	[tilespmem:s18+$0x1050] =	vst v0  }
0xc2: {  	[tilespmem:s18+$0x1060] =	vst v0;
	s18 =	sshra.s32 s19, $0x2;
	s19 =	sadd.s32 $0x200, s19  }
0xc3: {  	[tilespmem:s18+$0x1070] =	vst v0  }
0xc4: {  	[tilespmem:s18+$0x1000] =	vst v0  }
0xc5: {  	[tilespmem:s18+$0x1010] =	vst v0  }
0xc6: {  	[tilespmem:s18+$0x1020] =	vst v0  }
0xc7: {  	[tilespmem:s18+$0x1030] =	vst v0  }
0xc8: {  	[tilespmem:s18+$0x1040] =	vst v0  }
0xc9: {  	[tilespmem:s18+$0x1050] =	vst v0  }
0xca: {  	[dreg:$0xd] =	wrdreg s0;
	[tilespmem:s18+$0x1060] =	vst v0  }
0xcb: {  	[spmem:s20] =	stream.linear.scatter [tilespmem:s17], [sflag:$0x7], $0x4000, $0x38;
	[tilespmem:$0x1D000] =	vst v63  }
0xcc: {  	_ =	swait.ge [sflag:s28], $0x4000  }
0xcd: {  	[sflag:s28] =	ssyncset.done $0x0  }
0xce: {  	s16 =	rddreg [dreg:$0x7];
	[sflag:s28] =	ssyncadd.s32 $0xFFFFC000  }
0xcf: {  	[spmem:s16] =	stream.linear.scatter [tilespmem:s17], [sflag:$0x7], $0x4000, $0x38;
	[tilespmem:$0x1D000] =	vst v63  }
0xd0: {  	_ =	swait.ge [sflag:s28], $0x4000  }
0xd1: {  	[sflag:s28] =	ssyncset.done $0x0  }
0xd2: {  	s18 =	rddreg [dreg:$0x8];
	[sflag:s28] =	ssyncadd.s32 $0xFFFFC000  }
0xd3: {  	[spmem:s18] =	stream.linear.scatter [tilespmem:s17], [sflag:$0x7], $0x4000, $0x38;
	[tilespmem:$0x1D000] =	vst v63  }
0xd4: {  	_ =	swait.ge [sflag:s28], $0x4000  }
0xd5: {  	[sflag:s28] =	ssyncset.done $0x0  }
0xd6: {  	s19 =	rddreg [dreg:$0x9];
	[sflag:s28] =	ssyncadd.s32 $0xFFFFC000  }
0xd7: {  	[spmem:s19] =	stream.linear.scatter [tilespmem:s17], [sflag:$0x7], $0x4000, $0x38;
	[tilespmem:$0x1D000] =	vst v63  }
0xd8: {  	_ =	swait.ge [sflag:s28], $0x4000  }
0xd9: {  	[sflag:s28] =	ssyncset.done $0x0  }
0xda: {  	s20 =	rddreg [dreg:$0xa];
	[sflag:s28] =	ssyncadd.s32 $0xFFFFC000  }
0xdb: {  	[spmem:s20] =	stream.linear.scatter [tilespmem:s17], [sflag:$0x7], $0x4000, $0x38;
	[tilespmem:$0x1D000] =	vst v63  }
0xdc: {  	_ =	swait.ge [sflag:s28], $0x4000  }
0xdd: {  	[sflag:s28] =	ssyncset.done $0x0  }
0xde: {  	[sflag:s28] =	ssyncadd.s32 $0xFFFFC000  }
0xdf: {  	[bflag:$0x0] =	sbarrier.arrive $0xFFFF  }
0xe0: {  	[tilespmem:s3], [sflag:$0x1] =	stream.linear.gather [hbm4b:s13+s3], $0x400, $0x38;
	[tilespmem:$0x1D000] =	vst v63  }
0xe1: {  	s28 =	simm.s32 $0x1  }
0xe2: {  	[tilespmem:s30], [sflag:$0x1] =	stream.linear.gather [hbm4b:s14+s3], $0x400, $0x38;
	[tilespmem:$0x1D000] =	vst v63  }
0xe3: {  	_ =	swait.ge [sflag:s28], $0x400  }
.Ltmp3:
0xe4: {  	[sflag:s28] =	ssyncset.done $0x0;
	(pc) =	sbr.rel @p0 .LBB2_7-.Ltmp3, $4  }
0xe5: {  	[sflag:s28] =	ssyncadd.s32 $0xFFFFFC00  }
0xe6: {  	_ =	swait.ge [sflag:s28], $0x400  }
0xe7: {  	[sflag:s28] =	ssyncset.done $0x0  }
0xe8: {  	[sflag:s28] =	ssyncadd.s32 $0xFFFFFC00  }
0xe9: {  	s18 =	simm.s32 $0x0;
	p1 =	por $0x1, $0x1  }
0xea: {  	[tilespmem:s17], [sflag:$0x3] =	stream.indirect.gather [hbm4b:s4+s21], $0x80, s18, s21, $0xb8;
	[tilespmem:$0x1D000] =	vst v63  }
0xeb: {  	s18 =	simm.s32 @!p1 $0x6  }
0xec: {  	_ =	swait.ge @!p1 [sflag:s18], $0x4000  }
0xed: {  	[sflag:s18] =	ssyncset.done @!p1 $0x0  }
0xee: {  	[sflag:s18] =	ssyncadd.s32 @!p1 $0xFFFFC000  }
0xef: {  	[tilespmem:s22], [sflag:$0x4] =	stream.indirect.gather [hbm4b:s4+s21], $0x80, s21, s21, $0xb8;
	[tilespmem:$0x1D000] =	vst v63  }
0xf0: {  	_ =	swait.ge [sflag:s23], $0x4000  }
0xf1: {  	[sflag:s23] =	ssyncset.done $0x0  }
0xf2: {  	s28 =	sadd.s32 $0x0, s13;
	[sflag:s23] =	ssyncadd.s32 $0xFFFFC000  }
0xf3: {  	[spmem:s2] =	stream.indirect.scatter.add.f32 [tilespmem:s17], [sflag:$0x5], $0x80, s30, s21, $0xb8;
	[tilespmem:$0x1D000] =	vst v63  }
0xf4: {  	s19 =	sadd.s32 $0x0, s14;
	s18 =	sadd.s32 $0x80, s28  }
0xf5: {  	[tilespmem:s24], [sflag:$0x2] =	stream.linear.gather [hbm4b:s18+s3], $0x400, $0x38;
	[tilespmem:$0x1D000] =	vst v63  }
0xf6: {  	s0 =	sadd.s32 $0x80, s19  }
0xf7: {  	[tilespmem:s25], [sflag:$0x2] =	stream.linear.gather [hbm4b:s0+s3], $0x400, $0x38;
	[tilespmem:$0x1D000] =	vst v63  }
0xf8: {  	_ =	swait.ge [sflag:s26], $0x4000  }
0xf9: {  	[sflag:s26] =	ssyncset.done $0x0  }
0xfa: {  	s6 =	simm.s32 $0x100;
	[sflag:s26] =	ssyncadd.s32 $0xFFFFC000  }
0xfb: {  	[tilespmem:s17], [sflag:$0x3] =	stream.indirect.gather [hbm4b:s4+s21], $0x80, s6, s21, $0xb8;
	[tilespmem:$0x1D000] =	vst v63  }
0xfc: {  	_ =	swait.ge [sflag:s29], $0x4000  }
0xfd: {  	[sflag:s29] =	ssyncset.done $0x0  }
0xfe: {  	s0 =	simm.s32 $0x480;
	[sflag:s29] =	ssyncadd.s32 $0xFFFFC000  }
0xff: {  	[spmem:s2] =	stream.indirect.scatter.add.f32 [tilespmem:s22], [sflag:$0x6], $0x80, s0, s21, $0xb8;
	[tilespmem:$0x1D000] =	vst v63  }
0x100: {  	_ =	swait.ge [sflag:s31], $0x4000  }
0x101: {  	[sflag:s31] =	ssyncset.done $0x0  }
0x102: {  	s9 =	simm.s32 $0x180;
	[sflag:s31] =	ssyncadd.s32 $0xFFFFC000  }
0x103: {  	[tilespmem:s22], [sflag:$0x4] =	stream.indirect.gather [hbm4b:s4+s21], $0x80, s9, s21, $0xb8;
	[tilespmem:$0x1D000] =	vst v63  }
0x104: {  	_ =	swait.ge [sflag:s23], $0x4000  }
0x105: {  	[sflag:s23] =	ssyncset.done $0x0  }
0x106: {  	s10 =	simm.s32 $0x500;
	[sflag:s23] =	ssyncadd.s32 $0xFFFFC000  }
0x107: {  	[spmem:s2] =	stream.indirect.scatter.add.f32 [tilespmem:s17], [sflag:$0x5], $0x80, s10, s21, $0xb8;
	[tilespmem:$0x1D000] =	vst v63  }
0x108: {  	_ =	swait.ge [sflag:s7], $0x400  }
0x109: {  	[sflag:s7] =	ssyncset.done $0x0  }
0x10a: {  	[sflag:s7] =	ssyncadd.s32 $0xFFFFFC00  }
0x10b: {  	_ =	swait.ge [sflag:s7], $0x400  }
0x10c: {  	[sflag:s7] =	ssyncset.done $0x0  }
0x10d: {  	[sflag:s7] =	ssyncadd.s32 $0xFFFFFC00  }
0x10e: {  	_ =	swait.ge [sflag:s26], $0x4000  }
0x10f: {  	[sflag:s26] =	ssyncset.done $0x0  }
0x110: {  	s11 =	simm.s32 $0x200;
	[sflag:s26] =	ssyncadd.s32 $0xFFFFC000  }
0x111: {  	[tilespmem:s17], [sflag:$0x3] =	stream.indirect.gather [hbm4b:s4+s21], $0x80, s11, s21, $0xb8;
	[tilespmem:$0x1D000] =	vst v63  }
0x112: {  	_ =	swait.ge [sflag:s29], $0x4000  }
0x113: {  	[sflag:s29] =	ssyncset.done $0x0  }
0x114: {  	s12 =	simm.s32 $0x580;
	[sflag:s29] =	ssyncadd.s32 $0xFFFFC000  }
0x115: {  	[spmem:s2] =	stream.indirect.scatter.add.f32 [tilespmem:s22], [sflag:$0x6], $0x80, s12, s21, $0xb8;
	[tilespmem:$0x1D000] =	vst v63  }
0x116: {  	_ =	swait.ge [sflag:s31], $0x4000  }
0x117: {  	[sflag:s31] =	ssyncset.done $0x0  }
0x118: {  	s15 =	simm.s32 $0x280;
	[sflag:s31] =	ssyncadd.s32 $0xFFFFC000  }
0x119: {  	[tilespmem:s22], [sflag:$0x4] =	stream.indirect.gather [hbm4b:s4+s21], $0x80, s15, s21, $0xb8;
	[tilespmem:$0x1D000] =	vst v63  }
0x11a: {  	_ =	swait.ge [sflag:s23], $0x4000  }
0x11b: {  	[sflag:s23] =	ssyncset.done $0x0  }
0x11c: {  	s16 =	simm.s32 $0x600;
	[sflag:s23] =	ssyncadd.s32 $0xFFFFC000  }
0x11d: {  	[spmem:s2] =	stream.indirect.scatter.add.f32 [tilespmem:s17], [sflag:$0x5], $0x80, s16, s21, $0xb8;
	[tilespmem:$0x1D000] =	vst v63  }
0x11e: {  	_ =	swait.ge [sflag:s26], $0x4000  }
0x11f: {  	[sflag:s26] =	ssyncset.done $0x0  }
0x120: {  	s8 =	simm.s32 $0x300;
	[sflag:s26] =	ssyncadd.s32 $0xFFFFC000  }
0x121: {  	[tilespmem:s17], [sflag:$0x3] =	stream.indirect.gather [hbm4b:s4+s21], $0x80, s8, s21, $0xb8;
	[tilespmem:$0x1D000] =	vst v63  }
0x122: {  	_ =	swait.ge [sflag:s29], $0x4000  }
0x123: {  	[sflag:s29] =	ssyncset.done $0x0  }
0x124: {  	s1 =	simm.s32 $0x680;
	[sflag:s29] =	ssyncadd.s32 $0xFFFFC000  }
0x125: {  	[spmem:s2] =	stream.indirect.scatter.add.f32 [tilespmem:s22], [sflag:$0x6], $0x80, s1, s21, $0xb8;
	[tilespmem:$0x1D000] =	vst v63  }
0x126: {  	_ =	swait.ge [sflag:s31], $0x4000  }
0x127: {  	[sflag:s31] =	ssyncset.done $0x0  }
0x128: {  	s18 =	simm.s32 $0x380;
	[sflag:s31] =	ssyncadd.s32 $0xFFFFC000  }
0x129: {  	[tilespmem:s22], [sflag:$0x4] =	stream.indirect.gather [hbm4b:s4+s21], $0x80, s18, s21, $0xb8;
	[tilespmem:$0x1D000] =	vst v63  }
0x12a: {  	_ =	swait.ge [sflag:s23], $0x4000  }
0x12b: {  	[sflag:s23] =	ssyncset.done $0x0  }
0x12c: {  	s19 =	simm.s32 $0x700;
	[sflag:s23] =	ssyncadd.s32 $0xFFFFC000  }
0x12d: {  	[spmem:s2] =	stream.indirect.scatter.add.f32 [tilespmem:s17], [sflag:$0x5], $0x80, s19, s21, $0xb8;
	[tilespmem:$0x1D000] =	vst v63  }
0x12e: {  	_ =	swait.ge [sflag:s26], $0x4000  }
0x12f: {  	[sflag:s26] =	ssyncset.done $0x0  }
0x130: {  	[sflag:s26] =	ssyncadd.s32 $0xFFFFC000  }
0x131: {  	[tilespmem:s17], [sflag:$0x3] =	stream.indirect.gather [hbm4b:s4+s21], $0x80, s24, s21, $0xb8;
	[tilespmem:$0x1D000] =	vst v63  }
0x132: {  	_ =	swait.ge [sflag:s29], $0x4000  }
0x133: {  	[sflag:s29] =	ssyncset.done $0x0  }
0x134: {  	s20 =	simm.s32 $0x780;
	[sflag:s29] =	ssyncadd.s32 $0xFFFFC000  }
0x135: {  	[spmem:s2] =	stream.indirect.scatter.add.f32 [tilespmem:s22], [sflag:$0x6], $0x80, s20, s21, $0xb8;
	[tilespmem:$0x1D000] =	vst v63  }
0x136: {  	_ =	swait.ge [sflag:s31], $0x4000  }
0x137: {  	[sflag:s31] =	ssyncset.done $0x0  }
0x138: {  	s28 =	simm.s32 $0x880;
	[sflag:s31] =	ssyncadd.s32 $0xFFFFC000  }
0x139: {  	[tilespmem:s22], [sflag:$0x4] =	stream.indirect.gather [hbm4b:s4+s21], $0x80, s28, s21, $0xb8;
	[tilespmem:$0x1D000] =	vst v63  }
0x13a: {  	_ =	swait.ge [sflag:s23], $0x4000  }
0x13b: {  	p1 =	por $0x0, $0x0;
	[sflag:s23] =	ssyncset.done $0x0  }
0x13c: {  	s19 =	sadd.s32 @!p1 $0x0, s13;
	[sflag:s23] =	ssyncadd.s32 $0xFFFFC000  }
0x13d: {  	[spmem:s2] =	stream.indirect.scatter.add.f32 [tilespmem:s17], [sflag:$0x5], $0x80, s25, s21, $0xb8;
	[tilespmem:$0x1D000] =	vst v63  }
0x13e: {  	s18 =	simm.s32 @!p1 $0x0;
	s19 =	sadd.s32 @!p1 $0x100, s19;
	s20 =	sadd.s32 @!p1 $0x0, s14  }
0x13f: {  	[tilespmem:s18], [sflag:$0x1] =	stream.linear.gather @!p1 [hbm4b:s19+s18], $0x400, $0x38;
	[tilespmem:$0x1D000] =	vst v63  }
0x140: {  	s20 =	sadd.s32 @!p1 $0x100, s20;
	s19 =	simm.s32 @!p1 $0x400  }
0x141: {  	[tilespmem:s19], [sflag:$0x1] =	stream.linear.gather @!p1 [hbm4b:s20+s18], $0x400, $0x38;
	[tilespmem:$0x1D000] =	vst v63  }
0x142: {  	_ =	swait.ge [sflag:s26], $0x4000  }
0x143: {  	[sflag:s26] =	ssyncset.done $0x0  }
0x144: {  	s1 =	simm.s32 $0x900;
	[sflag:s26] =	ssyncadd.s32 $0xFFFFC000  }
0x145: {  	[tilespmem:s17], [sflag:$0x3] =	stream.indirect.gather [hbm4b:s4+s21], $0x80, s1, s21, $0xb8;
	[tilespmem:$0x1D000] =	vst v63  }
0x146: {  	_ =	swait.ge [sflag:s29], $0x4000  }
0x147: {  	[sflag:s29] =	ssyncset.done $0x0  }
0x148: {  	s19 =	simm.s32 $0xC80;
	[sflag:s29] =	ssyncadd.s32 $0xFFFFC000  }
0x149: {  	[spmem:s2] =	stream.indirect.scatter.add.f32 [tilespmem:s22], [sflag:$0x6], $0x80, s19, s21, $0xb8;
	[tilespmem:$0x1D000] =	vst v63  }
0x14a: {  	_ =	swait.ge [sflag:s31], $0x4000  }
0x14b: {  	[sflag:s31] =	ssyncset.done $0x0  }
0x14c: {  	s20 =	simm.s32 $0x980;
	[sflag:s31] =	ssyncadd.s32 $0xFFFFC000  }
0x14d: {  	[tilespmem:s22], [sflag:$0x4] =	stream.indirect.gather [hbm4b:s4+s21], $0x80, s20, s21, $0xb8;
	[tilespmem:$0x1D000] =	vst v63  }
0x14e: {  	_ =	swait.ge [sflag:s23], $0x4000  }
0x14f: {  	[sflag:s23] =	ssyncset.done $0x0  }
0x150: {  	s28 =	simm.s32 $0xD00;
	s19 =	simm.s32 @!p1 $0x1;
	[sflag:s23] =	ssyncadd.s32 $0xFFFFC000  }
0x151: {  	[spmem:s2] =	stream.indirect.scatter.add.f32 [tilespmem:s17], [sflag:$0x5], $0x80, s28, s21, $0xb8;
	[tilespmem:$0x1D000] =	vst v63  }
0x152: {  	_ =	swait.ge @!p1 [sflag:s19], $0x400  }
0x153: {  	[sflag:s19] =	ssyncset.done @!p1 $0x0  }
0x154: {  	[sflag:s19] =	ssyncadd.s32 @!p1 $0xFFFFFC00  }
0x155: {  	_ =	swait.ge @!p1 [sflag:s19], $0x400  }
0x156: {  	[sflag:s19] =	ssyncset.done @!p1 $0x0  }
0x157: {  	[sflag:s19] =	ssyncadd.s32 @!p1 $0xFFFFFC00  }
0x158: {  	_ =	swait.ge [sflag:s26], $0x4000  }
0x159: {  	[sflag:s26] =	ssyncset.done $0x0  }
0x15a: {  	s1 =	simm.s32 $0xA00;
	[sflag:s26] =	ssyncadd.s32 $0xFFFFC000  }
0x15b: {  	[tilespmem:s17], [sflag:$0x3] =	stream.indirect.gather [hbm4b:s4+s21], $0x80, s1, s21, $0xb8;
	[tilespmem:$0x1D000] =	vst v63  }
0x15c: {  	_ =	swait.ge [sflag:s29], $0x4000  }
0x15d: {  	[sflag:s29] =	ssyncset.done $0x0  }
0x15e: {  	s19 =	simm.s32 $0xD80;
	[sflag:s29] =	ssyncadd.s32 $0xFFFFC000  }
0x15f: {  	[spmem:s2] =	stream.indirect.scatter.add.f32 [tilespmem:s22], [sflag:$0x6], $0x80, s19, s21, $0xb8;
	[tilespmem:$0x1D000] =	vst v63  }
0x160: {  	_ =	swait.ge [sflag:s31], $0x4000  }
0x161: {  	[sflag:s31] =	ssyncset.done $0x0  }
0x162: {  	s20 =	simm.s32 $0xA80;
	[sflag:s31] =	ssyncadd.s32 $0xFFFFC000  }
0x163: {  	[tilespmem:s22], [sflag:$0x4] =	stream.indirect.gather [hbm4b:s4+s21], $0x80, s20, s21, $0xb8;
	[tilespmem:$0x1D000] =	vst v63  }
0x164: {  	_ =	swait.ge [sflag:s23], $0x4000  }
0x165: {  	[sflag:s23] =	ssyncset.done $0x0  }
0x166: {  	s28 =	simm.s32 $0xE00;
	[sflag:s23] =	ssyncadd.s32 $0xFFFFC000  }
0x167: {  	[spmem:s2] =	stream.indirect.scatter.add.f32 [tilespmem:s17], [sflag:$0x5], $0x80, s28, s21, $0xb8;
	[tilespmem:$0x1D000] =	vst v63  }
0x168: {  	_ =	swait.ge [sflag:s26], $0x4000  }
0x169: {  	[sflag:s26] =	ssyncset.done $0x0  }
0x16a: {  	s1 =	simm.s32 $0xB00;
	[sflag:s26] =	ssyncadd.s32 $0xFFFFC000  }
0x16b: {  	[tilespmem:s17], [sflag:$0x3] =	stream.indirect.gather [hbm4b:s4+s21], $0x80, s1, s21, $0xb8;
	[tilespmem:$0x1D000] =	vst v63  }
0x16c: {  	_ =	swait.ge [sflag:s29], $0x4000  }
0x16d: {  	[sflag:s29] =	ssyncset.done $0x0  }
0x16e: {  	s19 =	simm.s32 $0xE80;
	[sflag:s29] =	ssyncadd.s32 $0xFFFFC000  }
0x16f: {  	[spmem:s2] =	stream.indirect.scatter.add.f32 [tilespmem:s22], [sflag:$0x6], $0x80, s19, s21, $0xb8;
	[tilespmem:$0x1D000] =	vst v63  }
0x170: {  	_ =	swait.ge [sflag:s31], $0x4000  }
0x171: {  	[sflag:s31] =	ssyncset.done $0x0  }
0x172: {  	s20 =	simm.s32 $0xB80;
	[sflag:s31] =	ssyncadd.s32 $0xFFFFC000  }
0x173: {  	[tilespmem:s22], [sflag:$0x4] =	stream.indirect.gather [hbm4b:s4+s21], $0x80, s20, s21, $0xb8;
	[tilespmem:$0x1D000] =	vst v63  }
0x174: {  	_ =	swait.ge [sflag:s23], $0x4000  }
0x175: {  	[sflag:s23] =	ssyncset.done $0x0  }
0x176: {  	s28 =	simm.s32 $0xF00;
	[sflag:s23] =	ssyncadd.s32 $0xFFFFC000  }
0x177: {  	[spmem:s2] =	stream.indirect.scatter.add.f32 [tilespmem:s17], [sflag:$0x5], $0x80, s28, s21, $0xb8;
	[tilespmem:$0x1D000] =	vst v63  }
0x178: {  	_ =	swait.ge [sflag:s26], $0x4000  }
0x179: {  	p2 =	por $0x0, $0x0;
	s1 =	simm.s32 $0xF80;
	[sflag:s26] =	ssyncset.done $0x0  }
0x17a: {  	s19 =	simm.s32 @!p1 $0x80;
	s20 =	simm.s32 @!p1 $0x1000;
	[sflag:s26] =	ssyncadd.s32 $0xFFFFC000  }
0x17b: {  	[tilespmem:s20], [sflag:$0x3] =	stream.indirect.gather @!p1 [hbm4b:s4+s19], $0x80, s18, s19, $0xb8;
	[tilespmem:$0x1D000] =	vst v63  }
0x17c: {  	s20 =	simm.s32 $0x100;
	s18 =	simm.s32 $0x200;
	_ =	swait.ge [sflag:s29], $0x4000  }
.LBB2_5:
0x17d: {  	s28 =	simm.s32 @!p2 $0x6  }
0x17e: {  	[sflag:s29] =	ssyncset.done $0x0;
	s19 =	smov.u32 s18;
	s18 =	sadd.s32 $0x100, s18  }
0x17f: {  	p1 =	seq.s32 s18, $0xA00;
	[sflag:s29] =	ssyncadd.s32 $0xFFFFC000  }
0x180: {  	[spmem:s2] =	stream.indirect.scatter.add.f32 [tilespmem:s22], [sflag:$0x6], $0x80, s1, s21, $0xb8;
	[tilespmem:$0x1D000] =	vst v63  }
0x181: {  	_ =	swait.ge @!p2 [sflag:s28], $0x4000  }
0x182: {  	[sflag:s28] =	ssyncset.done @!p2 $0x0  }
0x183: {  	[sflag:s28] =	ssyncadd.s32 @!p2 $0xFFFFC000  }
0x184: {  	[tilespmem:s22], [sflag:$0x4] =	stream.indirect.gather [hbm4b:s4+s21], $0x80, s21, s21, $0xb8;
	[tilespmem:$0x1D000] =	vst v63  }
0x185: {  	_ =	swait.ge [sflag:s23], $0x4000  }
0x186: {  	s28 =	sadd.s32 s20, s13;
	[sflag:s23] =	ssyncset.done $0x0  }
0x187: {  	[sflag:s23] =	ssyncadd.s32 $0xFFFFC000  }
0x188: {  	[spmem:s2] =	stream.indirect.scatter.add.f32 [tilespmem:s17], [sflag:$0x5], $0x80, s30, s21, $0xb8;
	[tilespmem:$0x1D000] =	vst v63  }
0x189: {  	s28 =	sadd.s32 $0x80, s28;
	s30 =	sadd.s32 s20, s14  }
0x18a: {  	[tilespmem:s24], [sflag:$0x2] =	stream.linear.gather [hbm4b:s28+s3], $0x400, $0x38;
	[tilespmem:$0x1D000] =	vst v63  }
0x18b: {  	s28 =	sadd.s32 $0x80, s30  }
0x18c: {  	[tilespmem:s25], [sflag:$0x2] =	stream.linear.gather [hbm4b:s28+s3], $0x400, $0x38;
	[tilespmem:$0x1D000] =	vst v63  }
0x18d: {  	_ =	swait.ge [sflag:s26], $0x4000  }
0x18e: {  	[sflag:s26] =	ssyncset.done $0x0  }
0x18f: {  	[sflag:s26] =	ssyncadd.s32 $0xFFFFC000  }
0x190: {  	[tilespmem:s17], [sflag:$0x3] =	stream.indirect.gather [hbm4b:s4+s21], $0x80, s6, s21, $0xb8;
	[tilespmem:$0x1D000] =	vst v63  }
0x191: {  	_ =	swait.ge [sflag:s29], $0x4000  }
0x192: {  	[sflag:s29] =	ssyncset.done $0x0  }
0x193: {  	s0 =	simm.s32 $0x480;
	[sflag:s29] =	ssyncadd.s32 $0xFFFFC000  }
0x194: {  	[spmem:s2] =	stream.indirect.scatter.add.f32 [tilespmem:s22], [sflag:$0x6], $0x80, s0, s21, $0xb8;
	[tilespmem:$0x1D000] =	vst v63  }
0x195: {  	_ =	swait.ge [sflag:s31], $0x4000  }
0x196: {  	[sflag:s31] =	ssyncset.done $0x0  }
0x197: {  	[sflag:s31] =	ssyncadd.s32 $0xFFFFC000  }
0x198: {  	[tilespmem:s22], [sflag:$0x4] =	stream.indirect.gather [hbm4b:s4+s21], $0x80, s9, s21, $0xb8;
	[tilespmem:$0x1D000] =	vst v63  }
0x199: {  	_ =	swait.ge [sflag:s23], $0x4000  }
0x19a: {  	[sflag:s23] =	ssyncset.done $0x0  }
0x19b: {  	[sflag:s23] =	ssyncadd.s32 $0xFFFFC000  }
0x19c: {  	[spmem:s2] =	stream.indirect.scatter.add.f32 [tilespmem:s17], [sflag:$0x5], $0x80, s10, s21, $0xb8;
	[tilespmem:$0x1D000] =	vst v63  }
0x19d: {  	_ =	swait.ge [sflag:s7], $0x400  }
0x19e: {  	[sflag:s7] =	ssyncset.done $0x0  }
0x19f: {  	[sflag:s7] =	ssyncadd.s32 $0xFFFFFC00  }
0x1a0: {  	_ =	swait.ge [sflag:s7], $0x400  }
0x1a1: {  	[sflag:s7] =	ssyncset.done $0x0  }
0x1a2: {  	[sflag:s7] =	ssyncadd.s32 $0xFFFFFC00  }
0x1a3: {  	_ =	swait.ge [sflag:s26], $0x4000  }
0x1a4: {  	[sflag:s26] =	ssyncset.done $0x0  }
0x1a5: {  	[sflag:s26] =	ssyncadd.s32 $0xFFFFC000  }
0x1a6: {  	[tilespmem:s17], [sflag:$0x3] =	stream.indirect.gather [hbm4b:s4+s21], $0x80, s11, s21, $0xb8;
	[tilespmem:$0x1D000] =	vst v63  }
0x1a7: {  	_ =	swait.ge [sflag:s29], $0x4000  }
0x1a8: {  	[sflag:s29] =	ssyncset.done $0x0  }
0x1a9: {  	[sflag:s29] =	ssyncadd.s32 $0xFFFFC000  }
0x1aa: {  	[spmem:s2] =	stream.indirect.scatter.add.f32 [tilespmem:s22], [sflag:$0x6], $0x80, s12, s21, $0xb8;
	[tilespmem:$0x1D000] =	vst v63  }
0x1ab: {  	_ =	swait.ge [sflag:s31], $0x4000  }
0x1ac: {  	[sflag:s31] =	ssyncset.done $0x0  }
0x1ad: {  	[sflag:s31] =	ssyncadd.s32 $0xFFFFC000  }
0x1ae: {  	[tilespmem:s22], [sflag:$0x4] =	stream.indirect.gather [hbm4b:s4+s21], $0x80, s15, s21, $0xb8;
	[tilespmem:$0x1D000] =	vst v63  }
0x1af: {  	_ =	swait.ge [sflag:s23], $0x4000  }
0x1b0: {  	[sflag:s23] =	ssyncset.done $0x0  }
0x1b1: {  	[sflag:s23] =	ssyncadd.s32 $0xFFFFC000  }
0x1b2: {  	[spmem:s2] =	stream.indirect.scatter.add.f32 [tilespmem:s17], [sflag:$0x5], $0x80, s16, s21, $0xb8;
	[tilespmem:$0x1D000] =	vst v63  }
0x1b3: {  	_ =	swait.ge [sflag:s26], $0x4000  }
0x1b4: {  	[sflag:s26] =	ssyncset.done $0x0  }
0x1b5: {  	[sflag:s26] =	ssyncadd.s32 $0xFFFFC000  }
0x1b6: {  	[tilespmem:s17], [sflag:$0x3] =	stream.indirect.gather [hbm4b:s4+s21], $0x80, s8, s21, $0xb8;
	[tilespmem:$0x1D000] =	vst v63  }
0x1b7: {  	_ =	swait.ge [sflag:s29], $0x4000  }
0x1b8: {  	[sflag:s29] =	ssyncset.done $0x0  }
0x1b9: {  	s0 =	simm.s32 $0x680;
	[sflag:s29] =	ssyncadd.s32 $0xFFFFC000  }
0x1ba: {  	[spmem:s2] =	stream.indirect.scatter.add.f32 [tilespmem:s22], [sflag:$0x6], $0x80, s0, s21, $0xb8;
	[tilespmem:$0x1D000] =	vst v63  }
0x1bb: {  	_ =	swait.ge [sflag:s31], $0x4000  }
0x1bc: {  	[sflag:s31] =	ssyncset.done $0x0  }
0x1bd: {  	s0 =	simm.s32 $0x380;
	[sflag:s31] =	ssyncadd.s32 $0xFFFFC000  }
0x1be: {  	[tilespmem:s22], [sflag:$0x4] =	stream.indirect.gather [hbm4b:s4+s21], $0x80, s0, s21, $0xb8;
	[tilespmem:$0x1D000] =	vst v63  }
0x1bf: {  	_ =	swait.ge [sflag:s23], $0x4000  }
0x1c0: {  	[sflag:s23] =	ssyncset.done $0x0  }
0x1c1: {  	s0 =	simm.s32 $0x700;
	[sflag:s23] =	ssyncadd.s32 $0xFFFFC000  }
0x1c2: {  	[spmem:s2] =	stream.indirect.scatter.add.f32 [tilespmem:s17], [sflag:$0x5], $0x80, s0, s21, $0xb8;
	[tilespmem:$0x1D000] =	vst v63  }
0x1c3: {  	_ =	swait.ge [sflag:s26], $0x4000  }
0x1c4: {  	[sflag:s26] =	ssyncset.done $0x0  }
0x1c5: {  	[sflag:s26] =	ssyncadd.s32 $0xFFFFC000  }
0x1c6: {  	[tilespmem:s17], [sflag:$0x3] =	stream.indirect.gather [hbm4b:s4+s21], $0x80, s24, s21, $0xb8;
	[tilespmem:$0x1D000] =	vst v63  }
0x1c7: {  	_ =	swait.ge [sflag:s29], $0x4000  }
0x1c8: {  	[sflag:s29] =	ssyncset.done $0x0  }
0x1c9: {  	s0 =	simm.s32 $0x780;
	[sflag:s29] =	ssyncadd.s32 $0xFFFFC000  }
0x1ca: {  	[spmem:s2] =	stream.indirect.scatter.add.f32 [tilespmem:s22], [sflag:$0x6], $0x80, s0, s21, $0xb8;
	[tilespmem:$0x1D000] =	vst v63  }
0x1cb: {  	_ =	swait.ge [sflag:s31], $0x4000  }
0x1cc: {  	[sflag:s31] =	ssyncset.done $0x0  }
0x1cd: {  	s0 =	simm.s32 $0x880;
	[sflag:s31] =	ssyncadd.s32 $0xFFFFC000  }
0x1ce: {  	[tilespmem:s22], [sflag:$0x4] =	stream.indirect.gather [hbm4b:s4+s21], $0x80, s0, s21, $0xb8;
	[tilespmem:$0x1D000] =	vst v63  }
0x1cf: {  	_ =	swait.ge [sflag:s23], $0x4000  }
0x1d0: {  	p2 =	seq.s32 s20, $0x900;
	[sflag:s23] =	ssyncset.done $0x0  }
0x1d1: {  	s30 =	sadd.s32 @!p2 s20, s13;
	s28 =	simm.s32 @!p2 $0x0;
	[sflag:s23] =	ssyncadd.s32 $0xFFFFC000  }
0x1d2: {  	[spmem:s2] =	stream.indirect.scatter.add.f32 [tilespmem:s17], [sflag:$0x5], $0x80, s25, s21, $0xb8;
	[tilespmem:$0x1D000] =	vst v63  }
0x1d3: {  	s20 =	sadd.s32 @!p2 s20, s14;
	s30 =	sadd.s32 @!p2 $0x100, s30;
	s0 =	simm.s32 @!p2 $0x400  }
0x1d4: {  	[tilespmem:s28], [sflag:$0x1] =	stream.linear.gather @!p2 [hbm4b:s30+s28], $0x400, $0x38;
	[tilespmem:$0x1D000] =	vst v63  }
0x1d5: {  	s30 =	sadd.s32 @!p2 $0x100, s20;
	s20 =	smov.u32 s19  }
0x1d6: {  	[tilespmem:s0], [sflag:$0x1] =	stream.linear.gather @!p2 [hbm4b:s30+s28], $0x400, $0x38;
	[tilespmem:$0x1D000] =	vst v63  }
0x1d7: {  	s30 =	simm.s32 $0x400  }
0x1d8: {  	_ =	swait.ge [sflag:s26], $0x4000  }
0x1d9: {  	[sflag:s26] =	ssyncset.done $0x0  }
0x1da: {  	s0 =	simm.s32 $0x900;
	[sflag:s26] =	ssyncadd.s32 $0xFFFFC000  }
0x1db: {  	[tilespmem:s17], [sflag:$0x3] =	stream.indirect.gather [hbm4b:s4+s21], $0x80, s0, s21, $0xb8;
	[tilespmem:$0x1D000] =	vst v63  }
0x1dc: {  	_ =	swait.ge [sflag:s29], $0x4000  }
0x1dd: {  	[sflag:s29] =	ssyncset.done $0x0  }
0x1de: {  	s0 =	simm.s32 $0xC80;
	[sflag:s29] =	ssyncadd.s32 $0xFFFFC000  }
0x1df: {  	[spmem:s2] =	stream.indirect.scatter.add.f32 [tilespmem:s22], [sflag:$0x6], $0x80, s0, s21, $0xb8;
	[tilespmem:$0x1D000] =	vst v63  }
0x1e0: {  	_ =	swait.ge [sflag:s31], $0x4000  }
0x1e1: {  	[sflag:s31] =	ssyncset.done $0x0  }
0x1e2: {  	s0 =	simm.s32 $0x980;
	[sflag:s31] =	ssyncadd.s32 $0xFFFFC000  }
0x1e3: {  	[tilespmem:s22], [sflag:$0x4] =	stream.indirect.gather [hbm4b:s4+s21], $0x80, s0, s21, $0xb8;
	[tilespmem:$0x1D000] =	vst v63  }
0x1e4: {  	_ =	swait.ge [sflag:s23], $0x4000  }
0x1e5: {  	[sflag:s23] =	ssyncset.done $0x0  }
0x1e6: {  	s19 =	simm.s32 $0xD00;
	s0 =	simm.s32 @!p2 $0x1;
	[sflag:s23] =	ssyncadd.s32 $0xFFFFC000  }
0x1e7: {  	[spmem:s2] =	stream.indirect.scatter.add.f32 [tilespmem:s17], [sflag:$0x5], $0x80, s19, s21, $0xb8;
	[tilespmem:$0x1D000] =	vst v63  }
0x1e8: {  	_ =	swait.ge @!p2 [sflag:s0], $0x400  }
0x1e9: {  	[sflag:s0] =	ssyncset.done @!p2 $0x0  }
0x1ea: {  	[sflag:s0] =	ssyncadd.s32 @!p2 $0xFFFFFC00  }
0x1eb: {  	_ =	swait.ge @!p2 [sflag:s0], $0x400  }
0x1ec: {  	[sflag:s0] =	ssyncset.done @!p2 $0x0  }
0x1ed: {  	[sflag:s0] =	ssyncadd.s32 @!p2 $0xFFFFFC00  }
0x1ee: {  	_ =	swait.ge [sflag:s26], $0x4000  }
0x1ef: {  	[sflag:s26] =	ssyncset.done $0x0  }
0x1f0: {  	s0 =	simm.s32 $0xA00;
	[sflag:s26] =	ssyncadd.s32 $0xFFFFC000  }
0x1f1: {  	[tilespmem:s17], [sflag:$0x3] =	stream.indirect.gather [hbm4b:s4+s21], $0x80, s0, s21, $0xb8;
	[tilespmem:$0x1D000] =	vst v63  }
0x1f2: {  	_ =	swait.ge [sflag:s29], $0x4000  }
0x1f3: {  	[sflag:s29] =	ssyncset.done $0x0  }
0x1f4: {  	s0 =	simm.s32 $0xD80;
	[sflag:s29] =	ssyncadd.s32 $0xFFFFC000  }
0x1f5: {  	[spmem:s2] =	stream.indirect.scatter.add.f32 [tilespmem:s22], [sflag:$0x6], $0x80, s0, s21, $0xb8;
	[tilespmem:$0x1D000] =	vst v63  }
0x1f6: {  	_ =	swait.ge [sflag:s31], $0x4000  }
0x1f7: {  	[sflag:s31] =	ssyncset.done $0x0  }
0x1f8: {  	s0 =	simm.s32 $0xA80;
	[sflag:s31] =	ssyncadd.s32 $0xFFFFC000  }
0x1f9: {  	[tilespmem:s22], [sflag:$0x4] =	stream.indirect.gather [hbm4b:s4+s21], $0x80, s0, s21, $0xb8;
	[tilespmem:$0x1D000] =	vst v63  }
0x1fa: {  	_ =	swait.ge [sflag:s23], $0x4000  }
0x1fb: {  	[sflag:s23] =	ssyncset.done $0x0  }
0x1fc: {  	s0 =	simm.s32 $0xE00;
	[sflag:s23] =	ssyncadd.s32 $0xFFFFC000  }
0x1fd: {  	[spmem:s2] =	stream.indirect.scatter.add.f32 [tilespmem:s17], [sflag:$0x5], $0x80, s0, s21, $0xb8;
	[tilespmem:$0x1D000] =	vst v63  }
0x1fe: {  	_ =	swait.ge [sflag:s26], $0x4000  }
0x1ff: {  	[sflag:s26] =	ssyncset.done $0x0  }
0x200: {  	s0 =	simm.s32 $0xB00;
	[sflag:s26] =	ssyncadd.s32 $0xFFFFC000  }
0x201: {  	[tilespmem:s17], [sflag:$0x3] =	stream.indirect.gather [hbm4b:s4+s21], $0x80, s0, s21, $0xb8;
	[tilespmem:$0x1D000] =	vst v63  }
0x202: {  	_ =	swait.ge [sflag:s29], $0x4000  }
0x203: {  	[sflag:s29] =	ssyncset.done $0x0  }
0x204: {  	s0 =	simm.s32 $0xE80;
	[sflag:s29] =	ssyncadd.s32 $0xFFFFC000  }
0x205: {  	[spmem:s2] =	stream.indirect.scatter.add.f32 [tilespmem:s22], [sflag:$0x6], $0x80, s0, s21, $0xb8;
	[tilespmem:$0x1D000] =	vst v63  }
0x206: {  	_ =	swait.ge [sflag:s31], $0x4000  }
0x207: {  	[sflag:s31] =	ssyncset.done $0x0  }
0x208: {  	s0 =	simm.s32 $0xB80;
	[sflag:s31] =	ssyncadd.s32 $0xFFFFC000  }
0x209: {  	[tilespmem:s22], [sflag:$0x4] =	stream.indirect.gather [hbm4b:s4+s21], $0x80, s0, s21, $0xb8;
	[tilespmem:$0x1D000] =	vst v63  }
0x20a: {  	_ =	swait.ge [sflag:s23], $0x4000  }
0x20b: {  	[sflag:s23] =	ssyncset.done $0x0  }
0x20c: {  	s0 =	simm.s32 $0xF00;
	[sflag:s23] =	ssyncadd.s32 $0xFFFFC000  }
0x20d: {  	[spmem:s2] =	stream.indirect.scatter.add.f32 [tilespmem:s17], [sflag:$0x5], $0x80, s0, s21, $0xb8;
	[tilespmem:$0x1D000] =	vst v63  }
.Ltmp4:
0x20e: {  	_ =	swait.ge [sflag:s26], $0x4000;
	(pc) =	sbr.rel @!p1 .LBB2_5-.Ltmp4, $4  }
0x20f: {  	s19 =	simm.s32 @!p2 $0x1000;
	s0 =	simm.s32 @!p2 $0x80;
	[sflag:s26] =	ssyncset.done $0x0  }
0x210: {  	[sflag:s26] =	ssyncadd.s32 $0xFFFFC000  }
0x211: {  	[tilespmem:s19], [sflag:$0x3] =	stream.indirect.gather @!p2 [hbm4b:s4+s0], $0x80, s28, s0, $0xb8;
	[tilespmem:$0x1D000] =	vst v63  }
0x212: {  	p2 =	seq.s32 s20, $0x0;
	_ =	swait.ge [sflag:s29], $0x4000  }
0x213: {  	[sflag:s29] =	ssyncset.done $0x0  }
0x214: {  	s0 =	simm.s32 @!p2 $0x6;
	[sflag:s29] =	ssyncadd.s32 $0xFFFFC000  }
0x215: {  	[spmem:s2] =	stream.indirect.scatter.add.f32 [tilespmem:s22], [sflag:$0x6], $0x80, s1, s21, $0xb8;
	[tilespmem:$0x1D000] =	vst v63  }
0x216: {  	_ =	swait.ge @!p2 [sflag:s0], $0x4000  }
0x217: {  	[sflag:s0] =	ssyncset.done @!p2 $0x0  }
0x218: {  	[sflag:s0] =	ssyncadd.s32 @!p2 $0xFFFFC000  }
0x219: {  	[tilespmem:s22], [sflag:$0x4] =	stream.indirect.gather [hbm4b:s4+s21], $0x80, s21, s21, $0xb8;
	[tilespmem:$0x1D000] =	vst v63  }
0x21a: {  	_ =	swait.ge [sflag:s23], $0x4000  }
0x21b: {  	[sflag:s23] =	ssyncset.done $0x0  }
0x21c: {  	s19 =	sadd.s32 s20, s13;
	[sflag:s23] =	ssyncadd.s32 $0xFFFFC000  }
0x21d: {  	[spmem:s2] =	stream.indirect.scatter.add.f32 [tilespmem:s17], [sflag:$0x5], $0x80, s30, s21, $0xb8;
	[tilespmem:$0x1D000] =	vst v63  }
0x21e: {  	s18 =	sadd.s32 s20, s14;
	s0 =	sadd.s32 $0x80, s19  }
0x21f: {  	[tilespmem:s24], [sflag:$0x2] =	stream.linear.gather [hbm4b:s0+s3], $0x400, $0x38;
	[tilespmem:$0x1D000] =	vst v63  }
0x220: {  	s28 =	sadd.s32 $0x80, s18  }
0x221: {  	[tilespmem:s25], [sflag:$0x2] =	stream.linear.gather [hbm4b:s28+s3], $0x400, $0x38;
	[tilespmem:$0x1D000] =	vst v63  }
0x222: {  	_ =	swait.ge [sflag:s26], $0x4000  }
0x223: {  	[sflag:s26] =	ssyncset.done $0x0  }
0x224: {  	[sflag:s26] =	ssyncadd.s32 $0xFFFFC000  }
0x225: {  	[tilespmem:s17], [sflag:$0x3] =	stream.indirect.gather [hbm4b:s4+s21], $0x80, s6, s21, $0xb8;
	[tilespmem:$0x1D000] =	vst v63  }
0x226: {  	_ =	swait.ge [sflag:s29], $0x4000  }
0x227: {  	[sflag:s29] =	ssyncset.done $0x0  }
0x228: {  	s6 =	simm.s32 $0x480;
	[sflag:s29] =	ssyncadd.s32 $0xFFFFC000  }
0x229: {  	[spmem:s2] =	stream.indirect.scatter.add.f32 [tilespmem:s22], [sflag:$0x6], $0x80, s6, s21, $0xb8;
	[tilespmem:$0x1D000] =	vst v63  }
0x22a: {  	_ =	swait.ge [sflag:s31], $0x4000  }
0x22b: {  	[sflag:s31] =	ssyncset.done $0x0  }
0x22c: {  	[sflag:s31] =	ssyncadd.s32 $0xFFFFC000  }
0x22d: {  	[tilespmem:s22], [sflag:$0x4] =	stream.indirect.gather [hbm4b:s4+s21], $0x80, s9, s21, $0xb8;
	[tilespmem:$0x1D000] =	vst v63  }
0x22e: {  	_ =	swait.ge [sflag:s23], $0x4000  }
0x22f: {  	[sflag:s23] =	ssyncset.done $0x0  }
0x230: {  	[sflag:s23] =	ssyncadd.s32 $0xFFFFC000  }
0x231: {  	[spmem:s2] =	stream.indirect.scatter.add.f32 [tilespmem:s17], [sflag:$0x5], $0x80, s10, s21, $0xb8;
	[tilespmem:$0x1D000] =	vst v63  }
0x232: {  	_ =	swait.ge [sflag:s7], $0x400  }
0x233: {  	[sflag:s7] =	ssyncset.done $0x0  }
0x234: {  	[sflag:s7] =	ssyncadd.s32 $0xFFFFFC00  }
0x235: {  	_ =	swait.ge [sflag:s7], $0x400  }
0x236: {  	[sflag:s7] =	ssyncset.done $0x0  }
0x237: {  	[sflag:s7] =	ssyncadd.s32 $0xFFFFFC00  }
0x238: {  	_ =	swait.ge [sflag:s26], $0x4000  }
0x239: {  	[sflag:s26] =	ssyncset.done $0x0  }
0x23a: {  	[sflag:s26] =	ssyncadd.s32 $0xFFFFC000  }
0x23b: {  	[tilespmem:s17], [sflag:$0x3] =	stream.indirect.gather [hbm4b:s4+s21], $0x80, s11, s21, $0xb8;
	[tilespmem:$0x1D000] =	vst v63  }
0x23c: {  	_ =	swait.ge [sflag:s29], $0x4000  }
0x23d: {  	[sflag:s29] =	ssyncset.done $0x0  }
0x23e: {  	[sflag:s29] =	ssyncadd.s32 $0xFFFFC000  }
0x23f: {  	[spmem:s2] =	stream.indirect.scatter.add.f32 [tilespmem:s22], [sflag:$0x6], $0x80, s12, s21, $0xb8;
	[tilespmem:$0x1D000] =	vst v63  }
0x240: {  	_ =	swait.ge [sflag:s31], $0x4000  }
0x241: {  	[sflag:s31] =	ssyncset.done $0x0  }
0x242: {  	[sflag:s31] =	ssyncadd.s32 $0xFFFFC000  }
0x243: {  	[tilespmem:s22], [sflag:$0x4] =	stream.indirect.gather [hbm4b:s4+s21], $0x80, s15, s21, $0xb8;
	[tilespmem:$0x1D000] =	vst v63  }
0x244: {  	_ =	swait.ge [sflag:s23], $0x4000  }
0x245: {  	[sflag:s23] =	ssyncset.done $0x0  }
0x246: {  	[sflag:s23] =	ssyncadd.s32 $0xFFFFC000  }
0x247: {  	[spmem:s2] =	stream.indirect.scatter.add.f32 [tilespmem:s17], [sflag:$0x5], $0x80, s16, s21, $0xb8;
	[tilespmem:$0x1D000] =	vst v63  }
0x248: {  	_ =	swait.ge [sflag:s26], $0x4000  }
0x249: {  	[sflag:s26] =	ssyncset.done $0x0  }
0x24a: {  	[sflag:s26] =	ssyncadd.s32 $0xFFFFC000  }
0x24b: {  	[tilespmem:s17], [sflag:$0x3] =	stream.indirect.gather [hbm4b:s4+s21], $0x80, s8, s21, $0xb8;
	[tilespmem:$0x1D000] =	vst v63  }
0x24c: {  	_ =	swait.ge [sflag:s29], $0x4000  }
0x24d: {  	[sflag:s29] =	ssyncset.done $0x0  }
0x24e: {  	s12 =	simm.s32 $0x680;
	[sflag:s29] =	ssyncadd.s32 $0xFFFFC000  }
0x24f: {  	[spmem:s2] =	stream.indirect.scatter.add.f32 [tilespmem:s22], [sflag:$0x6], $0x80, s12, s21, $0xb8;
	[tilespmem:$0x1D000] =	vst v63  }
0x250: {  	_ =	swait.ge [sflag:s31], $0x4000  }
0x251: {  	[sflag:s31] =	ssyncset.done $0x0  }
0x252: {  	s15 =	simm.s32 $0x380;
	[sflag:s31] =	ssyncadd.s32 $0xFFFFC000  }
0x253: {  	[tilespmem:s22], [sflag:$0x4] =	stream.indirect.gather [hbm4b:s4+s21], $0x80, s15, s21, $0xb8;
	[tilespmem:$0x1D000] =	vst v63  }
0x254: {  	_ =	swait.ge [sflag:s23], $0x4000  }
0x255: {  	[sflag:s23] =	ssyncset.done $0x0  }
0x256: {  	s16 =	simm.s32 $0x700;
	[sflag:s23] =	ssyncadd.s32 $0xFFFFC000  }
0x257: {  	[spmem:s2] =	stream.indirect.scatter.add.f32 [tilespmem:s17], [sflag:$0x5], $0x80, s16, s21, $0xb8;
	[tilespmem:$0x1D000] =	vst v63  }
0x258: {  	_ =	swait.ge [sflag:s26], $0x4000  }
0x259: {  	[sflag:s26] =	ssyncset.done $0x0  }
0x25a: {  	[sflag:s26] =	ssyncadd.s32 $0xFFFFC000  }
0x25b: {  	[tilespmem:s17], [sflag:$0x3] =	stream.indirect.gather [hbm4b:s4+s21], $0x80, s24, s21, $0xb8;
	[tilespmem:$0x1D000] =	vst v63  }
0x25c: {  	_ =	swait.ge [sflag:s29], $0x4000  }
0x25d: {  	[sflag:s29] =	ssyncset.done $0x0  }
0x25e: {  	s18 =	simm.s32 $0x780;
	[sflag:s29] =	ssyncadd.s32 $0xFFFFC000  }
0x25f: {  	[spmem:s2] =	stream.indirect.scatter.add.f32 [tilespmem:s22], [sflag:$0x6], $0x80, s18, s21, $0xb8;
	[tilespmem:$0x1D000] =	vst v63  }
0x260: {  	_ =	swait.ge [sflag:s31], $0x4000  }
0x261: {  	[sflag:s31] =	ssyncset.done $0x0  }
0x262: {  	s19 =	simm.s32 $0x880;
	[sflag:s31] =	ssyncadd.s32 $0xFFFFC000  }
0x263: {  	[tilespmem:s22], [sflag:$0x4] =	stream.indirect.gather [hbm4b:s4+s21], $0x80, s19, s21, $0xb8;
	[tilespmem:$0x1D000] =	vst v63  }
0x264: {  	_ =	swait.ge [sflag:s23], $0x4000  }
0x265: {  	p1 =	seq.s32 s20, $0x900;
	[sflag:s23] =	ssyncset.done $0x0  }
0x266: {  	s0 =	sadd.s32 @!p1 s20, s13;
	[sflag:s23] =	ssyncadd.s32 $0xFFFFC000  }
0x267: {  	[spmem:s2] =	stream.indirect.scatter.add.f32 [tilespmem:s17], [sflag:$0x5], $0x80, s25, s21, $0xb8;
	[tilespmem:$0x1D000] =	vst v63  }
0x268: {  	s0 =	sadd.s32 @!p1 $0x100, s0;
	s18 =	simm.s32 @!p1 $0x0;
	s19 =	sadd.s32 @!p1 s20, s14  }
0x269: {  	[tilespmem:s18], [sflag:$0x1] =	stream.linear.gather @!p1 [hbm4b:s0+s18], $0x400, $0x38;
	[tilespmem:$0x1D000] =	vst v63  }
0x26a: {  	s19 =	sadd.s32 @!p1 $0x100, s19;
	s0 =	simm.s32 @!p1 $0x400  }
0x26b: {  	[tilespmem:s0], [sflag:$0x1] =	stream.linear.gather @!p1 [hbm4b:s19+s18], $0x400, $0x38;
	[tilespmem:$0x1D000] =	vst v63  }
0x26c: {  	_ =	swait.ge [sflag:s26], $0x4000  }
0x26d: {  	[sflag:s26] =	ssyncset.done $0x0  }
0x26e: {  	s28 =	simm.s32 $0x900;
	[sflag:s26] =	ssyncadd.s32 $0xFFFFC000  }
0x26f: {  	[tilespmem:s17], [sflag:$0x3] =	stream.indirect.gather [hbm4b:s4+s21], $0x80, s28, s21, $0xb8;
	[tilespmem:$0x1D000] =	vst v63  }
0x270: {  	_ =	swait.ge [sflag:s29], $0x4000  }
0x271: {  	[sflag:s29] =	ssyncset.done $0x0  }
0x272: {  	s6 =	simm.s32 $0xC80;
	[sflag:s29] =	ssyncadd.s32 $0xFFFFC000  }
0x273: {  	[spmem:s2] =	stream.indirect.scatter.add.f32 [tilespmem:s22], [sflag:$0x6], $0x80, s6, s21, $0xb8;
	[tilespmem:$0x1D000] =	vst v63  }
0x274: {  	_ =	swait.ge [sflag:s31], $0x4000  }
0x275: {  	[sflag:s31] =	ssyncset.done $0x0  }
0x276: {  	s8 =	simm.s32 $0x980;
	[sflag:s31] =	ssyncadd.s32 $0xFFFFC000  }
0x277: {  	[tilespmem:s22], [sflag:$0x4] =	stream.indirect.gather [hbm4b:s4+s21], $0x80, s8, s21, $0xb8;
	[tilespmem:$0x1D000] =	vst v63  }
0x278: {  	_ =	swait.ge [sflag:s23], $0x4000  }
0x279: {  	[sflag:s23] =	ssyncset.done $0x0  }
0x27a: {  	s9 =	simm.s32 $0xD00;
	s0 =	simm.s32 @!p1 $0x1;
	[sflag:s23] =	ssyncadd.s32 $0xFFFFC000  }
0x27b: {  	[spmem:s2] =	stream.indirect.scatter.add.f32 [tilespmem:s17], [sflag:$0x5], $0x80, s9, s21, $0xb8;
	[tilespmem:$0x1D000] =	vst v63  }
0x27c: {  	_ =	swait.ge @!p1 [sflag:s0], $0x400  }
0x27d: {  	[sflag:s0] =	ssyncset.done @!p1 $0x0  }
0x27e: {  	[sflag:s0] =	ssyncadd.s32 @!p1 $0xFFFFFC00  }
0x27f: {  	_ =	swait.ge @!p1 [sflag:s0], $0x400  }
0x280: {  	[sflag:s0] =	ssyncset.done @!p1 $0x0  }
0x281: {  	[sflag:s0] =	ssyncadd.s32 @!p1 $0xFFFFFC00  }
0x282: {  	_ =	swait.ge [sflag:s26], $0x4000  }
0x283: {  	[sflag:s26] =	ssyncset.done $0x0  }
0x284: {  	s10 =	simm.s32 $0xA00;
	[sflag:s26] =	ssyncadd.s32 $0xFFFFC000  }
0x285: {  	[tilespmem:s17], [sflag:$0x3] =	stream.indirect.gather [hbm4b:s4+s21], $0x80, s10, s21, $0xb8;
	[tilespmem:$0x1D000] =	vst v63  }
0x286: {  	_ =	swait.ge [sflag:s29], $0x4000  }
0x287: {  	[sflag:s29] =	ssyncset.done $0x0  }
0x288: {  	s11 =	simm.s32 $0xD80;
	[sflag:s29] =	ssyncadd.s32 $0xFFFFC000  }
0x289: {  	[spmem:s2] =	stream.indirect.scatter.add.f32 [tilespmem:s22], [sflag:$0x6], $0x80, s11, s21, $0xb8;
	[tilespmem:$0x1D000] =	vst v63  }
0x28a: {  	_ =	swait.ge [sflag:s31], $0x4000  }
0x28b: {  	[sflag:s31] =	ssyncset.done $0x0  }
0x28c: {  	s12 =	simm.s32 $0xA80;
	[sflag:s31] =	ssyncadd.s32 $0xFFFFC000  }
0x28d: {  	[tilespmem:s22], [sflag:$0x4] =	stream.indirect.gather [hbm4b:s4+s21], $0x80, s12, s21, $0xb8;
	[tilespmem:$0x1D000] =	vst v63  }
0x28e: {  	_ =	swait.ge [sflag:s23], $0x4000  }
0x28f: {  	[sflag:s23] =	ssyncset.done $0x0  }
0x290: {  	s15 =	simm.s32 $0xE00;
	[sflag:s23] =	ssyncadd.s32 $0xFFFFC000  }
0x291: {  	[spmem:s2] =	stream.indirect.scatter.add.f32 [tilespmem:s17], [sflag:$0x5], $0x80, s15, s21, $0xb8;
	[tilespmem:$0x1D000] =	vst v63  }
0x292: {  	_ =	swait.ge [sflag:s26], $0x4000  }
0x293: {  	[sflag:s26] =	ssyncset.done $0x0  }
0x294: {  	s16 =	simm.s32 $0xB00;
	[sflag:s26] =	ssyncadd.s32 $0xFFFFC000  }
0x295: {  	[tilespmem:s17], [sflag:$0x3] =	stream.indirect.gather [hbm4b:s4+s21], $0x80, s16, s21, $0xb8;
	[tilespmem:$0x1D000] =	vst v63  }
0x296: {  	_ =	swait.ge [sflag:s29], $0x4000  }
0x297: {  	[sflag:s29] =	ssyncset.done $0x0  }
0x298: {  	s19 =	simm.s32 $0xE80;
	[sflag:s29] =	ssyncadd.s32 $0xFFFFC000  }
0x299: {  	[spmem:s2] =	stream.indirect.scatter.add.f32 [tilespmem:s22], [sflag:$0x6], $0x80, s19, s21, $0xb8;
	[tilespmem:$0x1D000] =	vst v63  }
0x29a: {  	_ =	swait.ge [sflag:s31], $0x4000  }
0x29b: {  	[sflag:s31] =	ssyncset.done $0x0  }
0x29c: {  	s20 =	simm.s32 $0xB80;
	[sflag:s31] =	ssyncadd.s32 $0xFFFFC000  }
0x29d: {  	[tilespmem:s22], [sflag:$0x4] =	stream.indirect.gather [hbm4b:s4+s21], $0x80, s20, s21, $0xb8;
	[tilespmem:$0x1D000] =	vst v63  }
0x29e: {  	_ =	swait.ge [sflag:s23], $0x4000  }
0x29f: {  	[sflag:s23] =	ssyncset.done $0x0  }
0x2a0: {  	s28 =	simm.s32 $0xF00;
	[sflag:s23] =	ssyncadd.s32 $0xFFFFC000  }
0x2a1: {  	[spmem:s2] =	stream.indirect.scatter.add.f32 [tilespmem:s17], [sflag:$0x5], $0x80, s28, s21, $0xb8;
	[tilespmem:$0x1D000] =	vst v63  }
0x2a2: {  	_ =	swait.ge [sflag:s26], $0x4000  }
0x2a3: {  	[sflag:s26] =	ssyncset.done $0x0  }
0x2a4: {  	s0 =	simm.s32 @!p1 $0x80;
	s19 =	simm.s32 @!p1 $0x1000;
	[sflag:s26] =	ssyncadd.s32 $0xFFFFC000  }
0x2a5: {  	[tilespmem:s19], [sflag:$0x3] =	stream.indirect.gather @!p1 [hbm4b:s4+s0], $0x80, s18, s0, $0xb8;
	[tilespmem:$0x1D000] =	vst v63  }
.Ltmp5:
0x2a6: {  	_ =	swait.ge [sflag:s29], $0x4000;
	(pc) =	sbr.rel .LBB2_10-.Ltmp5, $4  }
0x2a7: {  	[sflag:s29] =	ssyncset.done $0x0  }
0x2a8: {  	s18 =	rddreg [dreg:$0x4];
	[sflag:s29] =	ssyncadd.s32 $0xFFFFC000  }
0x2a9: {  	[spmem:s2] =	stream.indirect.scatter.add.f32 [tilespmem:s22], [sflag:$0x6], $0x80, s1, s21, $0xb8;
	[tilespmem:$0x1D000] =	vst v63  }
0x2aa: {  	s1 =	rddreg [dreg:$0xd]  }
.LBB2_7:
0x2ab: {  	s0 =	simm.s32 $0x0;
	p1 =	por $0x1, $0x1  }
0x2ac: {  	[tilespmem:s17], [sflag:$0x3] =	stream.indirect.gather [hbm4b:s5+s21], $0x80, s0, s21, $0xb8;
	[tilespmem:$0x1D000] =	vst v63  }
0x2ad: {  	s0 =	simm.s32 @!p1 $0x6  }
0x2ae: {  	_ =	swait.ge @!p1 [sflag:s0], $0x4000  }
0x2af: {  	[sflag:s0] =	ssyncset.done @!p1 $0x0  }
0x2b0: {  	[sflag:s0] =	ssyncadd.s32 @!p1 $0xFFFFC000  }
0x2b1: {  	[tilespmem:s22], [sflag:$0x4] =	stream.indirect.gather [hbm4b:s5+s21], $0x80, s21, s21, $0xb8;
	[tilespmem:$0x1D000] =	vst v63  }
0x2b2: {  	_ =	swait.ge [sflag:s23], $0x4000  }
0x2b3: {  	[sflag:s23] =	ssyncset.done $0x0  }
0x2b4: {  	s15 =	sadd.s32 $0x0, s13;
	[sflag:s23] =	ssyncadd.s32 $0xFFFFC000  }
0x2b5: {  	[spmem:s2] =	stream.indirect.scatter.add.f32 [tilespmem:s17], [sflag:$0x5], $0x80, s30, s21, $0xb8;
	[tilespmem:$0x1D000] =	vst v63  }
0x2b6: {  	s18 =	sadd.s32 $0x0, s14;
	s0 =	sadd.s32 $0x80, s15  }
0x2b7: {  	[tilespmem:s24], [sflag:$0x2] =	stream.linear.gather [hbm4b:s0+s3], $0x400, $0x38;
	[tilespmem:$0x1D000] =	vst v63  }
0x2b8: {  	s16 =	sadd.s32 $0x80, s18  }
0x2b9: {  	[tilespmem:s25], [sflag:$0x2] =	stream.linear.gather [hbm4b:s16+s3], $0x400, $0x38;
	[tilespmem:$0x1D000] =	vst v63  }
0x2ba: {  	_ =	swait.ge [sflag:s26], $0x4000  }
0x2bb: {  	[sflag:s26] =	ssyncset.done $0x0  }
0x2bc: {  	s6 =	simm.s32 $0x100;
	[sflag:s26] =	ssyncadd.s32 $0xFFFFC000  }
0x2bd: {  	[tilespmem:s17], [sflag:$0x3] =	stream.indirect.gather [hbm4b:s5+s21], $0x80, s6, s21, $0xb8;
	[tilespmem:$0x1D000] =	vst v63  }
0x2be: {  	_ =	swait.ge [sflag:s29], $0x4000  }
0x2bf: {  	[sflag:s29] =	ssyncset.done $0x0  }
0x2c0: {  	s18 =	simm.s32 $0x480;
	[sflag:s29] =	ssyncadd.s32 $0xFFFFC000  }
0x2c1: {  	[spmem:s2] =	stream.indirect.scatter.add.f32 [tilespmem:s22], [sflag:$0x6], $0x80, s18, s21, $0xb8;
	[tilespmem:$0x1D000] =	vst v63  }
0x2c2: {  	_ =	swait.ge [sflag:s31], $0x4000  }
0x2c3: {  	[sflag:s31] =	ssyncset.done $0x0  }
0x2c4: {  	s9 =	simm.s32 $0x180;
	[sflag:s31] =	ssyncadd.s32 $0xFFFFC000  }
0x2c5: {  	[tilespmem:s22], [sflag:$0x4] =	stream.indirect.gather [hbm4b:s5+s21], $0x80, s9, s21, $0xb8;
	[tilespmem:$0x1D000] =	vst v63  }
0x2c6: {  	_ =	swait.ge [sflag:s23], $0x4000  }
0x2c7: {  	[sflag:s23] =	ssyncset.done $0x0  }
0x2c8: {  	s10 =	simm.s32 $0x500;
	[sflag:s23] =	ssyncadd.s32 $0xFFFFC000  }
0x2c9: {  	[spmem:s2] =	stream.indirect.scatter.add.f32 [tilespmem:s17], [sflag:$0x5], $0x80, s10, s21, $0xb8;
	[tilespmem:$0x1D000] =	vst v63  }
0x2ca: {  	_ =	swait.ge [sflag:s7], $0x400  }
0x2cb: {  	[sflag:s7] =	ssyncset.done $0x0  }
0x2cc: {  	[sflag:s7] =	ssyncadd.s32 $0xFFFFFC00  }
0x2cd: {  	_ =	swait.ge [sflag:s7], $0x400  }
0x2ce: {  	[sflag:s7] =	ssyncset.done $0x0  }
0x2cf: {  	[sflag:s7] =	ssyncadd.s32 $0xFFFFFC00  }
0x2d0: {  	_ =	swait.ge [sflag:s26], $0x4000  }
0x2d1: {  	[sflag:s26] =	ssyncset.done $0x0  }
0x2d2: {  	s11 =	simm.s32 $0x200;
	[sflag:s26] =	ssyncadd.s32 $0xFFFFC000  }
0x2d3: {  	[tilespmem:s17], [sflag:$0x3] =	stream.indirect.gather [hbm4b:s5+s21], $0x80, s11, s21, $0xb8;
	[tilespmem:$0x1D000] =	vst v63  }
0x2d4: {  	_ =	swait.ge [sflag:s29], $0x4000  }
0x2d5: {  	[sflag:s29] =	ssyncset.done $0x0  }
0x2d6: {  	s12 =	simm.s32 $0x580;
	[sflag:s29] =	ssyncadd.s32 $0xFFFFC000  }
0x2d7: {  	[spmem:s2] =	stream.indirect.scatter.add.f32 [tilespmem:s22], [sflag:$0x6], $0x80, s12, s21, $0xb8;
	[tilespmem:$0x1D000] =	vst v63  }
0x2d8: {  	_ =	swait.ge [sflag:s31], $0x4000  }
0x2d9: {  	[sflag:s31] =	ssyncset.done $0x0  }
0x2da: {  	s15 =	simm.s32 $0x280;
	[sflag:s31] =	ssyncadd.s32 $0xFFFFC000  }
0x2db: {  	[tilespmem:s22], [sflag:$0x4] =	stream.indirect.gather [hbm4b:s5+s21], $0x80, s15, s21, $0xb8;
	[tilespmem:$0x1D000] =	vst v63  }
0x2dc: {  	_ =	swait.ge [sflag:s23], $0x4000  }
0x2dd: {  	[sflag:s23] =	ssyncset.done $0x0  }
0x2de: {  	s16 =	simm.s32 $0x600;
	[sflag:s23] =	ssyncadd.s32 $0xFFFFC000  }
0x2df: {  	[spmem:s2] =	stream.indirect.scatter.add.f32 [tilespmem:s17], [sflag:$0x5], $0x80, s16, s21, $0xb8;
	[tilespmem:$0x1D000] =	vst v63  }
0x2e0: {  	_ =	swait.ge [sflag:s26], $0x4000  }
0x2e1: {  	[sflag:s26] =	ssyncset.done $0x0  }
0x2e2: {  	s8 =	simm.s32 $0x300;
	[sflag:s26] =	ssyncadd.s32 $0xFFFFC000  }
0x2e3: {  	[tilespmem:s17], [sflag:$0x3] =	stream.indirect.gather [hbm4b:s5+s21], $0x80, s8, s21, $0xb8;
	[tilespmem:$0x1D000] =	vst v63  }
0x2e4: {  	_ =	swait.ge [sflag:s29], $0x4000  }
0x2e5: {  	[sflag:s29] =	ssyncset.done $0x0  }
0x2e6: {  	s19 =	simm.s32 $0x680;
	[sflag:s29] =	ssyncadd.s32 $0xFFFFC000  }
0x2e7: {  	[spmem:s2] =	stream.indirect.scatter.add.f32 [tilespmem:s22], [sflag:$0x6], $0x80, s19, s21, $0xb8;
	[tilespmem:$0x1D000] =	vst v63  }
0x2e8: {  	_ =	swait.ge [sflag:s31], $0x4000  }
0x2e9: {  	[sflag:s31] =	ssyncset.done $0x0  }
0x2ea: {  	s20 =	simm.s32 $0x380;
	[sflag:s31] =	ssyncadd.s32 $0xFFFFC000  }
0x2eb: {  	[tilespmem:s22], [sflag:$0x4] =	stream.indirect.gather [hbm4b:s5+s21], $0x80, s20, s21, $0xb8;
	[tilespmem:$0x1D000] =	vst v63  }
0x2ec: {  	_ =	swait.ge [sflag:s23], $0x4000  }
0x2ed: {  	[sflag:s23] =	ssyncset.done $0x0  }
0x2ee: {  	s28 =	simm.s32 $0x700;
	[sflag:s23] =	ssyncadd.s32 $0xFFFFC000  }
0x2ef: {  	[spmem:s2] =	stream.indirect.scatter.add.f32 [tilespmem:s17], [sflag:$0x5], $0x80, s28, s21, $0xb8;
	[tilespmem:$0x1D000] =	vst v63  }
0x2f0: {  	_ =	swait.ge [sflag:s26], $0x4000  }
0x2f1: {  	[sflag:s26] =	ssyncset.done $0x0  }
0x2f2: {  	[sflag:s26] =	ssyncadd.s32 $0xFFFFC000  }
0x2f3: {  	[tilespmem:s17], [sflag:$0x3] =	stream.indirect.gather [hbm4b:s5+s21], $0x80, s24, s21, $0xb8;
	[tilespmem:$0x1D000] =	vst v63  }
0x2f4: {  	_ =	swait.ge [sflag:s29], $0x4000  }
0x2f5: {  	[sflag:s29] =	ssyncset.done $0x0  }
0x2f6: {  	s1 =	simm.s32 $0x780;
	[sflag:s29] =	ssyncadd.s32 $0xFFFFC000  }
0x2f7: {  	[spmem:s2] =	stream.indirect.scatter.add.f32 [tilespmem:s22], [sflag:$0x6], $0x80, s1, s21, $0xb8;
	[tilespmem:$0x1D000] =	vst v63  }
0x2f8: {  	_ =	swait.ge [sflag:s31], $0x4000  }
0x2f9: {  	[sflag:s31] =	ssyncset.done $0x0  }
0x2fa: {  	s18 =	simm.s32 $0x880;
	[sflag:s31] =	ssyncadd.s32 $0xFFFFC000  }
0x2fb: {  	[tilespmem:s22], [sflag:$0x4] =	stream.indirect.gather [hbm4b:s5+s21], $0x80, s18, s21, $0xb8;
	[tilespmem:$0x1D000] =	vst v63  }
0x2fc: {  	_ =	swait.ge [sflag:s23], $0x4000  }
0x2fd: {  	p1 =	por $0x0, $0x0;
	[sflag:s23] =	ssyncset.done $0x0  }
0x2fe: {  	s0 =	sadd.s32 @!p1 $0x0, s13;
	[sflag:s23] =	ssyncadd.s32 $0xFFFFC000  }
0x2ff: {  	[spmem:s2] =	stream.indirect.scatter.add.f32 [tilespmem:s17], [sflag:$0x5], $0x80, s25, s21, $0xb8;
	[tilespmem:$0x1D000] =	vst v63  }
0x300: {  	s0 =	sadd.s32 @!p1 $0x100, s0;
	s19 =	sadd.s32 @!p1 $0x0, s14;
	s18 =	simm.s32 @!p1 $0x0  }
0x301: {  	[tilespmem:s18], [sflag:$0x1] =	stream.linear.gather @!p1 [hbm4b:s0+s18], $0x400, $0x38;
	[tilespmem:$0x1D000] =	vst v63  }
0x302: {  	s19 =	sadd.s32 @!p1 $0x100, s19;
	s0 =	simm.s32 @!p1 $0x400  }
0x303: {  	[tilespmem:s0], [sflag:$0x1] =	stream.linear.gather @!p1 [hbm4b:s19+s18], $0x400, $0x38;
	[tilespmem:$0x1D000] =	vst v63  }
0x304: {  	_ =	swait.ge [sflag:s26], $0x4000  }
0x305: {  	[sflag:s26] =	ssyncset.done $0x0  }
0x306: {  	s19 =	simm.s32 $0x900;
	[sflag:s26] =	ssyncadd.s32 $0xFFFFC000  }
0x307: {  	[tilespmem:s17], [sflag:$0x3] =	stream.indirect.gather [hbm4b:s5+s21], $0x80, s19, s21, $0xb8;
	[tilespmem:$0x1D000] =	vst v63  }
0x308: {  	_ =	swait.ge [sflag:s29], $0x4000  }
0x309: {  	[sflag:s29] =	ssyncset.done $0x0  }
0x30a: {  	s20 =	simm.s32 $0xC80;
	[sflag:s29] =	ssyncadd.s32 $0xFFFFC000  }
0x30b: {  	[spmem:s2] =	stream.indirect.scatter.add.f32 [tilespmem:s22], [sflag:$0x6], $0x80, s20, s21, $0xb8;
	[tilespmem:$0x1D000] =	vst v63  }
0x30c: {  	_ =	swait.ge [sflag:s31], $0x4000  }
0x30d: {  	[sflag:s31] =	ssyncset.done $0x0  }
0x30e: {  	s28 =	simm.s32 $0x980;
	[sflag:s31] =	ssyncadd.s32 $0xFFFFC000  }
0x30f: {  	[tilespmem:s22], [sflag:$0x4] =	stream.indirect.gather [hbm4b:s5+s21], $0x80, s28, s21, $0xb8;
	[tilespmem:$0x1D000] =	vst v63  }
0x310: {  	_ =	swait.ge [sflag:s23], $0x4000  }
0x311: {  	[sflag:s23] =	ssyncset.done $0x0  }
0x312: {  	s1 =	simm.s32 $0xD00;
	s0 =	simm.s32 @!p1 $0x1;
	[sflag:s23] =	ssyncadd.s32 $0xFFFFC000  }
0x313: {  	[spmem:s2] =	stream.indirect.scatter.add.f32 [tilespmem:s17], [sflag:$0x5], $0x80, s1, s21, $0xb8;
	[tilespmem:$0x1D000] =	vst v63  }
0x314: {  	_ =	swait.ge @!p1 [sflag:s0], $0x400  }
0x315: {  	[sflag:s0] =	ssyncset.done @!p1 $0x0  }
0x316: {  	[sflag:s0] =	ssyncadd.s32 @!p1 $0xFFFFFC00  }
0x317: {  	_ =	swait.ge @!p1 [sflag:s0], $0x400  }
0x318: {  	[sflag:s0] =	ssyncset.done @!p1 $0x0  }
0x319: {  	[sflag:s0] =	ssyncadd.s32 @!p1 $0xFFFFFC00  }
0x31a: {  	_ =	swait.ge [sflag:s26], $0x4000  }
0x31b: {  	[sflag:s26] =	ssyncset.done $0x0  }
0x31c: {  	s1 =	simm.s32 $0xA00;
	[sflag:s26] =	ssyncadd.s32 $0xFFFFC000  }
0x31d: {  	[tilespmem:s17], [sflag:$0x3] =	stream.indirect.gather [hbm4b:s5+s21], $0x80, s1, s21, $0xb8;
	[tilespmem:$0x1D000] =	vst v63  }
0x31e: {  	_ =	swait.ge [sflag:s29], $0x4000  }
0x31f: {  	[sflag:s29] =	ssyncset.done $0x0  }
0x320: {  	s19 =	simm.s32 $0xD80;
	[sflag:s29] =	ssyncadd.s32 $0xFFFFC000  }
0x321: {  	[spmem:s2] =	stream.indirect.scatter.add.f32 [tilespmem:s22], [sflag:$0x6], $0x80, s19, s21, $0xb8;
	[tilespmem:$0x1D000] =	vst v63  }
0x322: {  	_ =	swait.ge [sflag:s31], $0x4000  }
0x323: {  	[sflag:s31] =	ssyncset.done $0x0  }
0x324: {  	s20 =	simm.s32 $0xA80;
	[sflag:s31] =	ssyncadd.s32 $0xFFFFC000  }
0x325: {  	[tilespmem:s22], [sflag:$0x4] =	stream.indirect.gather [hbm4b:s5+s21], $0x80, s20, s21, $0xb8;
	[tilespmem:$0x1D000] =	vst v63  }
0x326: {  	_ =	swait.ge [sflag:s23], $0x4000  }
0x327: {  	[sflag:s23] =	ssyncset.done $0x0  }
0x328: {  	s28 =	simm.s32 $0xE00;
	[sflag:s23] =	ssyncadd.s32 $0xFFFFC000  }
0x329: {  	[spmem:s2] =	stream.indirect.scatter.add.f32 [tilespmem:s17], [sflag:$0x5], $0x80, s28, s21, $0xb8;
	[tilespmem:$0x1D000] =	vst v63  }
0x32a: {  	_ =	swait.ge [sflag:s26], $0x4000  }
0x32b: {  	[sflag:s26] =	ssyncset.done $0x0  }
0x32c: {  	s1 =	simm.s32 $0xB00;
	[sflag:s26] =	ssyncadd.s32 $0xFFFFC000  }
0x32d: {  	[tilespmem:s17], [sflag:$0x3] =	stream.indirect.gather [hbm4b:s5+s21], $0x80, s1, s21, $0xb8;
	[tilespmem:$0x1D000] =	vst v63  }
0x32e: {  	_ =	swait.ge [sflag:s29], $0x4000  }
0x32f: {  	[sflag:s29] =	ssyncset.done $0x0  }
0x330: {  	s19 =	simm.s32 $0xE80;
	[sflag:s29] =	ssyncadd.s32 $0xFFFFC000  }
0x331: {  	[spmem:s2] =	stream.indirect.scatter.add.f32 [tilespmem:s22], [sflag:$0x6], $0x80, s19, s21, $0xb8;
	[tilespmem:$0x1D000] =	vst v63  }
0x332: {  	_ =	swait.ge [sflag:s31], $0x4000  }
0x333: {  	[sflag:s31] =	ssyncset.done $0x0  }
0x334: {  	s20 =	simm.s32 $0xB80;
	[sflag:s31] =	ssyncadd.s32 $0xFFFFC000  }
0x335: {  	[tilespmem:s22], [sflag:$0x4] =	stream.indirect.gather [hbm4b:s5+s21], $0x80, s20, s21, $0xb8;
	[tilespmem:$0x1D000] =	vst v63  }
0x336: {  	_ =	swait.ge [sflag:s23], $0x4000  }
0x337: {  	[sflag:s23] =	ssyncset.done $0x0  }
0x338: {  	s28 =	simm.s32 $0xF00;
	[sflag:s23] =	ssyncadd.s32 $0xFFFFC000  }
0x339: {  	[spmem:s2] =	stream.indirect.scatter.add.f32 [tilespmem:s17], [sflag:$0x5], $0x80, s28, s21, $0xb8;
	[tilespmem:$0x1D000] =	vst v63  }
0x33a: {  	_ =	swait.ge [sflag:s26], $0x4000  }
0x33b: {  	p2 =	por $0x0, $0x0;
	s0 =	simm.s32 @!p1 $0x80;
	[sflag:s26] =	ssyncset.done $0x0  }
0x33c: {  	s1 =	simm.s32 $0xF80;
	s19 =	simm.s32 @!p1 $0x1000;
	[sflag:s26] =	ssyncadd.s32 $0xFFFFC000  }
0x33d: {  	[tilespmem:s19], [sflag:$0x3] =	stream.indirect.gather @!p1 [hbm4b:s5+s0], $0x80, s18, s0, $0xb8;
	[tilespmem:$0x1D000] =	vst v63  }
0x33e: {  	s20 =	simm.s32 $0x100;
	s18 =	simm.s32 $0x200;
	_ =	swait.ge [sflag:s29], $0x4000  }
.LBB2_8:
0x33f: {  	s0 =	simm.s32 @!p2 $0x6  }
0x340: {  	[sflag:s29] =	ssyncset.done $0x0;
	s19 =	smov.u32 s18;
	s18 =	sadd.s32 $0x100, s18  }
0x341: {  	p1 =	sne.s32 s18, $0xA00;
	[sflag:s29] =	ssyncadd.s32 $0xFFFFC000  }
0x342: {  	[spmem:s2] =	stream.indirect.scatter.add.f32 [tilespmem:s22], [sflag:$0x6], $0x80, s1, s21, $0xb8;
	[tilespmem:$0x1D000] =	vst v63  }
0x343: {  	_ =	swait.ge @!p2 [sflag:s0], $0x4000  }
0x344: {  	[sflag:s0] =	ssyncset.done @!p2 $0x0  }
0x345: {  	[sflag:s0] =	ssyncadd.s32 @!p2 $0xFFFFC000  }
0x346: {  	[tilespmem:s22], [sflag:$0x4] =	stream.indirect.gather [hbm4b:s5+s21], $0x80, s21, s21, $0xb8;
	[tilespmem:$0x1D000] =	vst v63  }
0x347: {  	_ =	swait.ge [sflag:s23], $0x4000  }
0x348: {  	s0 =	sadd.s32 s20, s13;
	[sflag:s23] =	ssyncset.done $0x0  }
0x349: {  	[sflag:s23] =	ssyncadd.s32 $0xFFFFC000  }
0x34a: {  	[spmem:s2] =	stream.indirect.scatter.add.f32 [tilespmem:s17], [sflag:$0x5], $0x80, s30, s21, $0xb8;
	[tilespmem:$0x1D000] =	vst v63  }
0x34b: {  	s28 =	sadd.s32 s20, s14;
	s0 =	sadd.s32 $0x80, s0  }
0x34c: {  	[tilespmem:s24], [sflag:$0x2] =	stream.linear.gather [hbm4b:s0+s3], $0x400, $0x38;
	[tilespmem:$0x1D000] =	vst v63  }
0x34d: {  	s0 =	sadd.s32 $0x80, s28  }
0x34e: {  	[tilespmem:s25], [sflag:$0x2] =	stream.linear.gather [hbm4b:s0+s3], $0x400, $0x38;
	[tilespmem:$0x1D000] =	vst v63  }
0x34f: {  	_ =	swait.ge [sflag:s26], $0x4000  }
0x350: {  	[sflag:s26] =	ssyncset.done $0x0  }
0x351: {  	[sflag:s26] =	ssyncadd.s32 $0xFFFFC000  }
0x352: {  	[tilespmem:s17], [sflag:$0x3] =	stream.indirect.gather [hbm4b:s5+s21], $0x80, s6, s21, $0xb8;
	[tilespmem:$0x1D000] =	vst v63  }
0x353: {  	_ =	swait.ge [sflag:s29], $0x4000  }
0x354: {  	[sflag:s29] =	ssyncset.done $0x0  }
0x355: {  	s0 =	simm.s32 $0x480;
	[sflag:s29] =	ssyncadd.s32 $0xFFFFC000  }
0x356: {  	[spmem:s2] =	stream.indirect.scatter.add.f32 [tilespmem:s22], [sflag:$0x6], $0x80, s0, s21, $0xb8;
	[tilespmem:$0x1D000] =	vst v63  }
0x357: {  	_ =	swait.ge [sflag:s31], $0x4000  }
0x358: {  	[sflag:s31] =	ssyncset.done $0x0  }
0x359: {  	[sflag:s31] =	ssyncadd.s32 $0xFFFFC000  }
0x35a: {  	[tilespmem:s22], [sflag:$0x4] =	stream.indirect.gather [hbm4b:s5+s21], $0x80, s9, s21, $0xb8;
	[tilespmem:$0x1D000] =	vst v63  }
0x35b: {  	_ =	swait.ge [sflag:s23], $0x4000  }
0x35c: {  	[sflag:s23] =	ssyncset.done $0x0  }
0x35d: {  	[sflag:s23] =	ssyncadd.s32 $0xFFFFC000  }
0x35e: {  	[spmem:s2] =	stream.indirect.scatter.add.f32 [tilespmem:s17], [sflag:$0x5], $0x80, s10, s21, $0xb8;
	[tilespmem:$0x1D000] =	vst v63  }
0x35f: {  	_ =	swait.ge [sflag:s7], $0x400  }
0x360: {  	[sflag:s7] =	ssyncset.done $0x0  }
0x361: {  	[sflag:s7] =	ssyncadd.s32 $0xFFFFFC00  }
0x362: {  	_ =	swait.ge [sflag:s7], $0x400  }
0x363: {  	[sflag:s7] =	ssyncset.done $0x0  }
0x364: {  	[sflag:s7] =	ssyncadd.s32 $0xFFFFFC00  }
0x365: {  	_ =	swait.ge [sflag:s26], $0x4000  }
0x366: {  	[sflag:s26] =	ssyncset.done $0x0  }
0x367: {  	[sflag:s26] =	ssyncadd.s32 $0xFFFFC000  }
0x368: {  	[tilespmem:s17], [sflag:$0x3] =	stream.indirect.gather [hbm4b:s5+s21], $0x80, s11, s21, $0xb8;
	[tilespmem:$0x1D000] =	vst v63  }
0x369: {  	_ =	swait.ge [sflag:s29], $0x4000  }
0x36a: {  	[sflag:s29] =	ssyncset.done $0x0  }
0x36b: {  	[sflag:s29] =	ssyncadd.s32 $0xFFFFC000  }
0x36c: {  	[spmem:s2] =	stream.indirect.scatter.add.f32 [tilespmem:s22], [sflag:$0x6], $0x80, s12, s21, $0xb8;
	[tilespmem:$0x1D000] =	vst v63  }
0x36d: {  	_ =	swait.ge [sflag:s31], $0x4000  }
0x36e: {  	[sflag:s31] =	ssyncset.done $0x0  }
0x36f: {  	[sflag:s31] =	ssyncadd.s32 $0xFFFFC000  }
0x370: {  	[tilespmem:s22], [sflag:$0x4] =	stream.indirect.gather [hbm4b:s5+s21], $0x80, s15, s21, $0xb8;
	[tilespmem:$0x1D000] =	vst v63  }
0x371: {  	_ =	swait.ge [sflag:s23], $0x4000  }
0x372: {  	[sflag:s23] =	ssyncset.done $0x0  }
0x373: {  	[sflag:s23] =	ssyncadd.s32 $0xFFFFC000  }
0x374: {  	[spmem:s2] =	stream.indirect.scatter.add.f32 [tilespmem:s17], [sflag:$0x5], $0x80, s16, s21, $0xb8;
	[tilespmem:$0x1D000] =	vst v63  }
0x375: {  	_ =	swait.ge [sflag:s26], $0x4000  }
0x376: {  	[sflag:s26] =	ssyncset.done $0x0  }
0x377: {  	[sflag:s26] =	ssyncadd.s32 $0xFFFFC000  }
0x378: {  	[tilespmem:s17], [sflag:$0x3] =	stream.indirect.gather [hbm4b:s5+s21], $0x80, s8, s21, $0xb8;
	[tilespmem:$0x1D000] =	vst v63  }
0x379: {  	_ =	swait.ge [sflag:s29], $0x4000  }
0x37a: {  	[sflag:s29] =	ssyncset.done $0x0  }
0x37b: {  	s0 =	simm.s32 $0x680;
	[sflag:s29] =	ssyncadd.s32 $0xFFFFC000  }
0x37c: {  	[spmem:s2] =	stream.indirect.scatter.add.f32 [tilespmem:s22], [sflag:$0x6], $0x80, s0, s21, $0xb8;
	[tilespmem:$0x1D000] =	vst v63  }
0x37d: {  	_ =	swait.ge [sflag:s31], $0x4000  }
0x37e: {  	[sflag:s31] =	ssyncset.done $0x0  }
0x37f: {  	s0 =	simm.s32 $0x380;
	[sflag:s31] =	ssyncadd.s32 $0xFFFFC000  }
0x380: {  	[tilespmem:s22], [sflag:$0x4] =	stream.indirect.gather [hbm4b:s5+s21], $0x80, s0, s21, $0xb8;
	[tilespmem:$0x1D000] =	vst v63  }
0x381: {  	_ =	swait.ge [sflag:s23], $0x4000  }
0x382: {  	[sflag:s23] =	ssyncset.done $0x0  }
0x383: {  	s0 =	simm.s32 $0x700;
	[sflag:s23] =	ssyncadd.s32 $0xFFFFC000  }
0x384: {  	[spmem:s2] =	stream.indirect.scatter.add.f32 [tilespmem:s17], [sflag:$0x5], $0x80, s0, s21, $0xb8;
	[tilespmem:$0x1D000] =	vst v63  }
0x385: {  	_ =	swait.ge [sflag:s26], $0x4000  }
0x386: {  	[sflag:s26] =	ssyncset.done $0x0  }
0x387: {  	[sflag:s26] =	ssyncadd.s32 $0xFFFFC000  }
0x388: {  	[tilespmem:s17], [sflag:$0x3] =	stream.indirect.gather [hbm4b:s5+s21], $0x80, s24, s21, $0xb8;
	[tilespmem:$0x1D000] =	vst v63  }
0x389: {  	_ =	swait.ge [sflag:s29], $0x4000  }
0x38a: {  	[sflag:s29] =	ssyncset.done $0x0  }
0x38b: {  	s0 =	simm.s32 $0x780;
	[sflag:s29] =	ssyncadd.s32 $0xFFFFC000  }
0x38c: {  	[spmem:s2] =	stream.indirect.scatter.add.f32 [tilespmem:s22], [sflag:$0x6], $0x80, s0, s21, $0xb8;
	[tilespmem:$0x1D000] =	vst v63  }
0x38d: {  	_ =	swait.ge [sflag:s31], $0x4000  }
0x38e: {  	[sflag:s31] =	ssyncset.done $0x0  }
0x38f: {  	s0 =	simm.s32 $0x880;
	[sflag:s31] =	ssyncadd.s32 $0xFFFFC000  }
0x390: {  	[tilespmem:s22], [sflag:$0x4] =	stream.indirect.gather [hbm4b:s5+s21], $0x80, s0, s21, $0xb8;
	[tilespmem:$0x1D000] =	vst v63  }
0x391: {  	_ =	swait.ge [sflag:s23], $0x4000  }
0x392: {  	p2 =	seq.s32 s20, $0x900;
	[sflag:s23] =	ssyncset.done $0x0  }
0x393: {  	s28 =	simm.s32 @!p2 $0x0;
	s0 =	sadd.s32 @!p2 s20, s13;
	[sflag:s23] =	ssyncadd.s32 $0xFFFFC000  }
0x394: {  	[spmem:s2] =	stream.indirect.scatter.add.f32 [tilespmem:s17], [sflag:$0x5], $0x80, s25, s21, $0xb8;
	[tilespmem:$0x1D000] =	vst v63  }
0x395: {  	s30 =	simm.s32 @!p2 $0x400;
	s20 =	sadd.s32 @!p2 s20, s14;
	s0 =	sadd.s32 @!p2 $0x100, s0  }
0x396: {  	[tilespmem:s28], [sflag:$0x1] =	stream.linear.gather @!p2 [hbm4b:s0+s28], $0x400, $0x38;
	[tilespmem:$0x1D000] =	vst v63  }
0x397: {  	s0 =	sadd.s32 @!p2 $0x100, s20;
	s20 =	smov.u32 s19  }
0x398: {  	[tilespmem:s30], [sflag:$0x1] =	stream.linear.gather @!p2 [hbm4b:s0+s28], $0x400, $0x38;
	[tilespmem:$0x1D000] =	vst v63  }
0x399: {  	s30 =	simm.s32 $0x400  }
0x39a: {  	_ =	swait.ge [sflag:s26], $0x4000  }
0x39b: {  	[sflag:s26] =	ssyncset.done $0x0  }
0x39c: {  	s0 =	simm.s32 $0x900;
	[sflag:s26] =	ssyncadd.s32 $0xFFFFC000  }
0x39d: {  	[tilespmem:s17], [sflag:$0x3] =	stream.indirect.gather [hbm4b:s5+s21], $0x80, s0, s21, $0xb8;
	[tilespmem:$0x1D000] =	vst v63  }
0x39e: {  	_ =	swait.ge [sflag:s29], $0x4000  }
0x39f: {  	[sflag:s29] =	ssyncset.done $0x0  }
0x3a0: {  	s0 =	simm.s32 $0xC80;
	[sflag:s29] =	ssyncadd.s32 $0xFFFFC000  }
0x3a1: {  	[spmem:s2] =	stream.indirect.scatter.add.f32 [tilespmem:s22], [sflag:$0x6], $0x80, s0, s21, $0xb8;
	[tilespmem:$0x1D000] =	vst v63  }
0x3a2: {  	_ =	swait.ge [sflag:s31], $0x4000  }
0x3a3: {  	[sflag:s31] =	ssyncset.done $0x0  }
0x3a4: {  	s0 =	simm.s32 $0x980;
	[sflag:s31] =	ssyncadd.s32 $0xFFFFC000  }
0x3a5: {  	[tilespmem:s22], [sflag:$0x4] =	stream.indirect.gather [hbm4b:s5+s21], $0x80, s0, s21, $0xb8;
	[tilespmem:$0x1D000] =	vst v63  }
0x3a6: {  	_ =	swait.ge [sflag:s23], $0x4000  }
0x3a7: {  	[sflag:s23] =	ssyncset.done $0x0  }
0x3a8: {  	s19 =	simm.s32 $0xD00;
	s0 =	simm.s32 @!p2 $0x1;
	[sflag:s23] =	ssyncadd.s32 $0xFFFFC000  }
0x3a9: {  	[spmem:s2] =	stream.indirect.scatter.add.f32 [tilespmem:s17], [sflag:$0x5], $0x80, s19, s21, $0xb8;
	[tilespmem:$0x1D000] =	vst v63  }
0x3aa: {  	_ =	swait.ge @!p2 [sflag:s0], $0x400  }
0x3ab: {  	[sflag:s0] =	ssyncset.done @!p2 $0x0  }
0x3ac: {  	[sflag:s0] =	ssyncadd.s32 @!p2 $0xFFFFFC00  }
0x3ad: {  	_ =	swait.ge @!p2 [sflag:s0], $0x400  }
0x3ae: {  	[sflag:s0] =	ssyncset.done @!p2 $0x0  }
0x3af: {  	[sflag:s0] =	ssyncadd.s32 @!p2 $0xFFFFFC00  }
0x3b0: {  	_ =	swait.ge [sflag:s26], $0x4000  }
0x3b1: {  	[sflag:s26] =	ssyncset.done $0x0  }
0x3b2: {  	s0 =	simm.s32 $0xA00;
	[sflag:s26] =	ssyncadd.s32 $0xFFFFC000  }
0x3b3: {  	[tilespmem:s17], [sflag:$0x3] =	stream.indirect.gather [hbm4b:s5+s21], $0x80, s0, s21, $0xb8;
	[tilespmem:$0x1D000] =	vst v63  }
0x3b4: {  	_ =	swait.ge [sflag:s29], $0x4000  }
0x3b5: {  	[sflag:s29] =	ssyncset.done $0x0  }
0x3b6: {  	s0 =	simm.s32 $0xD80;
	[sflag:s29] =	ssyncadd.s32 $0xFFFFC000  }
0x3b7: {  	[spmem:s2] =	stream.indirect.scatter.add.f32 [tilespmem:s22], [sflag:$0x6], $0x80, s0, s21, $0xb8;
	[tilespmem:$0x1D000] =	vst v63  }
0x3b8: {  	_ =	swait.ge [sflag:s31], $0x4000  }
0x3b9: {  	[sflag:s31] =	ssyncset.done $0x0  }
0x3ba: {  	s0 =	simm.s32 $0xA80;
	[sflag:s31] =	ssyncadd.s32 $0xFFFFC000  }
0x3bb: {  	[tilespmem:s22], [sflag:$0x4] =	stream.indirect.gather [hbm4b:s5+s21], $0x80, s0, s21, $0xb8;
	[tilespmem:$0x1D000] =	vst v63  }
0x3bc: {  	_ =	swait.ge [sflag:s23], $0x4000  }
0x3bd: {  	[sflag:s23] =	ssyncset.done $0x0  }
0x3be: {  	s0 =	simm.s32 $0xE00;
	[sflag:s23] =	ssyncadd.s32 $0xFFFFC000  }
0x3bf: {  	[spmem:s2] =	stream.indirect.scatter.add.f32 [tilespmem:s17], [sflag:$0x5], $0x80, s0, s21, $0xb8;
	[tilespmem:$0x1D000] =	vst v63  }
0x3c0: {  	_ =	swait.ge [sflag:s26], $0x4000  }
0x3c1: {  	[sflag:s26] =	ssyncset.done $0x0  }
0x3c2: {  	s0 =	simm.s32 $0xB00;
	[sflag:s26] =	ssyncadd.s32 $0xFFFFC000  }
0x3c3: {  	[tilespmem:s17], [sflag:$0x3] =	stream.indirect.gather [hbm4b:s5+s21], $0x80, s0, s21, $0xb8;
	[tilespmem:$0x1D000] =	vst v63  }
0x3c4: {  	_ =	swait.ge [sflag:s29], $0x4000  }
0x3c5: {  	[sflag:s29] =	ssyncset.done $0x0  }
0x3c6: {  	s0 =	simm.s32 $0xE80;
	[sflag:s29] =	ssyncadd.s32 $0xFFFFC000  }
0x3c7: {  	[spmem:s2] =	stream.indirect.scatter.add.f32 [tilespmem:s22], [sflag:$0x6], $0x80, s0, s21, $0xb8;
	[tilespmem:$0x1D000] =	vst v63  }
0x3c8: {  	_ =	swait.ge [sflag:s31], $0x4000  }
0x3c9: {  	[sflag:s31] =	ssyncset.done $0x0  }
0x3ca: {  	s0 =	simm.s32 $0xB80;
	[sflag:s31] =	ssyncadd.s32 $0xFFFFC000  }
0x3cb: {  	[tilespmem:s22], [sflag:$0x4] =	stream.indirect.gather [hbm4b:s5+s21], $0x80, s0, s21, $0xb8;
	[tilespmem:$0x1D000] =	vst v63  }
0x3cc: {  	_ =	swait.ge [sflag:s23], $0x4000  }
0x3cd: {  	[sflag:s23] =	ssyncset.done $0x0  }
0x3ce: {  	s0 =	simm.s32 $0xF00;
	[sflag:s23] =	ssyncadd.s32 $0xFFFFC000  }
0x3cf: {  	[spmem:s2] =	stream.indirect.scatter.add.f32 [tilespmem:s17], [sflag:$0x5], $0x80, s0, s21, $0xb8;
	[tilespmem:$0x1D000] =	vst v63  }
.Ltmp6:
0x3d0: {  	_ =	swait.ge [sflag:s26], $0x4000;
	(pc) =	sbr.rel @p1 .LBB2_8-.Ltmp6, $4  }
0x3d1: {  	s19 =	simm.s32 @!p2 $0x1000;
	s0 =	simm.s32 @!p2 $0x80;
	[sflag:s26] =	ssyncset.done $0x0  }
0x3d2: {  	[sflag:s26] =	ssyncadd.s32 $0xFFFFC000  }
0x3d3: {  	[tilespmem:s19], [sflag:$0x3] =	stream.indirect.gather @!p2 [hbm4b:s5+s0], $0x80, s28, s0, $0xb8;
	[tilespmem:$0x1D000] =	vst v63  }
0x3d4: {  	p2 =	seq.s32 s20, $0x0;
	_ =	swait.ge [sflag:s29], $0x4000  }
.Ltmp7:
0x3d5: {  	_ = 	snop;
	(pc) =	sbr.rel .LBB2_9-.Ltmp7, $1  }
0x3d6: {  	_ =	sdelay $0x3  }
.LBB2_11:
0x3d7: {  	_ =	sfence.sel $0x180000  }
0x3d8: {  	[bflag:$0x0] =	sbarrier.arrive $0xFFFF  }
0x3d9: {  	_ =	strace $0x90000047  }
0x3da: {  	s0 =	stileid.u32;
	[bflag:$0x2] =	sbarrier.arrive $0xFFFF  }
0x3db: {  	p0 =	sne.s32 s0, $0x0;
	s0 =	rddreg [dreg:$0x3]  }
0x3dc: {  	s0 =	sadd.s32 @!p0 $0x100000, s0  }
0x3dd: {  	[sflag:s0] =	ssyncadd.tile.s32 @!p0 $0x1;
	_ =	shalt  }
.Lfunc_end2:
_tile_overlayer_lowered:
.L_overlay_start_2:
0x3de: {  	(tag) =	ssettag $0x2  }
0x3df: {  	s0 =	rddreg [dreg:$0x0];
	s2 =	stileid.u32  }
0x3e0: {  	s1 =	rddreg [dreg:$0x1];
	p0 =	sne.s32 s2, $0x0  }
0x3e1: {  	s3 =	rddreg [dreg:$0x2];
	[bflag:$0x3] =	sbarrier.arrive $0xFFFF;
	s2 =	simm.s32 @!p0 $0x1C07  }
0x3e2: {  	[timem:s3], [sflag:s2] =	dma.local @!p0 [hbm:s0], s1  }
0x3e3: {  	s0 =	simm.s32 @!p0 $0x7  }
0x3e4: {  	_ =	swait.ge @!p0 [sflag:s0], s1  }
0x3e5: {  	s1 =	ssub.s32 @!p0 $0x0, s1;
	[sflag:s0] =	ssyncset.done @!p0 $0x0  }
0x3e6: {  	[sflag:s0] =	ssyncadd.s32 @!p0 s1  }
0x3e7: {  	[bflag:$0x3] =	sbarrier.arrive $0xFFFF  }
0x3e8: {  	_ =	shalt  }

</sc_bundles>
